<compile_context>
chip_gen: v7x
topology: tpu7x:2x2x1
jax: 0.10.2.dev20260603
libtpu: 0.0.44.dev20260713+nightly
codegen_flags: <defaults>
</compile_context>

<pallas_src>
import functools

import jax
import jax.numpy as jnp
from jax import lax
from jax.experimental import pallas as pl
from jax.experimental.pallas import tpu as pltpu
from jax.experimental.pallas import tpu_sc as plsc

N = 10000
NE = 320000
NG = 64
CH = 128
NCHUNK = 2560
NEP = NCHUNK * CH
NPAD = 10112
NC, NS = 2, 16
D = 128
DW = 128
RB = 1000
GRID = N // RB

_f32 = jnp.float32


def _mesh():
    return plsc.VectorSubcoreMesh(core_axis_name="c", subcore_axis_name="s")


def _deg_body(dst3_hbm, zeros_hbm, ones_hbm, out_hbm, ones_v, dstb_v, acc_sh):
    c = lax.axis_index("c")
    s = lax.axis_index("s")
    zrows = NPAD // NS
    base = s * zrows
    npc = NCHUNK // (NC * NS)
    chunk0 = (c * NS + s) * npc

    pltpu.sync_copy(ones_hbm, ones_v)
    pltpu.sync_copy(dst3_hbm.at[pl.ds(chunk0, npc)], dstb_v)
    pltpu.sync_copy(zeros_hbm.at[pl.ds(base, zrows)], acc_sh.at[pl.ds(base, zrows)])
    plsc.subcore_barrier()

    def body(j, _):
        pltpu.sync_copy(ones_v, acc_sh.at[dstb_v.at[j, 0]], add=True)
        return 0
    lax.fori_loop(0, npc, body, 0, unroll=False)

    plsc.subcore_barrier()
    pltpu.sync_copy(acc_sh.at[pl.ds(base, zrows)], out_hbm.at[c, pl.ds(base, zrows)])


def _make_deg():
    npc = NCHUNK // (NC * NS)
    return pl.kernel(
        _deg_body,
        out_type=jax.ShapeDtypeStruct((NC, NPAD, DW), _f32),
        mesh=_mesh(),
        scratch_types=[
            pltpu.VMEM((CH, DW), _f32),
            pltpu.VMEM((npc, 1, CH), jnp.int32),
            pltpu.VMEM_SHARED((NPAD, DW), _f32),
        ],
    )


NBUF = 2
NPC0 = 152
NPC1 = 8


def _agg_body(split_features, sb, src_hbm, dst3_hbm, table_hbm, zeros_hbm,
              out_hbm, srcb_v, dstb_v, rows_v, acc_sh, sems):
    c = lax.axis_index("c")
    s = lax.axis_index("s")
    zrows = NPAD // NS
    base = s * zrows

    if split_features:
        npc = NCHUNK // NS
        chunk0 = s * npc
    else:
        npc = jnp.where(c == 0, NPC0, NPC1)
        chunk0 = jnp.where(c == 0, s * NPC0, NS * NPC0 + s * NPC1)

    pltpu.sync_copy(zeros_hbm.at[pl.ds(base, zrows)], acc_sh.at[pl.ds(base, zrows)])
    plsc.subcore_barrier()

    def fire(j, b):
        pltpu.async_copy(table_hbm.at[srcb_v.at[pl.ds(j * CH, CH)]],
                         rows_v.at[b], sems[b])

    def drain(b):
        pltpu.make_async_copy(table_hbm.at[pl.ds(0, CH)], rows_v.at[b], sems[b]).wait()

    def stage(t, _):
        sc0 = chunk0 + t * sb
        pltpu.sync_copy(src_hbm.at[c, pl.ds(sc0 * CH, sb * CH)], srcb_v)
        pltpu.sync_copy(dst3_hbm.at[pl.ds(sc0, sb)], dstb_v)

        for b in range(NBUF):
            fire(b, b)

        def body(step, _):
            j0 = step * NBUF
            for b in range(NBUF):
                j = j0 + b
                drain(b)
                pltpu.sync_copy(rows_v.at[b], acc_sh.at[dstb_v.at[j, 0]], add=True)
                nxt = j + NBUF

                @pl.when(nxt < sb)
                def _():
                    fire(nxt, b)
            return 0
        lax.fori_loop(0, sb // NBUF, body, 0, unroll=False)
        return 0
    lax.fori_loop(0, npc // sb, stage, 0, unroll=False)

    plsc.subcore_barrier()
    pltpu.sync_copy(acc_sh.at[pl.ds(base, zrows)], out_hbm.at[c, pl.ds(base, zrows)])


def _make_agg(split_features, table_rows):
    sb = 40 if split_features else 4
    return pl.kernel(
        functools.partial(_agg_body, split_features, sb),
        out_type=jax.ShapeDtypeStruct((NC, NPAD, D), _f32),
        mesh=_mesh(),
        scratch_types=[
            pltpu.VMEM((sb * CH,), jnp.int32),
            pltpu.VMEM((sb, 1, CH), jnp.int32),
            pltpu.VMEM((NBUF, CH, D), _f32),
            pltpu.VMEM_SHARED((NPAD, D), _f32),
            [pltpu.SemaphoreType.DMA] * NBUF,
        ],
    )


def _k1_body(x_ref, w_ref, dp_ref, g_ref, dinv_ref):
    dps = dp_ref[0] + dp_ref[1]
    deg = dps[:, 0] + 2.0
    dinv = lax.rsqrt(deg)
    g = jnp.dot(x_ref[...], w_ref[...], preferred_element_type=_f32)
    g_ref[...] = g * dinv[:, None]
    dinv_ref[...] = dinv[:, None]


def _k1(data, W1, degpart):
    return pl.pallas_call(
        _k1_body,
        grid=(GRID,),
        in_specs=[
            pl.BlockSpec((RB, 128), lambda i: (i, 0)),
            pl.BlockSpec((128, 128), lambda i: (0, 0)),
            pl.BlockSpec((NC, RB, DW), lambda i: (0, i, 0)),
        ],
        out_specs=[
            pl.BlockSpec((RB, D), lambda i: (i, 0)),
            pl.BlockSpec((RB, 1), lambda i: (i, 0)),
        ],
        out_shape=[
            jax.ShapeDtypeStruct((N, D), _f32),
            jax.ShapeDtypeStruct((N, 1), _f32),
        ],
    )(data, W1, degpart)


def _k2a_body(p_ref, g_ref, dinv_ref, b_ref, w_ref, out_ref):
    dinv = dinv_ref[...]
    h = dinv * (p_ref[0] + p_ref[1] + 2.0 * g_ref[...]) + b_ref[...]
    h = jnp.maximum(h, 0.0)
    g2 = jnp.dot(h, w_ref[...], preferred_element_type=_f32) * dinv
    out_ref[0] = g2[:, :D]
    out_ref[1] = g2[:, D:]


def _k2a(p1, g1, dinv, b1, W2):
    return pl.pallas_call(
        _k2a_body,
        grid=(GRID,),
        in_specs=[
            pl.BlockSpec((NC, RB, D), lambda i: (0, i, 0)),
            pl.BlockSpec((RB, D), lambda i: (i, 0)),
            pl.BlockSpec((RB, 1), lambda i: (i, 0)),
            pl.BlockSpec((1, 128), lambda i: (0, 0)),
            pl.BlockSpec((128, 256), lambda i: (0, 0)),
        ],
        out_specs=pl.BlockSpec((NC, RB, D), lambda i: (0, i, 0)),
        out_shape=jax.ShapeDtypeStruct((NC, N, D), _f32),
    )(p1, g1, dinv, b1, W2)


def _k2b_body(p_ref, g_ref, dinv_ref, b_ref, w_ref, out_ref):
    dinv = dinv_ref[...]
    aggc = jnp.concatenate([p_ref[0], p_ref[1]], axis=1)
    gc = jnp.concatenate([g_ref[0], g_ref[1]], axis=1)
    h = dinv * (aggc + 2.0 * gc) + b_ref[...]
    h = jnp.maximum(h, 0.0)
    out_ref[...] = jnp.dot(h, w_ref[...], preferred_element_type=_f32) * dinv


def _k2b(p2, g2, dinv, b2, W3):
    return pl.pallas_call(
        _k2b_body,
        grid=(GRID,),
        in_specs=[
            pl.BlockSpec((NC, RB, D), lambda i: (0, i, 0)),
            pl.BlockSpec((NC, RB, D), lambda i: (0, i, 0)),
            pl.BlockSpec((RB, 1), lambda i: (i, 0)),
            pl.BlockSpec((1, 256), lambda i: (0, 0)),
            pl.BlockSpec((256, 128), lambda i: (0, 0)),
        ],
        out_specs=pl.BlockSpec((RB, D), lambda i: (i, 0)),
        out_shape=jax.ShapeDtypeStruct((N, D), _f32),
    )(p2, g2, dinv, b2, W3)


def _k3_body(p_ref, g_ref, dinv_ref, b_ref, batch_ref, out_ref):
    i = pl.program_id(0)
    dinv = dinv_ref[...]
    h3 = dinv * (p_ref[0] + p_ref[1] + 2.0 * g_ref[...]) + b_ref[...]
    bb = batch_ref[...]

    @pl.when(i == 0)
    def _():
        out_ref[...] = jnp.full((NG, D), -jnp.inf, _f32)

    cols = []
    for g in range(NG):
        m = bb == g
        cols.append(jnp.max(jnp.where(m, h3, -jnp.inf), axis=0))
    out_ref[...] = jnp.maximum(out_ref[...], jnp.stack(cols))


def _k3(p3, g3, dinv, b3, batch3):
    return pl.pallas_call(
        _k3_body,
        grid=(GRID,),
        in_specs=[
            pl.BlockSpec((NC, RB, D), lambda i: (0, i, 0)),
            pl.BlockSpec((RB, D), lambda i: (i, 0)),
            pl.BlockSpec((RB, 1), lambda i: (i, 0)),
            pl.BlockSpec((1, 128), lambda i: (0, 0)),
            pl.BlockSpec((RB, 1), lambda i: (i, 0)),
        ],
        out_specs=pl.BlockSpec((NG, D), lambda i: (0, 0)),
        out_shape=jax.ShapeDtypeStruct((NG, D), _f32),
    )(p3, g3, dinv, b3, batch3)


def kernel(data, edge_index, batch, W1, b1, W2, b2, W3, b3):
    src = edge_index[0].astype(jnp.int32)
    dst = edge_index[1].astype(jnp.int32)
    pad = NEP - NE
    src_p = jnp.concatenate([src, jnp.zeros((pad,), jnp.int32)])
    src_eq = jnp.stack([src_p, src_p])
    src_off = jnp.stack([src_p, src_p + N])
    dst3 = jnp.concatenate([dst, jnp.full((pad,), N, jnp.int32)]).reshape(NCHUNK, 1, CH)
    batch3 = batch.astype(jnp.int32).reshape(N, 1)
    zeros_big = jnp.zeros((NPAD, D), _f32)
    zeros_deg = jnp.zeros((NPAD, DW), _f32)

    ones_hot = jnp.zeros((CH, DW), _f32).at[:, 0].set(1.0)
    degpart = _make_deg()(dst3, zeros_deg, ones_hot)[:, :N]
    g1, dinv = _k1(data, W1, degpart)
    p1 = _make_agg(False, N)(src_eq, dst3, g1, zeros_big)[:, :N]
    g2 = _k2a(p1, g1, dinv, b1.reshape(1, -1), W2)
    p2 = _make_agg(True, 2 * N)(src_off, dst3, g2.reshape(2 * N, D), zeros_big)[:, :N]
    g3 = _k2b(p2, g2, dinv, b2.reshape(1, -1), W3)
    p3 = _make_agg(False, N)(src_eq, dst3, g3, zeros_big)[:, :N]
    return _k3(p3, g3, dinv, b3.reshape(1, -1), batch3)

# --- scband reference (transcript-rebuilt; emitter-appended) ---
"""Pipeline reference for scband-encoder-3934190043186 (READ-ONLY COPY).

The authoritative reference and input builder live on the scoring server;
editing this copy changes nothing except your own understanding.
"""

import jax, jax.numpy as jnp
import numpy as np

N_NODES = 10000
N_EDGES = 320000
D_IN = 128
HID = 128
N_GRAPHS = 64


def gcn_conv(x, edge_index, W, b, num_nodes):
    # GCNConv with improved=True: self-loops get weight 2.0
    src = edge_index[0]
    dst = edge_index[1]
    loop = jnp.arange(num_nodes)
    src2 = jnp.concatenate([src, loop])
    dst2 = jnp.concatenate([dst, loop])
    ew = jnp.concatenate([jnp.ones((src.shape[0],), dtype=x.dtype),
                          2.0 * jnp.ones((num_nodes,), dtype=x.dtype)])
    deg = jax.ops.segment_sum(ew, dst2, num_segments=num_nodes)
    dinv = jnp.where(deg > 0, deg ** -0.5, 0.0)
    norm = dinv[src2] * ew * dinv[dst2]
    h = x @ W
    msg = norm[:, None] * jnp.take(h, src2, axis=0)
    out = jax.ops.segment_sum(msg, dst2, num_segments=num_nodes)
    return out + b


def setup_inputs(seed: int = 0) -> dict:
    key = jax.random.key(seed)
    ks = jax.random.split(key, 10)
    data = jax.random.normal(ks[0], (N_NODES, D_IN), dtype=jnp.float32)
    edge_index = jax.random.randint(ks[1], (2, N_EDGES), 0, N_NODES, dtype=jnp.int64)
    batch = jnp.sort(jax.random.randint(ks[2], (N_NODES,), 0, N_GRAPHS, dtype=jnp.int64))
    W1 = jax.random.normal(ks[3], (D_IN, HID), dtype=jnp.float32) * 0.05
    b1 = jnp.zeros((HID,), dtype=jnp.float32)
    W2 = jax.random.normal(ks[4], (HID, HID * 2), dtype=jnp.float32) * 0.05
    b2 = jnp.zeros((HID * 2,), dtype=jnp.float32)
    W3 = jax.random.normal(ks[5], (HID * 2, HID), dtype=jnp.float32) * 0.05
    b3 = jnp.zeros((HID,), dtype=jnp.float32)
    return {"data": data, "edge_index": edge_index, "batch": batch,
            "W1": W1, "b1": b1, "W2": W2, "b2": b2, "W3": W3, "b3": b3}


def reference(data, edge_index, batch, W1, b1, W2, b2, W3, b3):
    h = jax.nn.relu(gcn_conv(data, edge_index, W1, b1, N_NODES))
    h = jax.nn.relu(gcn_conv(h, edge_index, W2, b2, N_NODES))
    h = gcn_conv(h, edge_index, W3, b3, N_NODES)
    pooled = jax.ops.segment_max(h, batch, num_segments=N_GRAPHS)
    return pooled

if __name__ == "__main__":
    import jax
    _d = setup_inputs()
    print(jax.jit(kernel)(*tuple(_d.values())))

</pallas_src>

<mosaic_0001>
#map = affine_map<(d0, d1) -> (0, 0, 0)>
#map1 = affine_map<(d0, d1) -> (0, 0)>
module attributes {stable_mosaic.version = 14 : i64} {
  func.func @_deg_body(%arg0: i32, %arg1: i32, %arg2: memref<2560x1x128xi32, #tpu.memory_space<hbm>>, %arg3: memref<10112x128xf32, #tpu.memory_space<hbm>>, %arg4: memref<128x128xf32, #tpu.memory_space<hbm>>, %arg5: memref<2x10112x128xf32, #tpu.memory_space<hbm>>, %arg6: memref<128x128xf32, #tpu.memory_space<vmem>>, %arg7: memref<80x1x128xi32, #tpu.memory_space<vmem>>, %arg8: memref<10112x128xf32, #tpu.memory_space<vmem_shared>>) attributes {dimension_semantics = [#tpu.dimension_semantics<core_parallel>, #tpu.dimension_semantics<subcore_parallel>], iteration_bounds = array<i64: 2, 16>, scalar_prefetch = 0 : i64, scratch_operands = 3 : i64, tpu.core_type = #tpu.core_type<sc_vector_subcore>, window_params = [{transform_indices = #map}, {transform_indices = #map1}, {transform_indices = #map1}, {transform_indices = #map}]} {
    %mul3A = arith.constant 632 : i32
    %mul3A_0 = arith.muli %arg1, %mul3A : i32
    %mul3A_1 = arith.constant 16 : i32
    %mul3A_2 = arith.muli %arg0, %mul3A_1 : i32
    %add3A = arith.addi %mul3A_2, %arg1 : i32
    %mul3A_3 = arith.constant 80 : i32
    %mul3A_4 = arith.muli %add3A, %mul3A_3 : i32
    "tpu.region"() ({
      %run_scoped3A = tpu.sem_alloc : memref<!tpu.dma_semaphore, #tpu.memory_space<semaphore_mem>>
      tpu.enqueue_dma source(%arg4 : memref<128x128xf32, #tpu.memory_space<hbm>>) target(%arg6 : memref<128x128xf32, #tpu.memory_space<vmem>>) target_semaphore(%run_scoped3A : memref<!tpu.dma_semaphore, #tpu.memory_space<semaphore_mem>>)
      tpu.wait_dma2 semaphore(%run_scoped3A : memref<!tpu.dma_semaphore, #tpu.memory_space<semaphore_mem>>) src(%arg4 : memref<128x128xf32, #tpu.memory_space<hbm>>) dst(%arg6 : memref<128x128xf32, #tpu.memory_space<vmem>>)
      tpu.yield
    }) : () -> ()
    "tpu.region"() ({
      %run_scoped3A = tpu.sem_alloc : memref<!tpu.dma_semaphore, #tpu.memory_space<semaphore_mem>>
      %dma_start3A = arith.constant 0 : i32
      %dma_start3A_12 = arith.constant 0 : i32
      %dma_start3A_13 = tpu.memref_slice %arg2[%mul3A_4, %dma_start3A, %dma_start3A_12] : memref<2560x1x128xi32, #tpu.memory_space<hbm>> -> memref<80x1x128xi32, #tpu.memory_space<hbm>>
      %dma_start3A_14 = arith.constant 0 : i32
      %dma_start3A_15 = arith.constant 0 : i32
      %dma_start3A_16 = tpu.memref_slice %arg2[%mul3A_4, %dma_start3A_14, %dma_start3A_15] : memref<2560x1x128xi32, #tpu.memory_space<hbm>> -> memref<80x1x128xi32, #tpu.memory_space<hbm>>
      tpu.enqueue_dma source(%dma_start3A_16 : memref<80x1x128xi32, #tpu.memory_space<hbm>>) target(%arg7 : memref<80x1x128xi32, #tpu.memory_space<vmem>>) target_semaphore(%run_scoped3A : memref<!tpu.dma_semaphore, #tpu.memory_space<semaphore_mem>>)
      %dma_wait3A = arith.constant 0 : i32
      %dma_wait3A_17 = arith.constant 0 : i32
      %dma_wait3A_18 = tpu.memref_slice %arg2[%mul3A_4, %dma_wait3A, %dma_wait3A_17] : memref<2560x1x128xi32, #tpu.memory_space<hbm>> -> memref<80x1x128xi32, #tpu.memory_space<hbm>>
      %dma_wait3A_19 = arith.constant 0 : i32
      %dma_wait3A_20 = arith.constant 0 : i32
      %dma_wait3A_21 = tpu.memref_slice %arg2[%mul3A_4, %dma_wait3A_19, %dma_wait3A_20] : memref<2560x1x128xi32, #tpu.memory_space<hbm>> -> memref<80x1x128xi32, #tpu.memory_space<hbm>>
      tpu.wait_dma2 semaphore(%run_scoped3A : memref<!tpu.dma_semaphore, #tpu.memory_space<semaphore_mem>>) src(%dma_wait3A_21 : memref<80x1x128xi32, #tpu.memory_space<hbm>>) dst(%arg7 : memref<80x1x128xi32, #tpu.memory_space<vmem>>)
      tpu.yield
    }) : () -> ()
    "tpu.region"() ({
      %run_scoped3A = tpu.sem_alloc : memref<!tpu.dma_semaphore, #tpu.memory_space<semaphore_mem>>
      %dma_start3A = arith.constant 0 : i32
      %dma_start3A_12 = tpu.memref_slice %arg8[%mul3A_0, %dma_start3A] : memref<10112x128xf32, #tpu.memory_space<vmem_shared>> -> memref<632x128xf32, #tpu.memory_space<vmem_shared>>
      %dma_start3A_13 = arith.constant 0 : i32
      %dma_start3A_14 = tpu.memref_slice %arg3[%mul3A_0, %dma_start3A_13] : memref<10112x128xf32, #tpu.memory_space<hbm>> -> memref<632x128xf32, #tpu.memory_space<hbm>>
      tpu.enqueue_dma source(%dma_start3A_14 : memref<632x128xf32, #tpu.memory_space<hbm>>) target(%dma_start3A_12 : memref<632x128xf32, #tpu.memory_space<vmem_shared>>) target_semaphore(%run_scoped3A : memref<!tpu.dma_semaphore, #tpu.memory_space<semaphore_mem>>)
      %dma_wait3A = arith.constant 0 : i32
      %dma_wait3A_15 = tpu.memref_slice %arg8[%mul3A_0, %dma_wait3A] : memref<10112x128xf32, #tpu.memory_space<vmem_shared>> -> memref<632x128xf32, #tpu.memory_space<vmem_shared>>
      %dma_wait3A_16 = arith.constant 0 : i32
      %dma_wait3A_17 = tpu.memref_slice %arg3[%mul3A_0, %dma_wait3A_16] : memref<10112x128xf32, #tpu.memory_space<hbm>> -> memref<632x128xf32, #tpu.memory_space<hbm>>
      tpu.wait_dma2 semaphore(%run_scoped3A : memref<!tpu.dma_semaphore, #tpu.memory_space<semaphore_mem>>) src(%dma_wait3A_17 : memref<632x128xf32, #tpu.memory_space<hbm>>) dst(%dma_wait3A_15 : memref<632x128xf32, #tpu.memory_space<vmem_shared>>)
      tpu.yield
    }) : () -> ()
    %barrier3A = arith.constant 0 : index
    tpu.barrier barrier_id(%barrier3A)
    %scan3A = arith.constant 0 : i32
    %scan3A_5 = arith.constant 0 : i32
    %scan3A_6 = arith.constant 80 : i32
    %scan3A_7 = arith.addi %scan3A_5, %scan3A_6 : i32
    %scan3A_8 = arith.constant 1 : i32
    %scan3A_9 = scf.for %scan3A_12 = %scan3A_5 to %scan3A_7 step %scan3A_8 iter_args(%scan3A_13 = %scan3A) -> (i32)  : i32 {
      %run_scoped3A = arith.constant 0 : i32
      "tpu.region"() ({
        %run_scoped3A_15 = tpu.sem_alloc : memref<!tpu.dma_semaphore, #tpu.memory_space<semaphore_mem>>
        %dma_start3A = arith.constant 0 : i32
        %dma_start3A_16 = tpu.memref_slice %arg7[%scan3A_12, %run_scoped3A, %dma_start3A] : memref<80x1x128xi32, #tpu.memory_space<vmem>> -> memref<1x1x128xi32, #tpu.memory_space<vmem>>
        %dma_start3A_17 = tpu.memref_squeeze %dma_start3A_16 : memref<1x1x128xi32, #tpu.memory_space<vmem>> -> memref<128xi32, #tpu.memory_space<vmem>>
        %dma_start3A_18 = arith.constant 0 : i32
        %dma_start3A_19 = arith.constant 0 : i32
        %dma_start3A_20 = tpu.memref_slice %arg8[%dma_start3A_18, %dma_start3A_19] : memref<10112x128xf32, #tpu.memory_space<vmem_shared>> -> memref<10112x128xf32, #tpu.memory_space<vmem_shared>>
        tpu.enqueue_indirect_dma source(%arg6 : memref<128x128xf32, #tpu.memory_space<vmem>>) target(%dma_start3A_20 : memref<10112x128xf32, #tpu.memory_space<vmem_shared>>) offsets(%dma_start3A_17 : memref<128xi32, #tpu.memory_space<vmem>>) semaphore(%run_scoped3A_15 : memref<!tpu.dma_semaphore, #tpu.memory_space<semaphore_mem>>) {add = true}
        %dma_wait3A = arith.constant 0 : i32
        %dma_wait3A_21 = tpu.memref_slice %arg7[%scan3A_12, %run_scoped3A, %dma_wait3A] : memref<80x1x128xi32, #tpu.memory_space<vmem>> -> memref<1x1x128xi32, #tpu.memory_space<vmem>>
        %dma_wait3A_22 = tpu.memref_squeeze %dma_wait3A_21 : memref<1x1x128xi32, #tpu.memory_space<vmem>> -> memref<128xi32, #tpu.memory_space<vmem>>
        %dma_wait3A_23 = arith.constant 0 : i32
        %dma_wait3A_24 = arith.constant 0 : i32
        %dma_wait3A_25 = tpu.memref_slice %arg8[%dma_wait3A_23, %dma_wait3A_24] : memref<10112x128xf32, #tpu.memory_space<vmem_shared>> -> memref<10112x128xf32, #tpu.memory_space<vmem_shared>>
        tpu.wait_indirect_dma semaphore(%run_scoped3A_15 : memref<!tpu.dma_semaphore, #tpu.memory_space<semaphore_mem>>) src(%arg6 : memref<128x128xf32, #tpu.memory_space<vmem>>) dst(%dma_wait3A_25 : memref<10112x128xf32, #tpu.memory_space<vmem_shared>>)
        tpu.yield
      }) : () -> ()
      %scan3A_14 = arith.constant 0 : i32
      scf.yield %scan3A_14 : i32
    }
    %scan3A_10 = arith.constant 80 : i32
    %barrier3A_11 = arith.constant 0 : index
    tpu.barrier barrier_id(%barrier3A_11)
    "tpu.region"() ({
      %run_scoped3A = tpu.sem_alloc : memref<!tpu.dma_semaphore, #tpu.memory_space<semaphore_mem>>
      %dma_start3A = arith.constant 0 : i32
      %dma_start3A_12 = tpu.memref_slice %arg5[%arg0, %mul3A_0, %dma_start3A] : memref<2x10112x128xf32, #tpu.memory_space<hbm>> -> memref<1x632x128xf32, #tpu.memory_space<hbm>>
      %dma_start3A_13 = tpu.memref_squeeze %dma_start3A_12 : memref<1x632x128xf32, #tpu.memory_space<hbm>> -> memref<632x128xf32, #tpu.memory_space<hbm>>
      %dma_start3A_14 = arith.constant 0 : i32
      %dma_start3A_15 = tpu.memref_slice %arg8[%mul3A_0, %dma_start3A_14] : memref<10112x128xf32, #tpu.memory_space<vmem_shared>> -> memref<632x128xf32, #tpu.memory_space<vmem_shared>>
      tpu.enqueue_dma source(%dma_start3A_15 : memref<632x128xf32, #tpu.memory_space<vmem_shared>>) target(%dma_start3A_13 : memref<632x128xf32, #tpu.memory_space<hbm>>) target_semaphore(%run_scoped3A : memref<!tpu.dma_semaphore, #tpu.memory_space<semaphore_mem>>)
      %dma_wait3A = arith.constant 0 : i32
      %dma_wait3A_16 = tpu.memref_slice %arg5[%arg0, %mul3A_0, %dma_wait3A] : memref<2x10112x128xf32, #tpu.memory_space<hbm>> -> memref<1x632x128xf32, #tpu.memory_space<hbm>>
      %dma_wait3A_17 = tpu.memref_squeeze %dma_wait3A_16 : memref<1x632x128xf32, #tpu.memory_space<hbm>> -> memref<632x128xf32, #tpu.memory_space<hbm>>
      %dma_wait3A_18 = arith.constant 0 : i32
      %dma_wait3A_19 = tpu.memref_slice %arg8[%mul3A_0, %dma_wait3A_18] : memref<10112x128xf32, #tpu.memory_space<vmem_shared>> -> memref<632x128xf32, #tpu.memory_space<vmem_shared>>
      tpu.wait_dma2 semaphore(%run_scoped3A : memref<!tpu.dma_semaphore, #tpu.memory_space<semaphore_mem>>) src(%dma_wait3A_19 : memref<632x128xf32, #tpu.memory_space<vmem_shared>>) dst(%dma_wait3A_17 : memref<632x128xf32, #tpu.memory_space<hbm>>)
      tpu.yield
    }) : () -> ()
    return
  }
}

#map = affine_map<(d0, d1) -> (0, 0)>
#map1 = affine_map<(d0, d1) -> (0, 0, 0)>
module attributes {stable_mosaic.version = 14 : i64} {
  func.func @_agg_body(%arg0: i32, %arg1: i32, %arg2: memref<2x327680xi32, #tpu.memory_space<hbm>>, %arg3: memref<2560x1x128xi32, #tpu.memory_space<hbm>>, %arg4: memref<10000x128xf32, #tpu.memory_space<hbm>>, %arg5: memref<10112x128xf32, #tpu.memory_space<hbm>>, %arg6: memref<2x10112x128xf32, #tpu.memory_space<hbm>>, %arg7: memref<512xi32, #tpu.memory_space<vmem>>, %arg8: memref<4x1x128xi32, #tpu.memory_space<vmem>>, %arg9: memref<2x128x128xf32, #tpu.memory_space<vmem>>, %arg10: memref<10112x128xf32, #tpu.memory_space<vmem_shared>>, %arg11: memref<!tpu.dma_semaphore, #tpu.memory_space<semaphore_mem>>, %arg12: memref<!tpu.dma_semaphore, #tpu.memory_space<semaphore_mem>>) attributes {dimension_semantics = [#tpu.dimension_semantics<core_parallel>, #tpu.dimension_semantics<subcore_parallel>], iteration_bounds = array<i64: 2, 16>, scalar_prefetch = 0 : i64, scratch_operands = 6 : i64, tpu.core_type = #tpu.core_type<sc_vector_subcore>, window_params = [{transform_indices = #map}, {transform_indices = #map1}, {transform_indices = #map}, {transform_indices = #map}, {transform_indices = #map1}]} {
    %mul3A = arith.constant 632 : i32
    %mul3A_0 = arith.muli %arg1, %mul3A : i32
    %eq3A = arith.constant 0 : i32
    %eq3A_1 = arith.cmpi eq, %arg0, %eq3A : i32
    %jit3A = arith.constant 152 : i32
    %jit3A_2 = arith.constant 8 : i32
    %select_n3A = arith.select %eq3A_1, %jit3A, %jit3A_2 : i32
    %eq3A_3 = arith.constant 0 : i32
    %eq3A_4 = arith.cmpi eq, %arg0, %eq3A_3 : i32
    %mul3A_5 = arith.constant 152 : i32
    %mul3A_6 = arith.muli %arg1, %mul3A_5 : i32
    %mul3A_7 = arith.constant 8 : i32
    %mul3A_8 = arith.muli %arg1, %mul3A_7 : i32
    %add3A = arith.constant 2432 : i32
    %add3A_9 = arith.addi %add3A, %mul3A_8 : i32
    %select_n3A_10 = arith.select %eq3A_4, %mul3A_6, %add3A_9 : i32
    "tpu.region"() ({
      %run_scoped3A = tpu.sem_alloc : memref<!tpu.dma_semaphore, #tpu.memory_space<semaphore_mem>>
      %dma_start3A = arith.constant 0 : i32
      %dma_start3A_41 = tpu.memref_slice %arg10[%mul3A_0, %dma_start3A] : memref<10112x128xf32, #tpu.memory_space<vmem_shared>> -> memref<632x128xf32, #tpu.memory_space<vmem_shared>>
      %dma_start3A_42 = arith.constant 0 : i32
      %dma_start3A_43 = tpu.memref_slice %arg5[%mul3A_0, %dma_start3A_42] : memref<10112x128xf32, #tpu.memory_space<hbm>> -> memref<632x128xf32, #tpu.memory_space<hbm>>
      tpu.enqueue_dma source(%dma_start3A_43 : memref<632x128xf32, #tpu.memory_space<hbm>>) target(%dma_start3A_41 : memref<632x128xf32, #tpu.memory_space<vmem_shared>>) target_semaphore(%run_scoped3A : memref<!tpu.dma_semaphore, #tpu.memory_space<semaphore_mem>>)
      %dma_wait3A = arith.constant 0 : i32
      %dma_wait3A_44 = tpu.memref_slice %arg10[%mul3A_0, %dma_wait3A] : memref<10112x128xf32, #tpu.memory_space<vmem_shared>> -> memref<632x128xf32, #tpu.memory_space<vmem_shared>>
      %dma_wait3A_45 = arith.constant 0 : i32
      %dma_wait3A_46 = tpu.memref_slice %arg5[%mul3A_0, %dma_wait3A_45] : memref<10112x128xf32, #tpu.memory_space<hbm>> -> memref<632x128xf32, #tpu.memory_space<hbm>>
      tpu.wait_dma2 semaphore(%run_scoped3A : memref<!tpu.dma_semaphore, #tpu.memory_space<semaphore_mem>>) src(%dma_wait3A_46 : memref<632x128xf32, #tpu.memory_space<hbm>>) dst(%dma_wait3A_44 : memref<632x128xf32, #tpu.memory_space<vmem_shared>>)
      tpu.yield
    }) : () -> ()
    %barrier3A = arith.constant 0 : index
    tpu.barrier barrier_id(%barrier3A)
    %jit3A_11 = arith.constant 4 : i32
    %div3A = arith.divsi %select_n3A, %jit3A_11 : i32
    %sign3A = arith.constant 0 : i32
    %sign3A_12 = arith.cmpi sgt, %select_n3A, %sign3A : i32
    %sign3A_13 = arith.extui %sign3A_12 : i1 to i32
    %sign3A_14 = arith.constant 0 : i32
    %sign3A_15 = arith.cmpi slt, %select_n3A, %sign3A_14 : i32
    %sign3A_16 = arith.extui %sign3A_15 : i1 to i32
    %sign3A_17 = arith.subi %sign3A_13, %sign3A_16 : i32
    %sign3A_18 = arith.constant 0 : i32
    %sign3A_19 = arith.cmpi sgt, %jit3A_11, %sign3A_18 : i32
    %sign3A_20 = arith.extui %sign3A_19 : i1 to i32
    %sign3A_21 = arith.constant 0 : i32
    %sign3A_22 = arith.cmpi slt, %jit3A_11, %sign3A_21 : i32
    %sign3A_23 = arith.extui %sign3A_22 : i1 to i32
    %sign3A_24 = arith.subi %sign3A_20, %sign3A_23 : i32
    %ne3A = arith.cmpi ne, %sign3A_17, %sign3A_24 : i32
    %rem3A = arith.remsi %select_n3A, %jit3A_11 : i32
    %ne3A_25 = arith.constant 0 : i32
    %ne3A_26 = arith.cmpi ne, %rem3A, %ne3A_25 : i32
    %and3A = arith.andi %ne3A, %ne3A_26 : i1
    %sub3A = arith.constant 1 : i32
    %sub3A_27 = arith.subi %div3A, %sub3A : i32
    %select_n3A_28 = arith.select %and3A, %sub3A_27, %div3A : i32
    %while3A = arith.constant 0 : i32
    %while3A_29 = arith.constant 0 : i32
    %while3A_30 = arith.subi %select_n3A_28, %while3A : i32
    %while3A_31 = arith.addi %while3A, %while3A_30 : i32
    %while3A_32 = arith.constant 1 : i32
    %while3A_33 = arith.divsi %while3A_30, %while3A_32 : i32
    %while3A_34 = arith.muli %while3A_33, %while3A_32 : i32
    %while3A_35 = arith.addi %while3A, %while3A_34 : i32
    %while3A_36 = arith.constant 1 : i32
    %while3A_37 = scf.for %while3A_41 = %while3A to %while3A_35 step %while3A_36 iter_args(%while3A_42 = %while3A_29) -> (i32)  : i32 {
      %mul3A_43 = arith.constant 4 : i32
      %mul3A_44 = arith.muli %while3A_41, %mul3A_43 : i32
      %add3A_45 = arith.addi %select_n3A_10, %mul3A_44 : i32
      %mul3A_46 = arith.constant 128 : i32
      %mul3A_47 = arith.muli %add3A_45, %mul3A_46 : i32
      "tpu.region"() ({
        %run_scoped3A = tpu.sem_alloc : memref<!tpu.dma_semaphore, #tpu.memory_space<semaphore_mem>>
        %dma_start3A_74 = tpu.memref_slice %arg2[%arg0, %mul3A_47] : memref<2x327680xi32, #tpu.memory_space<hbm>> -> memref<1x512xi32, #tpu.memory_space<hbm>>
        %dma_start3A_75 = tpu.memref_squeeze %dma_start3A_74 : memref<1x512xi32, #tpu.memory_space<hbm>> -> memref<512xi32, #tpu.memory_space<hbm>>
        %dma_start3A_76 = tpu.memref_slice %arg2[%arg0, %mul3A_47] : memref<2x327680xi32, #tpu.memory_space<hbm>> -> memref<1x512xi32, #tpu.memory_space<hbm>>
        %dma_start3A_77 = tpu.memref_squeeze %dma_start3A_76 : memref<1x512xi32, #tpu.memory_space<hbm>> -> memref<512xi32, #tpu.memory_space<hbm>>
        tpu.enqueue_dma source(%dma_start3A_77 : memref<512xi32, #tpu.memory_space<hbm>>) target(%arg7 : memref<512xi32, #tpu.memory_space<vmem>>) target_semaphore(%run_scoped3A : memref<!tpu.dma_semaphore, #tpu.memory_space<semaphore_mem>>)
        %dma_wait3A = tpu.memref_slice %arg2[%arg0, %mul3A_47] : memref<2x327680xi32, #tpu.memory_space<hbm>> -> memref<1x512xi32, #tpu.memory_space<hbm>>
        %dma_wait3A_78 = tpu.memref_squeeze %dma_wait3A : memref<1x512xi32, #tpu.memory_space<hbm>> -> memref<512xi32, #tpu.memory_space<hbm>>
        %dma_wait3A_79 = tpu.memref_slice %arg2[%arg0, %mul3A_47] : memref<2x327680xi32, #tpu.memory_space<hbm>> -> memref<1x512xi32, #tpu.memory_space<hbm>>
        %dma_wait3A_80 = tpu.memref_squeeze %dma_wait3A_79 : memref<1x512xi32, #tpu.memory_space<hbm>> -> memref<512xi32, #tpu.memory_space<hbm>>
        tpu.wait_dma2 semaphore(%run_scoped3A : memref<!tpu.dma_semaphore, #tpu.memory_space<semaphore_mem>>) src(%dma_wait3A_80 : memref<512xi32, #tpu.memory_space<hbm>>) dst(%arg7 : memref<512xi32, #tpu.memory_space<vmem>>)
        tpu.yield
      }) : () -> ()
      "tpu.region"() ({
        %run_scoped3A = tpu.sem_alloc : memref<!tpu.dma_semaphore, #tpu.memory_space<semaphore_mem>>
        %dma_start3A_74 = arith.constant 0 : i32
        %dma_start3A_75 = arith.constant 0 : i32
        %dma_start3A_76 = tpu.memref_slice %arg3[%add3A_45, %dma_start3A_74, %dma_start3A_75] : memref<2560x1x128xi32, #tpu.memory_space<hbm>> -> memref<4x1x128xi32, #tpu.memory_space<hbm>>
        %dma_start3A_77 = arith.constant 0 : i32
        %dma_start3A_78 = arith.constant 0 : i32
        %dma_start3A_79 = tpu.memref_slice %arg3[%add3A_45, %dma_start3A_77, %dma_start3A_78] : memref<2560x1x128xi32, #tpu.memory_space<hbm>> -> memref<4x1x128xi32, #tpu.memory_space<hbm>>
        tpu.enqueue_dma source(%dma_start3A_79 : memref<4x1x128xi32, #tpu.memory_space<hbm>>) target(%arg8 : memref<4x1x128xi32, #tpu.memory_space<vmem>>) target_semaphore(%run_scoped3A : memref<!tpu.dma_semaphore, #tpu.memory_space<semaphore_mem>>)
        %dma_wait3A = arith.constant 0 : i32
        %dma_wait3A_80 = arith.constant 0 : i32
        %dma_wait3A_81 = tpu.memref_slice %arg3[%add3A_45, %dma_wait3A, %dma_wait3A_80] : memref<2560x1x128xi32, #tpu.memory_space<hbm>> -> memref<4x1x128xi32, #tpu.memory_space<hbm>>
        %dma_wait3A_82 = arith.constant 0 : i32
        %dma_wait3A_83 = arith.constant 0 : i32
        %dma_wait3A_84 = tpu.memref_slice %arg3[%add3A_45, %dma_wait3A_82, %dma_wait3A_83] : memref<2560x1x128xi32, #tpu.memory_space<hbm>> -> memref<4x1x128xi32, #tpu.memory_space<hbm>>
        tpu.wait_dma2 semaphore(%run_scoped3A : memref<!tpu.dma_semaphore, #tpu.memory_space<semaphore_mem>>) src(%dma_wait3A_84 : memref<4x1x128xi32, #tpu.memory_space<hbm>>) dst(%arg8 : memref<4x1x128xi32, #tpu.memory_space<vmem>>)
        tpu.yield
      }) : () -> ()
      %dma_start3A = arith.constant 0 : i32
      %dma_start3A_48 = arith.constant 0 : i32
      %dma_start3A_49 = arith.constant 0 : i32
      %dma_start3A_50 = tpu.memref_slice %arg9[%dma_start3A, %dma_start3A_48, %dma_start3A_49] : memref<2x128x128xf32, #tpu.memory_space<vmem>> -> memref<1x128x128xf32, #tpu.memory_space<vmem>>
      %dma_start3A_51 = tpu.memref_squeeze %dma_start3A_50 : memref<1x128x128xf32, #tpu.memory_space<vmem>> -> memref<128x128xf32, #tpu.memory_space<vmem>>
      %dma_start3A_52 = arith.constant 0 : i32
      %dma_start3A_53 = tpu.memref_slice %arg7[%dma_start3A_52] : memref<512xi32, #tpu.memory_space<vmem>> -> memref<128xi32, #tpu.memory_space<vmem>>
      %dma_start3A_54 = arith.constant 0 : i32
      %dma_start3A_55 = arith.constant 0 : i32
      %dma_start3A_56 = tpu.memref_slice %arg4[%dma_start3A_54, %dma_start3A_55] : memref<10000x128xf32, #tpu.memory_space<hbm>> -> memref<10000x128xf32, #tpu.memory_space<hbm>>
      tpu.enqueue_indirect_dma source(%dma_start3A_56 : memref<10000x128xf32, #tpu.memory_space<hbm>>) target(%dma_start3A_51 : memref<128x128xf32, #tpu.memory_space<vmem>>) offsets(%dma_start3A_53 : memref<128xi32, #tpu.memory_space<vmem>>) semaphore(%arg11 : memref<!tpu.dma_semaphore, #tpu.memory_space<semaphore_mem>>)
      %dma_start3A_57 = arith.constant 1 : i32
      %dma_start3A_58 = arith.constant 0 : i32
      %dma_start3A_59 = arith.constant 0 : i32
      %dma_start3A_60 = tpu.memref_slice %arg9[%dma_start3A_57, %dma_start3A_58, %dma_start3A_59] : memref<2x128x128xf32, #tpu.memory_space<vmem>> -> memref<1x128x128xf32, #tpu.memory_space<vmem>>
      %dma_start3A_61 = tpu.memref_squeeze %dma_start3A_60 : memref<1x128x128xf32, #tpu.memory_space<vmem>> -> memref<128x128xf32, #tpu.memory_space<vmem>>
      %dma_start3A_62 = arith.constant 128 : i32
      %dma_start3A_63 = tpu.memref_slice %arg7[%dma_start3A_62] : memref<512xi32, #tpu.memory_space<vmem>> -> memref<128xi32, #tpu.memory_space<vmem>>
      %dma_start3A_64 = arith.constant 0 : i32
      %dma_start3A_65 = arith.constant 0 : i32
      %dma_start3A_66 = tpu.memref_slice %arg4[%dma_start3A_64, %dma_start3A_65] : memref<10000x128xf32, #tpu.memory_space<hbm>> -> memref<10000x128xf32, #tpu.memory_space<hbm>>
      tpu.enqueue_indirect_dma source(%dma_start3A_66 : memref<10000x128xf32, #tpu.memory_space<hbm>>) target(%dma_start3A_61 : memref<128x128xf32, #tpu.memory_space<vmem>>) offsets(%dma_start3A_63 : memref<128xi32, #tpu.memory_space<vmem>>) semaphore(%arg12 : memref<!tpu.dma_semaphore, #tpu.memory_space<semaphore_mem>>)
      %scan3A = arith.constant 0 : i32
      %scan3A_67 = arith.constant 0 : i32
      %scan3A_68 = arith.constant 2 : i32
      %scan3A_69 = arith.addi %scan3A_67, %scan3A_68 : i32
      %scan3A_70 = arith.constant 1 : i32
      %scan3A_71 = scf.for %scan3A_74 = %scan3A_67 to %scan3A_69 step %scan3A_70 iter_args(%scan3A_75 = %scan3A) -> (i32)  : i32 {
        %mul3A_76 = arith.constant 2 : i32
        %mul3A_77 = arith.muli %scan3A_74, %mul3A_76 : i32
        %add3A_78 = arith.constant 0 : i32
        %add3A_79 = arith.addi %mul3A_77, %add3A_78 : i32
        %dma_wait3A = arith.constant 0 : i32
        %dma_wait3A_80 = arith.constant 0 : i32
        %dma_wait3A_81 = arith.constant 0 : i32
        %dma_wait3A_82 = tpu.memref_slice %arg9[%dma_wait3A, %dma_wait3A_80, %dma_wait3A_81] : memref<2x128x128xf32, #tpu.memory_space<vmem>> -> memref<1x128x128xf32, #tpu.memory_space<vmem>>
        %dma_wait3A_83 = tpu.memref_squeeze %dma_wait3A_82 : memref<1x128x128xf32, #tpu.memory_space<vmem>> -> memref<128x128xf32, #tpu.memory_space<vmem>>
        %dma_wait3A_84 = arith.constant 0 : i32
        %dma_wait3A_85 = arith.constant 0 : i32
        %dma_wait3A_86 = tpu.memref_slice %arg4[%dma_wait3A_84, %dma_wait3A_85] : memref<10000x128xf32, #tpu.memory_space<hbm>> -> memref<128x128xf32, #tpu.memory_space<hbm>>
        %dma_wait3A_87 = arith.constant 0 : i32
        %dma_wait3A_88 = arith.constant 0 : i32
        %dma_wait3A_89 = tpu.memref_slice %arg9[%dma_wait3A, %dma_wait3A_87, %dma_wait3A_88] : memref<2x128x128xf32, #tpu.memory_space<vmem>> -> memref<1x128x128xf32, #tpu.memory_space<vmem>>
        %dma_wait3A_90 = tpu.memref_squeeze %dma_wait3A_89 : memref<1x128x128xf32, #tpu.memory_space<vmem>> -> memref<128x128xf32, #tpu.memory_space<vmem>>
        %dma_wait3A_91 = arith.constant 0 : i32
        %dma_wait3A_92 = arith.constant 0 : i32
        %dma_wait3A_93 = tpu.memref_slice %arg4[%dma_wait3A_91, %dma_wait3A_92] : memref<10000x128xf32, #tpu.memory_space<hbm>> -> memref<128x128xf32, #tpu.memory_space<hbm>>
        tpu.wait_dma2 semaphore(%arg11 : memref<!tpu.dma_semaphore, #tpu.memory_space<semaphore_mem>>) src(%dma_wait3A_93 : memref<128x128xf32, #tpu.memory_space<hbm>>) dst(%dma_wait3A_90 : memref<128x128xf32, #tpu.memory_space<vmem>>)
        %run_scoped3A = arith.constant 0 : i32
        %run_scoped3A_94 = arith.constant 0 : i32
        "tpu.region"() ({
          %run_scoped3A_126 = tpu.sem_alloc : memref<!tpu.dma_semaphore, #tpu.memory_space<semaphore_mem>>
          %dma_start3A_127 = arith.constant 0 : i32
          %dma_start3A_128 = arith.constant 0 : i32
          %dma_start3A_129 = tpu.memref_slice %arg9[%run_scoped3A, %dma_start3A_127, %dma_start3A_128] : memref<2x128x128xf32, #tpu.memory_space<vmem>> -> memref<1x128x128xf32, #tpu.memory_space<vmem>>
          %dma_start3A_130 = tpu.memref_squeeze %dma_start3A_129 : memref<1x128x128xf32, #tpu.memory_space<vmem>> -> memref<128x128xf32, #tpu.memory_space<vmem>>
          %dma_start3A_131 = arith.constant 0 : i32
          %dma_start3A_132 = tpu.memref_slice %arg8[%add3A_79, %run_scoped3A_94, %dma_start3A_131] : memref<4x1x128xi32, #tpu.memory_space<vmem>> -> memref<1x1x128xi32, #tpu.memory_space<vmem>>
          %dma_start3A_133 = tpu.memref_squeeze %dma_start3A_132 : memref<1x1x128xi32, #tpu.memory_space<vmem>> -> memref<128xi32, #tpu.memory_space<vmem>>
          %dma_start3A_134 = arith.constant 0 : i32
          %dma_start3A_135 = arith.constant 0 : i32
          %dma_start3A_136 = tpu.memref_slice %arg10[%dma_start3A_134, %dma_start3A_135] : memref<10112x128xf32, #tpu.memory_space<vmem_shared>> -> memref<10112x128xf32, #tpu.memory_space<vmem_shared>>
          tpu.enqueue_indirect_dma source(%dma_start3A_130 : memref<128x128xf32, #tpu.memory_space<vmem>>) target(%dma_start3A_136 : memref<10112x128xf32, #tpu.memory_space<vmem_shared>>) offsets(%dma_start3A_133 : memref<128xi32, #tpu.memory_space<vmem>>) semaphore(%run_scoped3A_126 : memref<!tpu.dma_semaphore, #tpu.memory_space<semaphore_mem>>) {add = true}
          %dma_wait3A_137 = arith.constant 0 : i32
          %dma_wait3A_138 = arith.constant 0 : i32
          %dma_wait3A_139 = tpu.memref_slice %arg9[%run_scoped3A, %dma_wait3A_137, %dma_wait3A_138] : memref<2x128x128xf32, #tpu.memory_space<vmem>> -> memref<1x128x128xf32, #tpu.memory_space<vmem>>
          %dma_wait3A_140 = tpu.memref_squeeze %dma_wait3A_139 : memref<1x128x128xf32, #tpu.memory_space<vmem>> -> memref<128x128xf32, #tpu.memory_space<vmem>>
          %dma_wait3A_141 = arith.constant 0 : i32
          %dma_wait3A_142 = tpu.memref_slice %arg8[%add3A_79, %run_scoped3A_94, %dma_wait3A_141] : memref<4x1x128xi32, #tpu.memory_space<vmem>> -> memref<1x1x128xi32, #tpu.memory_space<vmem>>
          %dma_wait3A_143 = tpu.memref_squeeze %dma_wait3A_142 : memref<1x1x128xi32, #tpu.memory_space<vmem>> -> memref<128xi32, #tpu.memory_space<vmem>>
          %dma_wait3A_144 = arith.constant 0 : i32
          %dma_wait3A_145 = arith.constant 0 : i32
          %dma_wait3A_146 = tpu.memref_slice %arg10[%dma_wait3A_144, %dma_wait3A_145] : memref<10112x128xf32, #tpu.memory_space<vmem_shared>> -> memref<10112x128xf32, #tpu.memory_space<vmem_shared>>
          tpu.wait_indirect_dma semaphore(%run_scoped3A_126 : memref<!tpu.dma_semaphore, #tpu.memory_space<semaphore_mem>>) src(%dma_wait3A_140 : memref<128x128xf32, #tpu.memory_space<vmem>>) dst(%dma_wait3A_146 : memref<10112x128xf32, #tpu.memory_space<vmem_shared>>)
          tpu.yield
        }) : () -> ()
        %add3A_95 = arith.constant 2 : i32
        %add3A_96 = arith.addi %add3A_79, %add3A_95 : i32
        %lt3A = arith.constant 4 : i32
        %lt3A_97 = arith.cmpi slt, %add3A_96, %lt3A : i32
        %convert_element_type3A = arith.extui %lt3A_97 : i1 to i32
        %cond3A = arith.constant 0 : i32
        %cond3A_98 = arith.cmpi ne, %convert_element_type3A, %cond3A : i32
        scf.if %cond3A_98 {
          %mul3A_126 = arith.constant 128 : i32
          %mul3A_127 = arith.muli %add3A_96, %mul3A_126 : i32
          %dma_start3A_128 = arith.constant 0 : i32
          %dma_start3A_129 = arith.constant 0 : i32
          %dma_start3A_130 = arith.constant 0 : i32
          %dma_start3A_131 = tpu.memref_slice %arg9[%dma_start3A_128, %dma_start3A_129, %dma_start3A_130] : memref<2x128x128xf32, #tpu.memory_space<vmem>> -> memref<1x128x128xf32, #tpu.memory_space<vmem>>
          %dma_start3A_132 = tpu.memref_squeeze %dma_start3A_131 : memref<1x128x128xf32, #tpu.memory_space<vmem>> -> memref<128x128xf32, #tpu.memory_space<vmem>>
          %dma_start3A_133 = tpu.memref_slice %arg7[%mul3A_127] : memref<512xi32, #tpu.memory_space<vmem>> -> memref<128xi32, #tpu.memory_space<vmem>>
          %dma_start3A_134 = arith.constant 0 : i32
          %dma_start3A_135 = arith.constant 0 : i32
          %dma_start3A_136 = tpu.memref_slice %arg4[%dma_start3A_134, %dma_start3A_135] : memref<10000x128xf32, #tpu.memory_space<hbm>> -> memref<10000x128xf32, #tpu.memory_space<hbm>>
          tpu.enqueue_indirect_dma source(%dma_start3A_136 : memref<10000x128xf32, #tpu.memory_space<hbm>>) target(%dma_start3A_132 : memref<128x128xf32, #tpu.memory_space<vmem>>) offsets(%dma_start3A_133 : memref<128xi32, #tpu.memory_space<vmem>>) semaphore(%arg11 : memref<!tpu.dma_semaphore, #tpu.memory_space<semaphore_mem>>)
        } else {
        }
        %add3A_99 = arith.constant 1 : i32
        %add3A_100 = arith.addi %mul3A_77, %add3A_99 : i32
        %dma_wait3A_101 = arith.constant 1 : i32
        %dma_wait3A_102 = arith.constant 0 : i32
        %dma_wait3A_103 = arith.constant 0 : i32
        %dma_wait3A_104 = tpu.memref_slice %arg9[%dma_wait3A_101, %dma_wait3A_102, %dma_wait3A_103] : memref<2x128x128xf32, #tpu.memory_space<vmem>> -> memref<1x128x128xf32, #tpu.memory_space<vmem>>
        %dma_wait3A_105 = tpu.memref_squeeze %dma_wait3A_104 : memref<1x128x128xf32, #tpu.memory_space<vmem>> -> memref<128x128xf32, #tpu.memory_space<vmem>>
        %dma_wait3A_106 = arith.constant 0 : i32
        %dma_wait3A_107 = arith.constant 0 : i32
        %dma_wait3A_108 = tpu.memref_slice %arg4[%dma_wait3A_106, %dma_wait3A_107] : memref<10000x128xf32, #tpu.memory_space<hbm>> -> memref<128x128xf32, #tpu.memory_space<hbm>>
        %dma_wait3A_109 = arith.constant 0 : i32
        %dma_wait3A_110 = arith.constant 0 : i32
        %dma_wait3A_111 = tpu.memref_slice %arg9[%dma_wait3A_101, %dma_wait3A_109, %dma_wait3A_110] : memref<2x128x128xf32, #tpu.memory_space<vmem>> -> memref<1x128x128xf32, #tpu.memory_space<vmem>>
        %dma_wait3A_112 = tpu.memref_squeeze %dma_wait3A_111 : memref<1x128x128xf32, #tpu.memory_space<vmem>> -> memref<128x128xf32, #tpu.memory_space<vmem>>
        %dma_wait3A_113 = arith.constant 0 : i32
        %dma_wait3A_114 = arith.constant 0 : i32
        %dma_wait3A_115 = tpu.memref_slice %arg4[%dma_wait3A_113, %dma_wait3A_114] : memref<10000x128xf32, #tpu.memory_space<hbm>> -> memref<128x128xf32, #tpu.memory_space<hbm>>
        tpu.wait_dma2 semaphore(%arg12 : memref<!tpu.dma_semaphore, #tpu.memory_space<semaphore_mem>>) src(%dma_wait3A_115 : memref<128x128xf32, #tpu.memory_space<hbm>>) dst(%dma_wait3A_112 : memref<128x128xf32, #tpu.memory_space<vmem>>)
        %run_scoped3A_116 = arith.constant 1 : i32
        %run_scoped3A_117 = arith.constant 0 : i32
        "tpu.region"() ({
          %run_scoped3A_126 = tpu.sem_alloc : memref<!tpu.dma_semaphore, #tpu.memory_space<semaphore_mem>>
          %dma_start3A_127 = arith.constant 0 : i32
          %dma_start3A_128 = arith.constant 0 : i32
          %dma_start3A_129 = tpu.memref_slice %arg9[%run_scoped3A_116, %dma_start3A_127, %dma_start3A_128] : memref<2x128x128xf32, #tpu.memory_space<vmem>> -> memref<1x128x128xf32, #tpu.memory_space<vmem>>
          %dma_start3A_130 = tpu.memref_squeeze %dma_start3A_129 : memref<1x128x128xf32, #tpu.memory_space<vmem>> -> memref<128x128xf32, #tpu.memory_space<vmem>>
          %dma_start3A_131 = arith.constant 0 : i32
          %dma_start3A_132 = tpu.memref_slice %arg8[%add3A_100, %run_scoped3A_117, %dma_start3A_131] : memref<4x1x128xi32, #tpu.memory_space<vmem>> -> memref<1x1x128xi32, #tpu.memory_space<vmem>>
          %dma_start3A_133 = tpu.memref_squeeze %dma_start3A_132 : memref<1x1x128xi32, #tpu.memory_space<vmem>> -> memref<128xi32, #tpu.memory_space<vmem>>
          %dma_start3A_134 = arith.constant 0 : i32
          %dma_start3A_135 = arith.constant 0 : i32
          %dma_start3A_136 = tpu.memref_slice %arg10[%dma_start3A_134, %dma_start3A_135] : memref<10112x128xf32, #tpu.memory_space<vmem_shared>> -> memref<10112x128xf32, #tpu.memory_space<vmem_shared>>
          tpu.enqueue_indirect_dma source(%dma_start3A_130 : memref<128x128xf32, #tpu.memory_space<vmem>>) target(%dma_start3A_136 : memref<10112x128xf32, #tpu.memory_space<vmem_shared>>) offsets(%dma_start3A_133 : memref<128xi32, #tpu.memory_space<vmem>>) semaphore(%run_scoped3A_126 : memref<!tpu.dma_semaphore, #tpu.memory_space<semaphore_mem>>) {add = true}
          %dma_wait3A_137 = arith.constant 0 : i32
          %dma_wait3A_138 = arith.constant 0 : i32
          %dma_wait3A_139 = tpu.memref_slice %arg9[%run_scoped3A_116, %dma_wait3A_137, %dma_wait3A_138] : memref<2x128x128xf32, #tpu.memory_space<vmem>> -> memref<1x128x128xf32, #tpu.memory_space<vmem>>
          %dma_wait3A_140 = tpu.memref_squeeze %dma_wait3A_139 : memref<1x128x128xf32, #tpu.memory_space<vmem>> -> memref<128x128xf32, #tpu.memory_space<vmem>>
          %dma_wait3A_141 = arith.constant 0 : i32
          %dma_wait3A_142 = tpu.memref_slice %arg8[%add3A_100, %run_scoped3A_117, %dma_wait3A_141] : memref<4x1x128xi32, #tpu.memory_space<vmem>> -> memref<1x1x128xi32, #tpu.memory_space<vmem>>
          %dma_wait3A_143 = tpu.memref_squeeze %dma_wait3A_142 : memref<1x1x128xi32, #tpu.memory_space<vmem>> -> memref<128xi32, #tpu.memory_space<vmem>>
          %dma_wait3A_144 = arith.constant 0 : i32
          %dma_wait3A_145 = arith.constant 0 : i32
          %dma_wait3A_146 = tpu.memref_slice %arg10[%dma_wait3A_144, %dma_wait3A_145] : memref<10112x128xf32, #tpu.memory_space<vmem_shared>> -> memref<10112x128xf32, #tpu.memory_space<vmem_shared>>
          tpu.wait_indirect_dma semaphore(%run_scoped3A_126 : memref<!tpu.dma_semaphore, #tpu.memory_space<semaphore_mem>>) src(%dma_wait3A_140 : memref<128x128xf32, #tpu.memory_space<vmem>>) dst(%dma_wait3A_146 : memref<10112x128xf32, #tpu.memory_space<vmem_shared>>)
          tpu.yield
        }) : () -> ()
        %add3A_118 = arith.constant 2 : i32
        %add3A_119 = arith.addi %add3A_100, %add3A_118 : i32
        %lt3A_120 = arith.constant 4 : i32
        %lt3A_121 = arith.cmpi slt, %add3A_119, %lt3A_120 : i32
        %convert_element_type3A_122 = arith.extui %lt3A_121 : i1 to i32
        %cond3A_123 = arith.constant 0 : i32
        %cond3A_124 = arith.cmpi ne, %convert_element_type3A_122, %cond3A_123 : i32
        scf.if %cond3A_124 {
          %mul3A_126 = arith.constant 128 : i32
          %mul3A_127 = arith.muli %add3A_119, %mul3A_126 : i32
          %dma_start3A_128 = arith.constant 1 : i32
          %dma_start3A_129 = arith.constant 0 : i32
          %dma_start3A_130 = arith.constant 0 : i32
          %dma_start3A_131 = tpu.memref_slice %arg9[%dma_start3A_128, %dma_start3A_129, %dma_start3A_130] : memref<2x128x128xf32, #tpu.memory_space<vmem>> -> memref<1x128x128xf32, #tpu.memory_space<vmem>>
          %dma_start3A_132 = tpu.memref_squeeze %dma_start3A_131 : memref<1x128x128xf32, #tpu.memory_space<vmem>> -> memref<128x128xf32, #tpu.memory_space<vmem>>
          %dma_start3A_133 = tpu.memref_slice %arg7[%mul3A_127] : memref<512xi32, #tpu.memory_space<vmem>> -> memref<128xi32, #tpu.memory_space<vmem>>
          %dma_start3A_134 = arith.constant 0 : i32
          %dma_start3A_135 = arith.constant 0 : i32
          %dma_start3A_136 = tpu.memref_slice %arg4[%dma_start3A_134, %dma_start3A_135] : memref<10000x128xf32, #tpu.memory_space<hbm>> -> memref<10000x128xf32, #tpu.memory_space<hbm>>
          tpu.enqueue_indirect_dma source(%dma_start3A_136 : memref<10000x128xf32, #tpu.memory_space<hbm>>) target(%dma_start3A_132 : memref<128x128xf32, #tpu.memory_space<vmem>>) offsets(%dma_start3A_133 : memref<128xi32, #tpu.memory_space<vmem>>) semaphore(%arg12 : memref<!tpu.dma_semaphore, #tpu.memory_space<semaphore_mem>>)
        } else {
        }
        %scan3A_125 = arith.constant 0 : i32
        scf.yield %scan3A_125 : i32
      }
      %scan3A_72 = arith.constant 2 : i32
      %while3A_73 = arith.constant 0 : i32
      scf.yield %while3A_73 : i32
    }
    %while3A_38 = arith.constant 1 : i32
    %while3A_39 = scf.for %while3A_41 = %while3A_35 to %while3A_31 step %while3A_38 iter_args(%while3A_42 = %while3A_37) -> (i32)  : i32 {
      %mul3A_43 = arith.constant 4 : i32
      %mul3A_44 = arith.muli %while3A_41, %mul3A_43 : i32
      %add3A_45 = arith.addi %select_n3A_10, %mul3A_44 : i32
      %mul3A_46 = arith.constant 128 : i32
      %mul3A_47 = arith.muli %add3A_45, %mul3A_46 : i32
      "tpu.region"() ({
        %run_scoped3A = tpu.sem_alloc : memref<!tpu.dma_semaphore, #tpu.memory_space<semaphore_mem>>
        %dma_start3A_74 = tpu.memref_slice %arg2[%arg0, %mul3A_47] : memref<2x327680xi32, #tpu.memory_space<hbm>> -> memref<1x512xi32, #tpu.memory_space<hbm>>
        %dma_start3A_75 = tpu.memref_squeeze %dma_start3A_74 : memref<1x512xi32, #tpu.memory_space<hbm>> -> memref<512xi32, #tpu.memory_space<hbm>>
        %dma_start3A_76 = tpu.memref_slice %arg2[%arg0, %mul3A_47] : memref<2x327680xi32, #tpu.memory_space<hbm>> -> memref<1x512xi32, #tpu.memory_space<hbm>>
        %dma_start3A_77 = tpu.memref_squeeze %dma_start3A_76 : memref<1x512xi32, #tpu.memory_space<hbm>> -> memref<512xi32, #tpu.memory_space<hbm>>
        tpu.enqueue_dma source(%dma_start3A_77 : memref<512xi32, #tpu.memory_space<hbm>>) target(%arg7 : memref<512xi32, #tpu.memory_space<vmem>>) target_semaphore(%run_scoped3A : memref<!tpu.dma_semaphore, #tpu.memory_space<semaphore_mem>>)
        %dma_wait3A = tpu.memref_slice %arg2[%arg0, %mul3A_47] : memref<2x327680xi32, #tpu.memory_space<hbm>> -> memref<1x512xi32, #tpu.memory_space<hbm>>
        %dma_wait3A_78 = tpu.memref_squeeze %dma_wait3A : memref<1x512xi32, #tpu.memory_space<hbm>> -> memref<512xi32, #tpu.memory_space<hbm>>
        %dma_wait3A_79 = tpu.memref_slice %arg2[%arg0, %mul3A_47] : memref<2x327680xi32, #tpu.memory_space<hbm>> -> memref<1x512xi32, #tpu.memory_space<hbm>>
        %dma_wait3A_80 = tpu.memref_squeeze %dma_wait3A_79 : memref<1x512xi32, #tpu.memory_space<hbm>> -> memref<512xi32, #tpu.memory_space<hbm>>
        tpu.wait_dma2 semaphore(%run_scoped3A : memref<!tpu.dma_semaphore, #tpu.memory_space<semaphore_mem>>) src(%dma_wait3A_80 : memref<512xi32, #tpu.memory_space<hbm>>) dst(%arg7 : memref<512xi32, #tpu.memory_space<vmem>>)
        tpu.yield
      }) : () -> ()
      "tpu.region"() ({
        %run_scoped3A = tpu.sem_alloc : memref<!tpu.dma_semaphore, #tpu.memory_space<semaphore_mem>>
        %dma_start3A_74 = arith.constant 0 : i32
        %dma_start3A_75 = arith.constant 0 : i32
        %dma_start3A_76 = tpu.memref_slice %arg3[%add3A_45, %dma_start3A_74, %dma_start3A_75] : memref<2560x1x128xi32, #tpu.memory_space<hbm>> -> memref<4x1x128xi32, #tpu.memory_space<hbm>>
        %dma_start3A_77 = arith.constant 0 : i32
        %dma_start3A_78 = arith.constant 0 : i32
        %dma_start3A_79 = tpu.memref_slice %arg3[%add3A_45, %dma_start3A_77, %dma_start3A_78] : memref<2560x1x128xi32, #tpu.memory_space<hbm>> -> memref<4x1x128xi32, #tpu.memory_space<hbm>>
        tpu.enqueue_dma source(%dma_start3A_79 : memref<4x1x128xi32, #tpu.memory_space<hbm>>) target(%arg8 : memref<4x1x128xi32, #tpu.memory_space<vmem>>) target_semaphore(%run_scoped3A : memref<!tpu.dma_semaphore, #tpu.memory_space<semaphore_mem>>)
        %dma_wait3A = arith.constant 0 : i32
        %dma_wait3A_80 = arith.constant 0 : i32
        %dma_wait3A_81 = tpu.memref_slice %arg3[%add3A_45, %dma_wait3A, %dma_wait3A_80] : memref<2560x1x128xi32, #tpu.memory_space<hbm>> -> memref<4x1x128xi32, #tpu.memory_space<hbm>>
        %dma_wait3A_82 = arith.constant 0 : i32
        %dma_wait3A_83 = arith.constant 0 : i32
        %dma_wait3A_84 = tpu.memref_slice %arg3[%add3A_45, %dma_wait3A_82, %dma_wait3A_83] : memref<2560x1x128xi32, #tpu.memory_space<hbm>> -> memref<4x1x128xi32, #tpu.memory_space<hbm>>
        tpu.wait_dma2 semaphore(%run_scoped3A : memref<!tpu.dma_semaphore, #tpu.memory_space<semaphore_mem>>) src(%dma_wait3A_84 : memref<4x1x128xi32, #tpu.memory_space<hbm>>) dst(%arg8 : memref<4x1x128xi32, #tpu.memory_space<vmem>>)
        tpu.yield
      }) : () -> ()
      %dma_start3A = arith.constant 0 : i32
      %dma_start3A_48 = arith.constant 0 : i32
      %dma_start3A_49 = arith.constant 0 : i32
      %dma_start3A_50 = tpu.memref_slice %arg9[%dma_start3A, %dma_start3A_48, %dma_start3A_49] : memref<2x128x128xf32, #tpu.memory_space<vmem>> -> memref<1x128x128xf32, #tpu.memory_space<vmem>>
      %dma_start3A_51 = tpu.memref_squeeze %dma_start3A_50 : memref<1x128x128xf32, #tpu.memory_space<vmem>> -> memref<128x128xf32, #tpu.memory_space<vmem>>
      %dma_start3A_52 = arith.constant 0 : i32
      %dma_start3A_53 = tpu.memref_slice %arg7[%dma_start3A_52] : memref<512xi32, #tpu.memory_space<vmem>> -> memref<128xi32, #tpu.memory_space<vmem>>
      %dma_start3A_54 = arith.constant 0 : i32
      %dma_start3A_55 = arith.constant 0 : i32
      %dma_start3A_56 = tpu.memref_slice %arg4[%dma_start3A_54, %dma_start3A_55] : memref<10000x128xf32, #tpu.memory_space<hbm>> -> memref<10000x128xf32, #tpu.memory_space<hbm>>
      tpu.enqueue_indirect_dma source(%dma_start3A_56 : memref<10000x128xf32, #tpu.memory_space<hbm>>) target(%dma_start3A_51 : memref<128x128xf32, #tpu.memory_space<vmem>>) offsets(%dma_start3A_53 : memref<128xi32, #tpu.memory_space<vmem>>) semaphore(%arg11 : memref<!tpu.dma_semaphore, #tpu.memory_space<semaphore_mem>>)
      %dma_start3A_57 = arith.constant 1 : i32
      %dma_start3A_58 = arith.constant 0 : i32
      %dma_start3A_59 = arith.constant 0 : i32
      %dma_start3A_60 = tpu.memref_slice %arg9[%dma_start3A_57, %dma_start3A_58, %dma_start3A_59] : memref<2x128x128xf32, #tpu.memory_space<vmem>> -> memref<1x128x128xf32, #tpu.memory_space<vmem>>
      %dma_start3A_61 = tpu.memref_squeeze %dma_start3A_60 : memref<1x128x128xf32, #tpu.memory_space<vmem>> -> memref<128x128xf32, #tpu.memory_space<vmem>>
      %dma_start3A_62 = arith.constant 128 : i32
      %dma_start3A_63 = tpu.memref_slice %arg7[%dma_start3A_62] : memref<512xi32, #tpu.memory_space<vmem>> -> memref<128xi32, #tpu.memory_space<vmem>>
      %dma_start3A_64 = arith.constant 0 : i32
      %dma_start3A_65 = arith.constant 0 : i32
      %dma_start3A_66 = tpu.memref_slice %arg4[%dma_start3A_64, %dma_start3A_65] : memref<10000x128xf32, #tpu.memory_space<hbm>> -> memref<10000x128xf32, #tpu.memory_space<hbm>>
      tpu.enqueue_indirect_dma source(%dma_start3A_66 : memref<10000x128xf32, #tpu.memory_space<hbm>>) target(%dma_start3A_61 : memref<128x128xf32, #tpu.memory_space<vmem>>) offsets(%dma_start3A_63 : memref<128xi32, #tpu.memory_space<vmem>>) semaphore(%arg12 : memref<!tpu.dma_semaphore, #tpu.memory_space<semaphore_mem>>)
      %scan3A = arith.constant 0 : i32
      %scan3A_67 = arith.constant 0 : i32
      %scan3A_68 = arith.constant 2 : i32
      %scan3A_69 = arith.addi %scan3A_67, %scan3A_68 : i32
      %scan3A_70 = arith.constant 1 : i32
      %scan3A_71 = scf.for %scan3A_74 = %scan3A_67 to %scan3A_69 step %scan3A_70 iter_args(%scan3A_75 = %scan3A) -> (i32)  : i32 {
        %mul3A_76 = arith.constant 2 : i32
        %mul3A_77 = arith.muli %scan3A_74, %mul3A_76 : i32
        %add3A_78 = arith.constant 0 : i32
        %add3A_79 = arith.addi %mul3A_77, %add3A_78 : i32
        %dma_wait3A = arith.constant 0 : i32
        %dma_wait3A_80 = arith.constant 0 : i32
        %dma_wait3A_81 = arith.constant 0 : i32
        %dma_wait3A_82 = tpu.memref_slice %arg9[%dma_wait3A, %dma_wait3A_80, %dma_wait3A_81] : memref<2x128x128xf32, #tpu.memory_space<vmem>> -> memref<1x128x128xf32, #tpu.memory_space<vmem>>
        %dma_wait3A_83 = tpu.memref_squeeze %dma_wait3A_82 : memref<1x128x128xf32, #tpu.memory_space<vmem>> -> memref<128x128xf32, #tpu.memory_space<vmem>>
        %dma_wait3A_84 = arith.constant 0 : i32
        %dma_wait3A_85 = arith.constant 0 : i32
        %dma_wait3A_86 = tpu.memref_slice %arg4[%dma_wait3A_84, %dma_wait3A_85] : memref<10000x128xf32, #tpu.memory_space<hbm>> -> memref<128x128xf32, #tpu.memory_space<hbm>>
        %dma_wait3A_87 = arith.constant 0 : i32
        %dma_wait3A_88 = arith.constant 0 : i32
        %dma_wait3A_89 = tpu.memref_slice %arg9[%dma_wait3A, %dma_wait3A_87, %dma_wait3A_88] : memref<2x128x128xf32, #tpu.memory_space<vmem>> -> memref<1x128x128xf32, #tpu.memory_space<vmem>>
        %dma_wait3A_90 = tpu.memref_squeeze %dma_wait3A_89 : memref<1x128x128xf32, #tpu.memory_space<vmem>> -> memref<128x128xf32, #tpu.memory_space<vmem>>
        %dma_wait3A_91 = arith.constant 0 : i32
        %dma_wait3A_92 = arith.constant 0 : i32
        %dma_wait3A_93 = tpu.memref_slice %arg4[%dma_wait3A_91, %dma_wait3A_92] : memref<10000x128xf32, #tpu.memory_space<hbm>> -> memref<128x128xf32, #tpu.memory_space<hbm>>
        tpu.wait_dma2 semaphore(%arg11 : memref<!tpu.dma_semaphore, #tpu.memory_space<semaphore_mem>>) src(%dma_wait3A_93 : memref<128x128xf32, #tpu.memory_space<hbm>>) dst(%dma_wait3A_90 : memref<128x128xf32, #tpu.memory_space<vmem>>)
        %run_scoped3A = arith.constant 0 : i32
        %run_scoped3A_94 = arith.constant 0 : i32
        "tpu.region"() ({
          %run_scoped3A_126 = tpu.sem_alloc : memref<!tpu.dma_semaphore, #tpu.memory_space<semaphore_mem>>
          %dma_start3A_127 = arith.constant 0 : i32
          %dma_start3A_128 = arith.constant 0 : i32
          %dma_start3A_129 = tpu.memref_slice %arg9[%run_scoped3A, %dma_start3A_127, %dma_start3A_128] : memref<2x128x128xf32, #tpu.memory_space<vmem>> -> memref<1x128x128xf32, #tpu.memory_space<vmem>>
          %dma_start3A_130 = tpu.memref_squeeze %dma_start3A_129 : memref<1x128x128xf32, #tpu.memory_space<vmem>> -> memref<128x128xf32, #tpu.memory_space<vmem>>
          %dma_start3A_131 = arith.constant 0 : i32
          %dma_start3A_132 = tpu.memref_slice %arg8[%add3A_79, %run_scoped3A_94, %dma_start3A_131] : memref<4x1x128xi32, #tpu.memory_space<vmem>> -> memref<1x1x128xi32, #tpu.memory_space<vmem>>
          %dma_start3A_133 = tpu.memref_squeeze %dma_start3A_132 : memref<1x1x128xi32, #tpu.memory_space<vmem>> -> memref<128xi32, #tpu.memory_space<vmem>>
          %dma_start3A_134 = arith.constant 0 : i32
          %dma_start3A_135 = arith.constant 0 : i32
          %dma_start3A_136 = tpu.memref_slice %arg10[%dma_start3A_134, %dma_start3A_135] : memref<10112x128xf32, #tpu.memory_space<vmem_shared>> -> memref<10112x128xf32, #tpu.memory_space<vmem_shared>>
          tpu.enqueue_indirect_dma source(%dma_start3A_130 : memref<128x128xf32, #tpu.memory_space<vmem>>) target(%dma_start3A_136 : memref<10112x128xf32, #tpu.memory_space<vmem_shared>>) offsets(%dma_start3A_133 : memref<128xi32, #tpu.memory_space<vmem>>) semaphore(%run_scoped3A_126 : memref<!tpu.dma_semaphore, #tpu.memory_space<semaphore_mem>>) {add = true}
          %dma_wait3A_137 = arith.constant 0 : i32
          %dma_wait3A_138 = arith.constant 0 : i32
          %dma_wait3A_139 = tpu.memref_slice %arg9[%run_scoped3A, %dma_wait3A_137, %dma_wait3A_138] : memref<2x128x128xf32, #tpu.memory_space<vmem>> -> memref<1x128x128xf32, #tpu.memory_space<vmem>>
          %dma_wait3A_140 = tpu.memref_squeeze %dma_wait3A_139 : memref<1x128x128xf32, #tpu.memory_space<vmem>> -> memref<128x128xf32, #tpu.memory_space<vmem>>
          %dma_wait3A_141 = arith.constant 0 : i32
          %dma_wait3A_142 = tpu.memref_slice %arg8[%add3A_79, %run_scoped3A_94, %dma_wait3A_141] : memref<4x1x128xi32, #tpu.memory_space<vmem>> -> memref<1x1x128xi32, #tpu.memory_space<vmem>>
          %dma_wait3A_143 = tpu.memref_squeeze %dma_wait3A_142 : memref<1x1x128xi32, #tpu.memory_space<vmem>> -> memref<128xi32, #tpu.memory_space<vmem>>
          %dma_wait3A_144 = arith.constant 0 : i32
          %dma_wait3A_145 = arith.constant 0 : i32
          %dma_wait3A_146 = tpu.memref_slice %arg10[%dma_wait3A_144, %dma_wait3A_145] : memref<10112x128xf32, #tpu.memory_space<vmem_shared>> -> memref<10112x128xf32, #tpu.memory_space<vmem_shared>>
          tpu.wait_indirect_dma semaphore(%run_scoped3A_126 : memref<!tpu.dma_semaphore, #tpu.memory_space<semaphore_mem>>) src(%dma_wait3A_140 : memref<128x128xf32, #tpu.memory_space<vmem>>) dst(%dma_wait3A_146 : memref<10112x128xf32, #tpu.memory_space<vmem_shared>>)
          tpu.yield
        }) : () -> ()
        %add3A_95 = arith.constant 2 : i32
        %add3A_96 = arith.addi %add3A_79, %add3A_95 : i32
        %lt3A = arith.constant 4 : i32
        %lt3A_97 = arith.cmpi slt, %add3A_96, %lt3A : i32
        %convert_element_type3A = arith.extui %lt3A_97 : i1 to i32
        %cond3A = arith.constant 0 : i32
        %cond3A_98 = arith.cmpi ne, %convert_element_type3A, %cond3A : i32
        scf.if %cond3A_98 {
          %mul3A_126 = arith.constant 128 : i32
          %mul3A_127 = arith.muli %add3A_96, %mul3A_126 : i32
          %dma_start3A_128 = arith.constant 0 : i32
          %dma_start3A_129 = arith.constant 0 : i32
          %dma_start3A_130 = arith.constant 0 : i32
          %dma_start3A_131 = tpu.memref_slice %arg9[%dma_start3A_128, %dma_start3A_129, %dma_start3A_130] : memref<2x128x128xf32, #tpu.memory_space<vmem>> -> memref<1x128x128xf32, #tpu.memory_space<vmem>>
          %dma_start3A_132 = tpu.memref_squeeze %dma_start3A_131 : memref<1x128x128xf32, #tpu.memory_space<vmem>> -> memref<128x128xf32, #tpu.memory_space<vmem>>
          %dma_start3A_133 = tpu.memref_slice %arg7[%mul3A_127] : memref<512xi32, #tpu.memory_space<vmem>> -> memref<128xi32, #tpu.memory_space<vmem>>
          %dma_start3A_134 = arith.constant 0 : i32
          %dma_start3A_135 = arith.constant 0 : i32
          %dma_start3A_136 = tpu.memref_slice %arg4[%dma_start3A_134, %dma_start3A_135] : memref<10000x128xf32, #tpu.memory_space<hbm>> -> memref<10000x128xf32, #tpu.memory_space<hbm>>
          tpu.enqueue_indirect_dma source(%dma_start3A_136 : memref<10000x128xf32, #tpu.memory_space<hbm>>) target(%dma_start3A_132 : memref<128x128xf32, #tpu.memory_space<vmem>>) offsets(%dma_start3A_133 : memref<128xi32, #tpu.memory_space<vmem>>) semaphore(%arg11 : memref<!tpu.dma_semaphore, #tpu.memory_space<semaphore_mem>>)
        } else {
        }
        %add3A_99 = arith.constant 1 : i32
        %add3A_100 = arith.addi %mul3A_77, %add3A_99 : i32
        %dma_wait3A_101 = arith.constant 1 : i32
        %dma_wait3A_102 = arith.constant 0 : i32
        %dma_wait3A_103 = arith.constant 0 : i32
        %dma_wait3A_104 = tpu.memref_slice %arg9[%dma_wait3A_101, %dma_wait3A_102, %dma_wait3A_103] : memref<2x128x128xf32, #tpu.memory_space<vmem>> -> memref<1x128x128xf32, #tpu.memory_space<vmem>>
        %dma_wait3A_105 = tpu.memref_squeeze %dma_wait3A_104 : memref<1x128x128xf32, #tpu.memory_space<vmem>> -> memref<128x128xf32, #tpu.memory_space<vmem>>
        %dma_wait3A_106 = arith.constant 0 : i32
        %dma_wait3A_107 = arith.constant 0 : i32
        %dma_wait3A_108 = tpu.memref_slice %arg4[%dma_wait3A_106, %dma_wait3A_107] : memref<10000x128xf32, #tpu.memory_space<hbm>> -> memref<128x128xf32, #tpu.memory_space<hbm>>
        %dma_wait3A_109 = arith.constant 0 : i32
        %dma_wait3A_110 = arith.constant 0 : i32
        %dma_wait3A_111 = tpu.memref_slice %arg9[%dma_wait3A_101, %dma_wait3A_109, %dma_wait3A_110] : memref<2x128x128xf32, #tpu.memory_space<vmem>> -> memref<1x128x128xf32, #tpu.memory_space<vmem>>
        %dma_wait3A_112 = tpu.memref_squeeze %dma_wait3A_111 : memref<1x128x128xf32, #tpu.memory_space<vmem>> -> memref<128x128xf32, #tpu.memory_space<vmem>>
        %dma_wait3A_113 = arith.constant 0 : i32
        %dma_wait3A_114 = arith.constant 0 : i32
        %dma_wait3A_115 = tpu.memref_slice %arg4[%dma_wait3A_113, %dma_wait3A_114] : memref<10000x128xf32, #tpu.memory_space<hbm>> -> memref<128x128xf32, #tpu.memory_space<hbm>>
        tpu.wait_dma2 semaphore(%arg12 : memref<!tpu.dma_semaphore, #tpu.memory_space<semaphore_mem>>) src(%dma_wait3A_115 : memref<128x128xf32, #tpu.memory_space<hbm>>) dst(%dma_wait3A_112 : memref<128x128xf32, #tpu.memory_space<vmem>>)
        %run_scoped3A_116 = arith.constant 1 : i32
        %run_scoped3A_117 = arith.constant 0 : i32
        "tpu.region"() ({
          %run_scoped3A_126 = tpu.sem_alloc : memref<!tpu.dma_semaphore, #tpu.memory_space<semaphore_mem>>
          %dma_start3A_127 = arith.constant 0 : i32
          %dma_start3A_128 = arith.constant 0 : i32
          %dma_start3A_129 = tpu.memref_slice %arg9[%run_scoped3A_116, %dma_start3A_127, %dma_start3A_128] : memref<2x128x128xf32, #tpu.memory_space<vmem>> -> memref<1x128x128xf32, #tpu.memory_space<vmem>>
          %dma_start3A_130 = tpu.memref_squeeze %dma_start3A_129 : memref<1x128x128xf32, #tpu.memory_space<vmem>> -> memref<128x128xf32, #tpu.memory_space<vmem>>
          %dma_start3A_131 = arith.constant 0 : i32
          %dma_start3A_132 = tpu.memref_slice %arg8[%add3A_100, %run_scoped3A_117, %dma_start3A_131] : memref<4x1x128xi32, #tpu.memory_space<vmem>> -> memref<1x1x128xi32, #tpu.memory_space<vmem>>
          %dma_start3A_133 = tpu.memref_squeeze %dma_start3A_132 : memref<1x1x128xi32, #tpu.memory_space<vmem>> -> memref<128xi32, #tpu.memory_space<vmem>>
          %dma_start3A_134 = arith.constant 0 : i32
          %dma_start3A_135 = arith.constant 0 : i32
          %dma_start3A_136 = tpu.memref_slice %arg10[%dma_start3A_134, %dma_start3A_135] : memref<10112x128xf32, #tpu.memory_space<vmem_shared>> -> memref<10112x128xf32, #tpu.memory_space<vmem_shared>>
          tpu.enqueue_indirect_dma source(%dma_start3A_130 : memref<128x128xf32, #tpu.memory_space<vmem>>) target(%dma_start3A_136 : memref<10112x128xf32, #tpu.memory_space<vmem_shared>>) offsets(%dma_start3A_133 : memref<128xi32, #tpu.memory_space<vmem>>) semaphore(%run_scoped3A_126 : memref<!tpu.dma_semaphore, #tpu.memory_space<semaphore_mem>>) {add = true}
          %dma_wait3A_137 = arith.constant 0 : i32
          %dma_wait3A_138 = arith.constant 0 : i32
          %dma_wait3A_139 = tpu.memref_slice %arg9[%run_scoped3A_116, %dma_wait3A_137, %dma_wait3A_138] : memref<2x128x128xf32, #tpu.memory_space<vmem>> -> memref<1x128x128xf32, #tpu.memory_space<vmem>>
          %dma_wait3A_140 = tpu.memref_squeeze %dma_wait3A_139 : memref<1x128x128xf32, #tpu.memory_space<vmem>> -> memref<128x128xf32, #tpu.memory_space<vmem>>
          %dma_wait3A_141 = arith.constant 0 : i32
          %dma_wait3A_142 = tpu.memref_slice %arg8[%add3A_100, %run_scoped3A_117, %dma_wait3A_141] : memref<4x1x128xi32, #tpu.memory_space<vmem>> -> memref<1x1x128xi32, #tpu.memory_space<vmem>>
          %dma_wait3A_143 = tpu.memref_squeeze %dma_wait3A_142 : memref<1x1x128xi32, #tpu.memory_space<vmem>> -> memref<128xi32, #tpu.memory_space<vmem>>
          %dma_wait3A_144 = arith.constant 0 : i32
          %dma_wait3A_145 = arith.constant 0 : i32
          %dma_wait3A_146 = tpu.memref_slice %arg10[%dma_wait3A_144, %dma_wait3A_145] : memref<10112x128xf32, #tpu.memory_space<vmem_shared>> -> memref<10112x128xf32, #tpu.memory_space<vmem_shared>>
          tpu.wait_indirect_dma semaphore(%run_scoped3A_126 : memref<!tpu.dma_semaphore, #tpu.memory_space<semaphore_mem>>) src(%dma_wait3A_140 : memref<128x128xf32, #tpu.memory_space<vmem>>) dst(%dma_wait3A_146 : memref<10112x128xf32, #tpu.memory_space<vmem_shared>>)
          tpu.yield
        }) : () -> ()
        %add3A_118 = arith.constant 2 : i32
        %add3A_119 = arith.addi %add3A_100, %add3A_118 : i32
        %lt3A_120 = arith.constant 4 : i32
        %lt3A_121 = arith.cmpi slt, %add3A_119, %lt3A_120 : i32
        %convert_element_type3A_122 = arith.extui %lt3A_121 : i1 to i32
        %cond3A_123 = arith.constant 0 : i32
        %cond3A_124 = arith.cmpi ne, %convert_element_type3A_122, %cond3A_123 : i32
        scf.if %cond3A_124 {
          %mul3A_126 = arith.constant 128 : i32
          %mul3A_127 = arith.muli %add3A_119, %mul3A_126 : i32
          %dma_start3A_128 = arith.constant 1 : i32
          %dma_start3A_129 = arith.constant 0 : i32
          %dma_start3A_130 = arith.constant 0 : i32
          %dma_start3A_131 = tpu.memref_slice %arg9[%dma_start3A_128, %dma_start3A_129, %dma_start3A_130] : memref<2x128x128xf32, #tpu.memory_space<vmem>> -> memref<1x128x128xf32, #tpu.memory_space<vmem>>
          %dma_start3A_132 = tpu.memref_squeeze %dma_start3A_131 : memref<1x128x128xf32, #tpu.memory_space<vmem>> -> memref<128x128xf32, #tpu.memory_space<vmem>>
          %dma_start3A_133 = tpu.memref_slice %arg7[%mul3A_127] : memref<512xi32, #tpu.memory_space<vmem>> -> memref<128xi32, #tpu.memory_space<vmem>>
          %dma_start3A_134 = arith.constant 0 : i32
          %dma_start3A_135 = arith.constant 0 : i32
          %dma_start3A_136 = tpu.memref_slice %arg4[%dma_start3A_134, %dma_start3A_135] : memref<10000x128xf32, #tpu.memory_space<hbm>> -> memref<10000x128xf32, #tpu.memory_space<hbm>>
          tpu.enqueue_indirect_dma source(%dma_start3A_136 : memref<10000x128xf32, #tpu.memory_space<hbm>>) target(%dma_start3A_132 : memref<128x128xf32, #tpu.memory_space<vmem>>) offsets(%dma_start3A_133 : memref<128xi32, #tpu.memory_space<vmem>>) semaphore(%arg12 : memref<!tpu.dma_semaphore, #tpu.memory_space<semaphore_mem>>)
        } else {
        }
        %scan3A_125 = arith.constant 0 : i32
        scf.yield %scan3A_125 : i32
      }
      %scan3A_72 = arith.constant 2 : i32
      %while3A_73 = arith.constant 0 : i32
      scf.yield %while3A_73 : i32
    }
    %barrier3A_40 = arith.constant 0 : index
    tpu.barrier barrier_id(%barrier3A_40)
    "tpu.region"() ({
      %run_scoped3A = tpu.sem_alloc : memref<!tpu.dma_semaphore, #tpu.memory_space<semaphore_mem>>
      %dma_start3A = arith.constant 0 : i32
      %dma_start3A_41 = tpu.memref_slice %arg6[%arg0, %mul3A_0, %dma_start3A] : memref<2x10112x128xf32, #tpu.memory_space<hbm>> -> memref<1x632x128xf32, #tpu.memory_space<hbm>>
      %dma_start3A_42 = tpu.memref_squeeze %dma_start3A_41 : memref<1x632x128xf32, #tpu.memory_space<hbm>> -> memref<632x128xf32, #tpu.memory_space<hbm>>
      %dma_start3A_43 = arith.constant 0 : i32
      %dma_start3A_44 = tpu.memref_slice %arg10[%mul3A_0, %dma_start3A_43] : memref<10112x128xf32, #tpu.memory_space<vmem_shared>> -> memref<632x128xf32, #tpu.memory_space<vmem_shared>>
      tpu.enqueue_dma source(%dma_start3A_44 : memref<632x128xf32, #tpu.memory_space<vmem_shared>>) target(%dma_start3A_42 : memref<632x128xf32, #tpu.memory_space<hbm>>) target_semaphore(%run_scoped3A : memref<!tpu.dma_semaphore, #tpu.memory_space<semaphore_mem>>)
      %dma_wait3A = arith.constant 0 : i32
      %dma_wait3A_45 = tpu.memref_slice %arg6[%arg0, %mul3A_0, %dma_wait3A] : memref<2x10112x128xf32, #tpu.memory_space<hbm>> -> memref<1x632x128xf32, #tpu.memory_space<hbm>>
      %dma_wait3A_46 = tpu.memref_squeeze %dma_wait3A_45 : memref<1x632x128xf32, #tpu.memory_space<hbm>> -> memref<632x128xf32, #tpu.memory_space<hbm>>
      %dma_wait3A_47 = arith.constant 0 : i32
      %dma_wait3A_48 = tpu.memref_slice %arg10[%mul3A_0, %dma_wait3A_47] : memref<10112x128xf32, #tpu.memory_space<vmem_shared>> -> memref<632x128xf32, #tpu.memory_space<vmem_shared>>
      tpu.wait_dma2 semaphore(%run_scoped3A : memref<!tpu.dma_semaphore, #tpu.memory_space<semaphore_mem>>) src(%dma_wait3A_48 : memref<632x128xf32, #tpu.memory_space<vmem_shared>>) dst(%dma_wait3A_46 : memref<632x128xf32, #tpu.memory_space<hbm>>)
      tpu.yield
    }) : () -> ()
    return
  }
}

#map = affine_map<(d0, d1) -> (0, 0)>
#map1 = affine_map<(d0, d1) -> (0, 0, 0)>
module attributes {stable_mosaic.version = 14 : i64} {
  func.func @_agg_body(%arg0: i32, %arg1: i32, %arg2: memref<2x327680xi32, #tpu.memory_space<hbm>>, %arg3: memref<2560x1x128xi32, #tpu.memory_space<hbm>>, %arg4: memref<10000x128xf32, #tpu.memory_space<hbm>>, %arg5: memref<10112x128xf32, #tpu.memory_space<hbm>>, %arg6: memref<2x10112x128xf32, #tpu.memory_space<hbm>>, %arg7: memref<512xi32, #tpu.memory_space<vmem>>, %arg8: memref<4x1x128xi32, #tpu.memory_space<vmem>>, %arg9: memref<2x128x128xf32, #tpu.memory_space<vmem>>, %arg10: memref<10112x128xf32, #tpu.memory_space<vmem_shared>>, %arg11: memref<!tpu.dma_semaphore, #tpu.memory_space<semaphore_mem>>, %arg12: memref<!tpu.dma_semaphore, #tpu.memory_space<semaphore_mem>>) attributes {dimension_semantics = [#tpu.dimension_semantics<core_parallel>, #tpu.dimension_semantics<subcore_parallel>], iteration_bounds = array<i64: 2, 16>, scalar_prefetch = 0 : i64, scratch_operands = 6 : i64, tpu.core_type = #tpu.core_type<sc_vector_subcore>, window_params = [{transform_indices = #map}, {transform_indices = #map1}, {transform_indices = #map}, {transform_indices = #map}, {transform_indices = #map1}]} {
    %mul3A = arith.constant 632 : i32
    %mul3A_0 = arith.muli %arg1, %mul3A : i32
    %eq3A = arith.constant 0 : i32
    %eq3A_1 = arith.cmpi eq, %arg0, %eq3A : i32
    %jit3A = arith.constant 152 : i32
    %jit3A_2 = arith.constant 8 : i32
    %select_n3A = arith.select %eq3A_1, %jit3A, %jit3A_2 : i32
    %eq3A_3 = arith.constant 0 : i32
    %eq3A_4 = arith.cmpi eq, %arg0, %eq3A_3 : i32
    %mul3A_5 = arith.constant 152 : i32
    %mul3A_6 = arith.muli %arg1, %mul3A_5 : i32
    %mul3A_7 = arith.constant 8 : i32
    %mul3A_8 = arith.muli %arg1, %mul3A_7 : i32
    %add3A = arith.constant 2432 : i32
    %add3A_9 = arith.addi %add3A, %mul3A_8 : i32
    %select_n3A_10 = arith.select %eq3A_4, %mul3A_6, %add3A_9 : i32
    "tpu.region"() ({
      %run_scoped3A = tpu.sem_alloc : memref<!tpu.dma_semaphore, #tpu.memory_space<semaphore_mem>>
      %dma_start3A = arith.constant 0 : i32
      %dma_start3A_41 = tpu.memref_slice %arg10[%mul3A_0, %dma_start3A] : memref<10112x128xf32, #tpu.memory_space<vmem_shared>> -> memref<632x128xf32, #tpu.memory_space<vmem_shared>>
      %dma_start3A_42 = arith.constant 0 : i32
      %dma_start3A_43 = tpu.memref_slice %arg5[%mul3A_0, %dma_start3A_42] : memref<10112x128xf32, #tpu.memory_space<hbm>> -> memref<632x128xf32, #tpu.memory_space<hbm>>
      tpu.enqueue_dma source(%dma_start3A_43 : memref<632x128xf32, #tpu.memory_space<hbm>>) target(%dma_start3A_41 : memref<632x128xf32, #tpu.memory_space<vmem_shared>>) target_semaphore(%run_scoped3A : memref<!tpu.dma_semaphore, #tpu.memory_space<semaphore_mem>>)
      %dma_wait3A = arith.constant 0 : i32
      %dma_wait3A_44 = tpu.memref_slice %arg10[%mul3A_0, %dma_wait3A] : memref<10112x128xf32, #tpu.memory_space<vmem_shared>> -> memref<632x128xf32, #tpu.memory_space<vmem_shared>>
      %dma_wait3A_45 = arith.constant 0 : i32
      %dma_wait3A_46 = tpu.memref_slice %arg5[%mul3A_0, %dma_wait3A_45] : memref<10112x128xf32, #tpu.memory_space<hbm>> -> memref<632x128xf32, #tpu.memory_space<hbm>>
      tpu.wait_dma2 semaphore(%run_scoped3A : memref<!tpu.dma_semaphore, #tpu.memory_space<semaphore_mem>>) src(%dma_wait3A_46 : memref<632x128xf32, #tpu.memory_space<hbm>>) dst(%dma_wait3A_44 : memref<632x128xf32, #tpu.memory_space<vmem_shared>>)
      tpu.yield
    }) : () -> ()
    %barrier3A = arith.constant 0 : index
    tpu.barrier barrier_id(%barrier3A)
    %jit3A_11 = arith.constant 4 : i32
    %div3A = arith.divsi %select_n3A, %jit3A_11 : i32
    %sign3A = arith.constant 0 : i32
    %sign3A_12 = arith.cmpi sgt, %select_n3A, %sign3A : i32
    %sign3A_13 = arith.extui %sign3A_12 : i1 to i32
    %sign3A_14 = arith.constant 0 : i32
    %sign3A_15 = arith.cmpi slt, %select_n3A, %sign3A_14 : i32
    %sign3A_16 = arith.extui %sign3A_15 : i1 to i32
    %sign3A_17 = arith.subi %sign3A_13, %sign3A_16 : i32
    %sign3A_18 = arith.constant 0 : i32
    %sign3A_19 = arith.cmpi sgt, %jit3A_11, %sign3A_18 : i32
    %sign3A_20 = arith.extui %sign3A_19 : i1 to i32
    %sign3A_21 = arith.constant 0 : i32
    %sign3A_22 = arith.cmpi slt, %jit3A_11, %sign3A_21 : i32
    %sign3A_23 = arith.extui %sign3A_22 : i1 to i32
    %sign3A_24 = arith.subi %sign3A_20, %sign3A_23 : i32
    %ne3A = arith.cmpi ne, %sign3A_17, %sign3A_24 : i32
    %rem3A = arith.remsi %select_n3A, %jit3A_11 : i32
    %ne3A_25 = arith.constant 0 : i32
    %ne3A_26 = arith.cmpi ne, %rem3A, %ne3A_25 : i32
    %and3A = arith.andi %ne3A, %ne3A_26 : i1
    %sub3A = arith.constant 1 : i32
    %sub3A_27 = arith.subi %div3A, %sub3A : i32
    %select_n3A_28 = arith.select %and3A, %sub3A_27, %div3A : i32
    %while3A = arith.constant 0 : i32
    %while3A_29 = arith.constant 0 : i32
    %while3A_30 = arith.subi %select_n3A_28, %while3A : i32
    %while3A_31 = arith.addi %while3A, %while3A_30 : i32
    %while3A_32 = arith.constant 1 : i32
    %while3A_33 = arith.divsi %while3A_30, %while3A_32 : i32
    %while3A_34 = arith.muli %while3A_33, %while3A_32 : i32
    %while3A_35 = arith.addi %while3A, %while3A_34 : i32
    %while3A_36 = arith.constant 1 : i32
    %while3A_37 = scf.for %while3A_41 = %while3A to %while3A_35 step %while3A_36 iter_args(%while3A_42 = %while3A_29) -> (i32)  : i32 {
      %mul3A_43 = arith.constant 4 : i32
      %mul3A_44 = arith.muli %while3A_41, %mul3A_43 : i32
      %add3A_45 = arith.addi %select_n3A_10, %mul3A_44 : i32
      %mul3A_46 = arith.constant 128 : i32
      %mul3A_47 = arith.muli %add3A_45, %mul3A_46 : i32
      "tpu.region"() ({
        %run_scoped3A = tpu.sem_alloc : memref<!tpu.dma_semaphore, #tpu.memory_space<semaphore_mem>>
        %dma_start3A_74 = tpu.memref_slice %arg2[%arg0, %mul3A_47] : memref<2x327680xi32, #tpu.memory_space<hbm>> -> memref<1x512xi32, #tpu.memory_space<hbm>>
        %dma_start3A_75 = tpu.memref_squeeze %dma_start3A_74 : memref<1x512xi32, #tpu.memory_space<hbm>> -> memref<512xi32, #tpu.memory_space<hbm>>
        %dma_start3A_76 = tpu.memref_slice %arg2[%arg0, %mul3A_47] : memref<2x327680xi32, #tpu.memory_space<hbm>> -> memref<1x512xi32, #tpu.memory_space<hbm>>
        %dma_start3A_77 = tpu.memref_squeeze %dma_start3A_76 : memref<1x512xi32, #tpu.memory_space<hbm>> -> memref<512xi32, #tpu.memory_space<hbm>>
        tpu.enqueue_dma source(%dma_start3A_77 : memref<512xi32, #tpu.memory_space<hbm>>) target(%arg7 : memref<512xi32, #tpu.memory_space<vmem>>) target_semaphore(%run_scoped3A : memref<!tpu.dma_semaphore, #tpu.memory_space<semaphore_mem>>)
        %dma_wait3A = tpu.memref_slice %arg2[%arg0, %mul3A_47] : memref<2x327680xi32, #tpu.memory_space<hbm>> -> memref<1x512xi32, #tpu.memory_space<hbm>>
        %dma_wait3A_78 = tpu.memref_squeeze %dma_wait3A : memref<1x512xi32, #tpu.memory_space<hbm>> -> memref<512xi32, #tpu.memory_space<hbm>>
        %dma_wait3A_79 = tpu.memref_slice %arg2[%arg0, %mul3A_47] : memref<2x327680xi32, #tpu.memory_space<hbm>> -> memref<1x512xi32, #tpu.memory_space<hbm>>
        %dma_wait3A_80 = tpu.memref_squeeze %dma_wait3A_79 : memref<1x512xi32, #tpu.memory_space<hbm>> -> memref<512xi32, #tpu.memory_space<hbm>>
        tpu.wait_dma2 semaphore(%run_scoped3A : memref<!tpu.dma_semaphore, #tpu.memory_space<semaphore_mem>>) src(%dma_wait3A_80 : memref<512xi32, #tpu.memory_space<hbm>>) dst(%arg7 : memref<512xi32, #tpu.memory_space<vmem>>)
        tpu.yield
      }) : () -> ()
      "tpu.region"() ({
        %run_scoped3A = tpu.sem_alloc : memref<!tpu.dma_semaphore, #tpu.memory_space<semaphore_mem>>
        %dma_start3A_74 = arith.constant 0 : i32
        %dma_start3A_75 = arith.constant 0 : i32
        %dma_start3A_76 = tpu.memref_slice %arg3[%add3A_45, %dma_start3A_74, %dma_start3A_75] : memref<2560x1x128xi32, #tpu.memory_space<hbm>> -> memref<4x1x128xi32, #tpu.memory_space<hbm>>
        %dma_start3A_77 = arith.constant 0 : i32
        %dma_start3A_78 = arith.constant 0 : i32
        %dma_start3A_79 = tpu.memref_slice %arg3[%add3A_45, %dma_start3A_77, %dma_start3A_78] : memref<2560x1x128xi32, #tpu.memory_space<hbm>> -> memref<4x1x128xi32, #tpu.memory_space<hbm>>
        tpu.enqueue_dma source(%dma_start3A_79 : memref<4x1x128xi32, #tpu.memory_space<hbm>>) target(%arg8 : memref<4x1x128xi32, #tpu.memory_space<vmem>>) target_semaphore(%run_scoped3A : memref<!tpu.dma_semaphore, #tpu.memory_space<semaphore_mem>>)
        %dma_wait3A = arith.constant 0 : i32
        %dma_wait3A_80 = arith.constant 0 : i32
        %dma_wait3A_81 = tpu.memref_slice %arg3[%add3A_45, %dma_wait3A, %dma_wait3A_80] : memref<2560x1x128xi32, #tpu.memory_space<hbm>> -> memref<4x1x128xi32, #tpu.memory_space<hbm>>
        %dma_wait3A_82 = arith.constant 0 : i32
        %dma_wait3A_83 = arith.constant 0 : i32
        %dma_wait3A_84 = tpu.memref_slice %arg3[%add3A_45, %dma_wait3A_82, %dma_wait3A_83] : memref<2560x1x128xi32, #tpu.memory_space<hbm>> -> memref<4x1x128xi32, #tpu.memory_space<hbm>>
        tpu.wait_dma2 semaphore(%run_scoped3A : memref<!tpu.dma_semaphore, #tpu.memory_space<semaphore_mem>>) src(%dma_wait3A_84 : memref<4x1x128xi32, #tpu.memory_space<hbm>>) dst(%arg8 : memref<4x1x128xi32, #tpu.memory_space<vmem>>)
        tpu.yield
      }) : () -> ()
      %dma_start3A = arith.constant 0 : i32
      %dma_start3A_48 = arith.constant 0 : i32
      %dma_start3A_49 = arith.constant 0 : i32
      %dma_start3A_50 = tpu.memref_slice %arg9[%dma_start3A, %dma_start3A_48, %dma_start3A_49] : memref<2x128x128xf32, #tpu.memory_space<vmem>> -> memref<1x128x128xf32, #tpu.memory_space<vmem>>
      %dma_start3A_51 = tpu.memref_squeeze %dma_start3A_50 : memref<1x128x128xf32, #tpu.memory_space<vmem>> -> memref<128x128xf32, #tpu.memory_space<vmem>>
      %dma_start3A_52 = arith.constant 0 : i32
      %dma_start3A_53 = tpu.memref_slice %arg7[%dma_start3A_52] : memref<512xi32, #tpu.memory_space<vmem>> -> memref<128xi32, #tpu.memory_space<vmem>>
      %dma_start3A_54 = arith.constant 0 : i32
      %dma_start3A_55 = arith.constant 0 : i32
      %dma_start3A_56 = tpu.memref_slice %arg4[%dma_start3A_54, %dma_start3A_55] : memref<10000x128xf32, #tpu.memory_space<hbm>> -> memref<10000x128xf32, #tpu.memory_space<hbm>>
      tpu.enqueue_indirect_dma source(%dma_start3A_56 : memref<10000x128xf32, #tpu.memory_space<hbm>>) target(%dma_start3A_51 : memref<128x128xf32, #tpu.memory_space<vmem>>) offsets(%dma_start3A_53 : memref<128xi32, #tpu.memory_space<vmem>>) semaphore(%arg11 : memref<!tpu.dma_semaphore, #tpu.memory_space<semaphore_mem>>)
      %dma_start3A_57 = arith.constant 1 : i32
      %dma_start3A_58 = arith.constant 0 : i32
      %dma_start3A_59 = arith.constant 0 : i32
      %dma_start3A_60 = tpu.memref_slice %arg9[%dma_start3A_57, %dma_start3A_58, %dma_start3A_59] : memref<2x128x128xf32, #tpu.memory_space<vmem>> -> memref<1x128x128xf32, #tpu.memory_space<vmem>>
      %dma_start3A_61 = tpu.memref_squeeze %dma_start3A_60 : memref<1x128x128xf32, #tpu.memory_space<vmem>> -> memref<128x128xf32, #tpu.memory_space<vmem>>
      %dma_start3A_62 = arith.constant 128 : i32
      %dma_start3A_63 = tpu.memref_slice %arg7[%dma_start3A_62] : memref<512xi32, #tpu.memory_space<vmem>> -> memref<128xi32, #tpu.memory_space<vmem>>
      %dma_start3A_64 = arith.constant 0 : i32
      %dma_start3A_65 = arith.constant 0 : i32
      %dma_start3A_66 = tpu.memref_slice %arg4[%dma_start3A_64, %dma_start3A_65] : memref<10000x128xf32, #tpu.memory_space<hbm>> -> memref<10000x128xf32, #tpu.memory_space<hbm>>
      tpu.enqueue_indirect_dma source(%dma_start3A_66 : memref<10000x128xf32, #tpu.memory_space<hbm>>) target(%dma_start3A_61 : memref<128x128xf32, #tpu.memory_space<vmem>>) offsets(%dma_start3A_63 : memref<128xi32, #tpu.memory_space<vmem>>) semaphore(%arg12 : memref<!tpu.dma_semaphore, #tpu.memory_space<semaphore_mem>>)
      %scan3A = arith.constant 0 : i32
      %scan3A_67 = arith.constant 0 : i32
      %scan3A_68 = arith.constant 2 : i32
      %scan3A_69 = arith.addi %scan3A_67, %scan3A_68 : i32
      %scan3A_70 = arith.constant 1 : i32
      %scan3A_71 = scf.for %scan3A_74 = %scan3A_67 to %scan3A_69 step %scan3A_70 iter_args(%scan3A_75 = %scan3A) -> (i32)  : i32 {
        %mul3A_76 = arith.constant 2 : i32
        %mul3A_77 = arith.muli %scan3A_74, %mul3A_76 : i32
        %add3A_78 = arith.constant 0 : i32
        %add3A_79 = arith.addi %mul3A_77, %add3A_78 : i32
        %dma_wait3A = arith.constant 0 : i32
        %dma_wait3A_80 = arith.constant 0 : i32
        %dma_wait3A_81 = arith.constant 0 : i32
        %dma_wait3A_82 = tpu.memref_slice %arg9[%dma_wait3A, %dma_wait3A_80, %dma_wait3A_81] : memref<2x128x128xf32, #tpu.memory_space<vmem>> -> memref<1x128x128xf32, #tpu.memory_space<vmem>>
        %dma_wait3A_83 = tpu.memref_squeeze %dma_wait3A_82 : memref<1x128x128xf32, #tpu.memory_space<vmem>> -> memref<128x128xf32, #tpu.memory_space<vmem>>
        %dma_wait3A_84 = arith.constant 0 : i32
        %dma_wait3A_85 = arith.constant 0 : i32
        %dma_wait3A_86 = tpu.memref_slice %arg4[%dma_wait3A_84, %dma_wait3A_85] : memref<10000x128xf32, #tpu.memory_space<hbm>> -> memref<128x128xf32, #tpu.memory_space<hbm>>
        %dma_wait3A_87 = arith.constant 0 : i32
        %dma_wait3A_88 = arith.constant 0 : i32
        %dma_wait3A_89 = tpu.memref_slice %arg9[%dma_wait3A, %dma_wait3A_87, %dma_wait3A_88] : memref<2x128x128xf32, #tpu.memory_space<vmem>> -> memref<1x128x128xf32, #tpu.memory_space<vmem>>
        %dma_wait3A_90 = tpu.memref_squeeze %dma_wait3A_89 : memref<1x128x128xf32, #tpu.memory_space<vmem>> -> memref<128x128xf32, #tpu.memory_space<vmem>>
        %dma_wait3A_91 = arith.constant 0 : i32
        %dma_wait3A_92 = arith.constant 0 : i32
        %dma_wait3A_93 = tpu.memref_slice %arg4[%dma_wait3A_91, %dma_wait3A_92] : memref<10000x128xf32, #tpu.memory_space<hbm>> -> memref<128x128xf32, #tpu.memory_space<hbm>>
        tpu.wait_dma2 semaphore(%arg11 : memref<!tpu.dma_semaphore, #tpu.memory_space<semaphore_mem>>) src(%dma_wait3A_93 : memref<128x128xf32, #tpu.memory_space<hbm>>) dst(%dma_wait3A_90 : memref<128x128xf32, #tpu.memory_space<vmem>>)
        %run_scoped3A = arith.constant 0 : i32
        %run_scoped3A_94 = arith.constant 0 : i32
        "tpu.region"() ({
          %run_scoped3A_126 = tpu.sem_alloc : memref<!tpu.dma_semaphore, #tpu.memory_space<semaphore_mem>>
          %dma_start3A_127 = arith.constant 0 : i32
          %dma_start3A_128 = arith.constant 0 : i32
          %dma_start3A_129 = tpu.memref_slice %arg9[%run_scoped3A, %dma_start3A_127, %dma_start3A_128] : memref<2x128x128xf32, #tpu.memory_space<vmem>> -> memref<1x128x128xf32, #tpu.memory_space<vmem>>
          %dma_start3A_130 = tpu.memref_squeeze %dma_start3A_129 : memref<1x128x128xf32, #tpu.memory_space<vmem>> -> memref<128x128xf32, #tpu.memory_space<vmem>>
          %dma_start3A_131 = arith.constant 0 : i32
          %dma_start3A_132 = tpu.memref_slice %arg8[%add3A_79, %run_scoped3A_94, %dma_start3A_131] : memref<4x1x128xi32, #tpu.memory_space<vmem>> -> memref<1x1x128xi32, #tpu.memory_space<vmem>>
          %dma_start3A_133 = tpu.memref_squeeze %dma_start3A_132 : memref<1x1x128xi32, #tpu.memory_space<vmem>> -> memref<128xi32, #tpu.memory_space<vmem>>
          %dma_start3A_134 = arith.constant 0 : i32
          %dma_start3A_135 = arith.constant 0 : i32
          %dma_start3A_136 = tpu.memref_slice %arg10[%dma_start3A_134, %dma_start3A_135] : memref<10112x128xf32, #tpu.memory_space<vmem_shared>> -> memref<10112x128xf32, #tpu.memory_space<vmem_shared>>
          tpu.enqueue_indirect_dma source(%dma_start3A_130 : memref<128x128xf32, #tpu.memory_space<vmem>>) target(%dma_start3A_136 : memref<10112x128xf32, #tpu.memory_space<vmem_shared>>) offsets(%dma_start3A_133 : memref<128xi32, #tpu.memory_space<vmem>>) semaphore(%run_scoped3A_126 : memref<!tpu.dma_semaphore, #tpu.memory_space<semaphore_mem>>) {add = true}
          %dma_wait3A_137 = arith.constant 0 : i32
          %dma_wait3A_138 = arith.constant 0 : i32
          %dma_wait3A_139 = tpu.memref_slice %arg9[%run_scoped3A, %dma_wait3A_137, %dma_wait3A_138] : memref<2x128x128xf32, #tpu.memory_space<vmem>> -> memref<1x128x128xf32, #tpu.memory_space<vmem>>
          %dma_wait3A_140 = tpu.memref_squeeze %dma_wait3A_139 : memref<1x128x128xf32, #tpu.memory_space<vmem>> -> memref<128x128xf32, #tpu.memory_space<vmem>>
          %dma_wait3A_141 = arith.constant 0 : i32
          %dma_wait3A_142 = tpu.memref_slice %arg8[%add3A_79, %run_scoped3A_94, %dma_wait3A_141] : memref<4x1x128xi32, #tpu.memory_space<vmem>> -> memref<1x1x128xi32, #tpu.memory_space<vmem>>
          %dma_wait3A_143 = tpu.memref_squeeze %dma_wait3A_142 : memref<1x1x128xi32, #tpu.memory_space<vmem>> -> memref<128xi32, #tpu.memory_space<vmem>>
          %dma_wait3A_144 = arith.constant 0 : i32
          %dma_wait3A_145 = arith.constant 0 : i32
          %dma_wait3A_146 = tpu.memref_slice %arg10[%dma_wait3A_144, %dma_wait3A_145] : memref<10112x128xf32, #tpu.memory_space<vmem_shared>> -> memref<10112x128xf32, #tpu.memory_space<vmem_shared>>
          tpu.wait_indirect_dma semaphore(%run_scoped3A_126 : memref<!tpu.dma_semaphore, #tpu.memory_space<semaphore_mem>>) src(%dma_wait3A_140 : memref<128x128xf32, #tpu.memory_space<vmem>>) dst(%dma_wait3A_146 : memref<10112x128xf32, #tpu.memory_space<vmem_shared>>)
          tpu.yield
        }) : () -> ()
        %add3A_95 = arith.constant 2 : i32
        %add3A_96 = arith.addi %add3A_79, %add3A_95 : i32
        %lt3A = arith.constant 4 : i32
        %lt3A_97 = arith.cmpi slt, %add3A_96, %lt3A : i32
        %convert_element_type3A = arith.extui %lt3A_97 : i1 to i32
        %cond3A = arith.constant 0 : i32
        %cond3A_98 = arith.cmpi ne, %convert_element_type3A, %cond3A : i32
        scf.if %cond3A_98 {
          %mul3A_126 = arith.constant 128 : i32
          %mul3A_127 = arith.muli %add3A_96, %mul3A_126 : i32
          %dma_start3A_128 = arith.constant 0 : i32
          %dma_start3A_129 = arith.constant 0 : i32
          %dma_start3A_130 = arith.constant 0 : i32
          %dma_start3A_131 = tpu.memref_slice %arg9[%dma_start3A_128, %dma_start3A_129, %dma_start3A_130] : memref<2x128x128xf32, #tpu.memory_space<vmem>> -> memref<1x128x128xf32, #tpu.memory_space<vmem>>
          %dma_start3A_132 = tpu.memref_squeeze %dma_start3A_131 : memref<1x128x128xf32, #tpu.memory_space<vmem>> -> memref<128x128xf32, #tpu.memory_space<vmem>>
          %dma_start3A_133 = tpu.memref_slice %arg7[%mul3A_127] : memref<512xi32, #tpu.memory_space<vmem>> -> memref<128xi32, #tpu.memory_space<vmem>>
          %dma_start3A_134 = arith.constant 0 : i32
          %dma_start3A_135 = arith.constant 0 : i32
          %dma_start3A_136 = tpu.memref_slice %arg4[%dma_start3A_134, %dma_start3A_135] : memref<10000x128xf32, #tpu.memory_space<hbm>> -> memref<10000x128xf32, #tpu.memory_space<hbm>>
          tpu.enqueue_indirect_dma source(%dma_start3A_136 : memref<10000x128xf32, #tpu.memory_space<hbm>>) target(%dma_start3A_132 : memref<128x128xf32, #tpu.memory_space<vmem>>) offsets(%dma_start3A_133 : memref<128xi32, #tpu.memory_space<vmem>>) semaphore(%arg11 : memref<!tpu.dma_semaphore, #tpu.memory_space<semaphore_mem>>)
        } else {
        }
        %add3A_99 = arith.constant 1 : i32
        %add3A_100 = arith.addi %mul3A_77, %add3A_99 : i32
        %dma_wait3A_101 = arith.constant 1 : i32
        %dma_wait3A_102 = arith.constant 0 : i32
        %dma_wait3A_103 = arith.constant 0 : i32
        %dma_wait3A_104 = tpu.memref_slice %arg9[%dma_wait3A_101, %dma_wait3A_102, %dma_wait3A_103] : memref<2x128x128xf32, #tpu.memory_space<vmem>> -> memref<1x128x128xf32, #tpu.memory_space<vmem>>
        %dma_wait3A_105 = tpu.memref_squeeze %dma_wait3A_104 : memref<1x128x128xf32, #tpu.memory_space<vmem>> -> memref<128x128xf32, #tpu.memory_space<vmem>>
        %dma_wait3A_106 = arith.constant 0 : i32
        %dma_wait3A_107 = arith.constant 0 : i32
        %dma_wait3A_108 = tpu.memref_slice %arg4[%dma_wait3A_106, %dma_wait3A_107] : memref<10000x128xf32, #tpu.memory_space<hbm>> -> memref<128x128xf32, #tpu.memory_space<hbm>>
        %dma_wait3A_109 = arith.constant 0 : i32
        %dma_wait3A_110 = arith.constant 0 : i32
        %dma_wait3A_111 = tpu.memref_slice %arg9[%dma_wait3A_101, %dma_wait3A_109, %dma_wait3A_110] : memref<2x128x128xf32, #tpu.memory_space<vmem>> -> memref<1x128x128xf32, #tpu.memory_space<vmem>>
        %dma_wait3A_112 = tpu.memref_squeeze %dma_wait3A_111 : memref<1x128x128xf32, #tpu.memory_space<vmem>> -> memref<128x128xf32, #tpu.memory_space<vmem>>
        %dma_wait3A_113 = arith.constant 0 : i32
        %dma_wait3A_114 = arith.constant 0 : i32
        %dma_wait3A_115 = tpu.memref_slice %arg4[%dma_wait3A_113, %dma_wait3A_114] : memref<10000x128xf32, #tpu.memory_space<hbm>> -> memref<128x128xf32, #tpu.memory_space<hbm>>
        tpu.wait_dma2 semaphore(%arg12 : memref<!tpu.dma_semaphore, #tpu.memory_space<semaphore_mem>>) src(%dma_wait3A_115 : memref<128x128xf32, #tpu.memory_space<hbm>>) dst(%dma_wait3A_112 : memref<128x128xf32, #tpu.memory_space<vmem>>)
        %run_scoped3A_116 = arith.constant 1 : i32
        %run_scoped3A_117 = arith.constant 0 : i32
        "tpu.region"() ({
          %run_scoped3A_126 = tpu.sem_alloc : memref<!tpu.dma_semaphore, #tpu.memory_space<semaphore_mem>>
          %dma_start3A_127 = arith.constant 0 : i32
          %dma_start3A_128 = arith.constant 0 : i32
          %dma_start3A_129 = tpu.memref_slice %arg9[%run_scoped3A_116, %dma_start3A_127, %dma_start3A_128] : memref<2x128x128xf32, #tpu.memory_space<vmem>> -> memref<1x128x128xf32, #tpu.memory_space<vmem>>
          %dma_start3A_130 = tpu.memref_squeeze %dma_start3A_129 : memref<1x128x128xf32, #tpu.memory_space<vmem>> -> memref<128x128xf32, #tpu.memory_space<vmem>>
          %dma_start3A_131 = arith.constant 0 : i32
          %dma_start3A_132 = tpu.memref_slice %arg8[%add3A_100, %run_scoped3A_117, %dma_start3A_131] : memref<4x1x128xi32, #tpu.memory_space<vmem>> -> memref<1x1x128xi32, #tpu.memory_space<vmem>>
          %dma_start3A_133 = tpu.memref_squeeze %dma_start3A_132 : memref<1x1x128xi32, #tpu.memory_space<vmem>> -> memref<128xi32, #tpu.memory_space<vmem>>
          %dma_start3A_134 = arith.constant 0 : i32
          %dma_start3A_135 = arith.constant 0 : i32
          %dma_start3A_136 = tpu.memref_slice %arg10[%dma_start3A_134, %dma_start3A_135] : memref<10112x128xf32, #tpu.memory_space<vmem_shared>> -> memref<10112x128xf32, #tpu.memory_space<vmem_shared>>
          tpu.enqueue_indirect_dma source(%dma_start3A_130 : memref<128x128xf32, #tpu.memory_space<vmem>>) target(%dma_start3A_136 : memref<10112x128xf32, #tpu.memory_space<vmem_shared>>) offsets(%dma_start3A_133 : memref<128xi32, #tpu.memory_space<vmem>>) semaphore(%run_scoped3A_126 : memref<!tpu.dma_semaphore, #tpu.memory_space<semaphore_mem>>) {add = true}
          %dma_wait3A_137 = arith.constant 0 : i32
          %dma_wait3A_138 = arith.constant 0 : i32
          %dma_wait3A_139 = tpu.memref_slice %arg9[%run_scoped3A_116, %dma_wait3A_137, %dma_wait3A_138] : memref<2x128x128xf32, #tpu.memory_space<vmem>> -> memref<1x128x128xf32, #tpu.memory_space<vmem>>
          %dma_wait3A_140 = tpu.memref_squeeze %dma_wait3A_139 : memref<1x128x128xf32, #tpu.memory_space<vmem>> -> memref<128x128xf32, #tpu.memory_space<vmem>>
          %dma_wait3A_141 = arith.constant 0 : i32
          %dma_wait3A_142 = tpu.memref_slice %arg8[%add3A_100, %run_scoped3A_117, %dma_wait3A_141] : memref<4x1x128xi32, #tpu.memory_space<vmem>> -> memref<1x1x128xi32, #tpu.memory_space<vmem>>
          %dma_wait3A_143 = tpu.memref_squeeze %dma_wait3A_142 : memref<1x1x128xi32, #tpu.memory_space<vmem>> -> memref<128xi32, #tpu.memory_space<vmem>>
          %dma_wait3A_144 = arith.constant 0 : i32
          %dma_wait3A_145 = arith.constant 0 : i32
          %dma_wait3A_146 = tpu.memref_slice %arg10[%dma_wait3A_144, %dma_wait3A_145] : memref<10112x128xf32, #tpu.memory_space<vmem_shared>> -> memref<10112x128xf32, #tpu.memory_space<vmem_shared>>
          tpu.wait_indirect_dma semaphore(%run_scoped3A_126 : memref<!tpu.dma_semaphore, #tpu.memory_space<semaphore_mem>>) src(%dma_wait3A_140 : memref<128x128xf32, #tpu.memory_space<vmem>>) dst(%dma_wait3A_146 : memref<10112x128xf32, #tpu.memory_space<vmem_shared>>)
          tpu.yield
        }) : () -> ()
        %add3A_118 = arith.constant 2 : i32
        %add3A_119 = arith.addi %add3A_100, %add3A_118 : i32
        %lt3A_120 = arith.constant 4 : i32
        %lt3A_121 = arith.cmpi slt, %add3A_119, %lt3A_120 : i32
        %convert_element_type3A_122 = arith.extui %lt3A_121 : i1 to i32
        %cond3A_123 = arith.constant 0 : i32
        %cond3A_124 = arith.cmpi ne, %convert_element_type3A_122, %cond3A_123 : i32
        scf.if %cond3A_124 {
          %mul3A_126 = arith.constant 128 : i32
          %mul3A_127 = arith.muli %add3A_119, %mul3A_126 : i32
          %dma_start3A_128 = arith.constant 1 : i32
          %dma_start3A_129 = arith.constant 0 : i32
          %dma_start3A_130 = arith.constant 0 : i32
          %dma_start3A_131 = tpu.memref_slice %arg9[%dma_start3A_128, %dma_start3A_129, %dma_start3A_130] : memref<2x128x128xf32, #tpu.memory_space<vmem>> -> memref<1x128x128xf32, #tpu.memory_space<vmem>>
          %dma_start3A_132 = tpu.memref_squeeze %dma_start3A_131 : memref<1x128x128xf32, #tpu.memory_space<vmem>> -> memref<128x128xf32, #tpu.memory_space<vmem>>
          %dma_start3A_133 = tpu.memref_slice %arg7[%mul3A_127] : memref<512xi32, #tpu.memory_space<vmem>> -> memref<128xi32, #tpu.memory_space<vmem>>
          %dma_start3A_134 = arith.constant 0 : i32
          %dma_start3A_135 = arith.constant 0 : i32
          %dma_start3A_136 = tpu.memref_slice %arg4[%dma_start3A_134, %dma_start3A_135] : memref<10000x128xf32, #tpu.memory_space<hbm>> -> memref<10000x128xf32, #tpu.memory_space<hbm>>
          tpu.enqueue_indirect_dma source(%dma_start3A_136 : memref<10000x128xf32, #tpu.memory_space<hbm>>) target(%dma_start3A_132 : memref<128x128xf32, #tpu.memory_space<vmem>>) offsets(%dma_start3A_133 : memref<128xi32, #tpu.memory_space<vmem>>) semaphore(%arg12 : memref<!tpu.dma_semaphore, #tpu.memory_space<semaphore_mem>>)
        } else {
        }
        %scan3A_125 = arith.constant 0 : i32
        scf.yield %scan3A_125 : i32
      }
      %scan3A_72 = arith.constant 2 : i32
      %while3A_73 = arith.constant 0 : i32
      scf.yield %while3A_73 : i32
    }
    %while3A_38 = arith.constant 1 : i32
    %while3A_39 = scf.for %while3A_41 = %while3A_35 to %while3A_31 step %while3A_38 iter_args(%while3A_42 = %while3A_37) -> (i32)  : i32 {
      %mul3A_43 = arith.constant 4 : i32
      %mul3A_44 = arith.muli %while3A_41, %mul3A_43 : i32
      %add3A_45 = arith.addi %select_n3A_10, %mul3A_44 : i32
      %mul3A_46 = arith.constant 128 : i32
      %mul3A_47 = arith.muli %add3A_45, %mul3A_46 : i32
      "tpu.region"() ({
        %run_scoped3A = tpu.sem_alloc : memref<!tpu.dma_semaphore, #tpu.memory_space<semaphore_mem>>
        %dma_start3A_74 = tpu.memref_slice %arg2[%arg0, %mul3A_47] : memref<2x327680xi32, #tpu.memory_space<hbm>> -> memref<1x512xi32, #tpu.memory_space<hbm>>
        %dma_start3A_75 = tpu.memref_squeeze %dma_start3A_74 : memref<1x512xi32, #tpu.memory_space<hbm>> -> memref<512xi32, #tpu.memory_space<hbm>>
        %dma_start3A_76 = tpu.memref_slice %arg2[%arg0, %mul3A_47] : memref<2x327680xi32, #tpu.memory_space<hbm>> -> memref<1x512xi32, #tpu.memory_space<hbm>>
        %dma_start3A_77 = tpu.memref_squeeze %dma_start3A_76 : memref<1x512xi32, #tpu.memory_space<hbm>> -> memref<512xi32, #tpu.memory_space<hbm>>
        tpu.enqueue_dma source(%dma_start3A_77 : memref<512xi32, #tpu.memory_space<hbm>>) target(%arg7 : memref<512xi32, #tpu.memory_space<vmem>>) target_semaphore(%run_scoped3A : memref<!tpu.dma_semaphore, #tpu.memory_space<semaphore_mem>>)
        %dma_wait3A = tpu.memref_slice %arg2[%arg0, %mul3A_47] : memref<2x327680xi32, #tpu.memory_space<hbm>> -> memref<1x512xi32, #tpu.memory_space<hbm>>
        %dma_wait3A_78 = tpu.memref_squeeze %dma_wait3A : memref<1x512xi32, #tpu.memory_space<hbm>> -> memref<512xi32, #tpu.memory_space<hbm>>
        %dma_wait3A_79 = tpu.memref_slice %arg2[%arg0, %mul3A_47] : memref<2x327680xi32, #tpu.memory_space<hbm>> -> memref<1x512xi32, #tpu.memory_space<hbm>>
        %dma_wait3A_80 = tpu.memref_squeeze %dma_wait3A_79 : memref<1x512xi32, #tpu.memory_space<hbm>> -> memref<512xi32, #tpu.memory_space<hbm>>
        tpu.wait_dma2 semaphore(%run_scoped3A : memref<!tpu.dma_semaphore, #tpu.memory_space<semaphore_mem>>) src(%dma_wait3A_80 : memref<512xi32, #tpu.memory_space<hbm>>) dst(%arg7 : memref<512xi32, #tpu.memory_space<vmem>>)
        tpu.yield
      }) : () -> ()
      "tpu.region"() ({
        %run_scoped3A = tpu.sem_alloc : memref<!tpu.dma_semaphore, #tpu.memory_space<semaphore_mem>>
        %dma_start3A_74 = arith.constant 0 : i32
        %dma_start3A_75 = arith.constant 0 : i32
        %dma_start3A_76 = tpu.memref_slice %arg3[%add3A_45, %dma_start3A_74, %dma_start3A_75] : memref<2560x1x128xi32, #tpu.memory_space<hbm>> -> memref<4x1x128xi32, #tpu.memory_space<hbm>>
        %dma_start3A_77 = arith.constant 0 : i32
        %dma_start3A_78 = arith.constant 0 : i32
        %dma_start3A_79 = tpu.memref_slice %arg3[%add3A_45, %dma_start3A_77, %dma_start3A_78] : memref<2560x1x128xi32, #tpu.memory_space<hbm>> -> memref<4x1x128xi32, #tpu.memory_space<hbm>>
        tpu.enqueue_dma source(%dma_start3A_79 : memref<4x1x128xi32, #tpu.memory_space<hbm>>) target(%arg8 : memref<4x1x128xi32, #tpu.memory_space<vmem>>) target_semaphore(%run_scoped3A : memref<!tpu.dma_semaphore, #tpu.memory_space<semaphore_mem>>)
        %dma_wait3A = arith.constant 0 : i32
        %dma_wait3A_80 = arith.constant 0 : i32
        %dma_wait3A_81 = tpu.memref_slice %arg3[%add3A_45, %dma_wait3A, %dma_wait3A_80] : memref<2560x1x128xi32, #tpu.memory_space<hbm>> -> memref<4x1x128xi32, #tpu.memory_space<hbm>>
        %dma_wait3A_82 = arith.constant 0 : i32
        %dma_wait3A_83 = arith.constant 0 : i32
        %dma_wait3A_84 = tpu.memref_slice %arg3[%add3A_45, %dma_wait3A_82, %dma_wait3A_83] : memref<2560x1x128xi32, #tpu.memory_space<hbm>> -> memref<4x1x128xi32, #tpu.memory_space<hbm>>
        tpu.wait_dma2 semaphore(%run_scoped3A : memref<!tpu.dma_semaphore, #tpu.memory_space<semaphore_mem>>) src(%dma_wait3A_84 : memref<4x1x128xi32, #tpu.memory_space<hbm>>) dst(%arg8 : memref<4x1x128xi32, #tpu.memory_space<vmem>>)
        tpu.yield
      }) : () -> ()
      %dma_start3A = arith.constant 0 : i32
      %dma_start3A_48 = arith.constant 0 : i32
      %dma_start3A_49 = arith.constant 0 : i32
      %dma_start3A_50 = tpu.memref_slice %arg9[%dma_start3A, %dma_start3A_48, %dma_start3A_49] : memref<2x128x128xf32, #tpu.memory_space<vmem>> -> memref<1x128x128xf32, #tpu.memory_space<vmem>>
      %dma_start3A_51 = tpu.memref_squeeze %dma_start3A_50 : memref<1x128x128xf32, #tpu.memory_space<vmem>> -> memref<128x128xf32, #tpu.memory_space<vmem>>
      %dma_start3A_52 = arith.constant 0 : i32
      %dma_start3A_53 = tpu.memref_slice %arg7[%dma_start3A_52] : memref<512xi32, #tpu.memory_space<vmem>> -> memref<128xi32, #tpu.memory_space<vmem>>
      %dma_start3A_54 = arith.constant 0 : i32
      %dma_start3A_55 = arith.constant 0 : i32
      %dma_start3A_56 = tpu.memref_slice %arg4[%dma_start3A_54, %dma_start3A_55] : memref<10000x128xf32, #tpu.memory_space<hbm>> -> memref<10000x128xf32, #tpu.memory_space<hbm>>
      tpu.enqueue_indirect_dma source(%dma_start3A_56 : memref<10000x128xf32, #tpu.memory_space<hbm>>) target(%dma_start3A_51 : memref<128x128xf32, #tpu.memory_space<vmem>>) offsets(%dma_start3A_53 : memref<128xi32, #tpu.memory_space<vmem>>) semaphore(%arg11 : memref<!tpu.dma_semaphore, #tpu.memory_space<semaphore_mem>>)
      %dma_start3A_57 = arith.constant 1 : i32
      %dma_start3A_58 = arith.constant 0 : i32
      %dma_start3A_59 = arith.constant 0 : i32
      %dma_start3A_60 = tpu.memref_slice %arg9[%dma_start3A_57, %dma_start3A_58, %dma_start3A_59] : memref<2x128x128xf32, #tpu.memory_space<vmem>> -> memref<1x128x128xf32, #tpu.memory_space<vmem>>
      %dma_start3A_61 = tpu.memref_squeeze %dma_start3A_60 : memref<1x128x128xf32, #tpu.memory_space<vmem>> -> memref<128x128xf32, #tpu.memory_space<vmem>>
      %dma_start3A_62 = arith.constant 128 : i32
      %dma_start3A_63 = tpu.memref_slice %arg7[%dma_start3A_62] : memref<512xi32, #tpu.memory_space<vmem>> -> memref<128xi32, #tpu.memory_space<vmem>>
      %dma_start3A_64 = arith.constant 0 : i32
      %dma_start3A_65 = arith.constant 0 : i32
      %dma_start3A_66 = tpu.memref_slice %arg4[%dma_start3A_64, %dma_start3A_65] : memref<10000x128xf32, #tpu.memory_space<hbm>> -> memref<10000x128xf32, #tpu.memory_space<hbm>>
      tpu.enqueue_indirect_dma source(%dma_start3A_66 : memref<10000x128xf32, #tpu.memory_space<hbm>>) target(%dma_start3A_61 : memref<128x128xf32, #tpu.memory_space<vmem>>) offsets(%dma_start3A_63 : memref<128xi32, #tpu.memory_space<vmem>>) semaphore(%arg12 : memref<!tpu.dma_semaphore, #tpu.memory_space<semaphore_mem>>)
      %scan3A = arith.constant 0 : i32
      %scan3A_67 = arith.constant 0 : i32
      %scan3A_68 = arith.constant 2 : i32
      %scan3A_69 = arith.addi %scan3A_67, %scan3A_68 : i32
      %scan3A_70 = arith.constant 1 : i32
      %scan3A_71 = scf.for %scan3A_74 = %scan3A_67 to %scan3A_69 step %scan3A_70 iter_args(%scan3A_75 = %scan3A) -> (i32)  : i32 {
        %mul3A_76 = arith.constant 2 : i32
        %mul3A_77 = arith.muli %scan3A_74, %mul3A_76 : i32
        %add3A_78 = arith.constant 0 : i32
        %add3A_79 = arith.addi %mul3A_77, %add3A_78 : i32
        %dma_wait3A = arith.constant 0 : i32
        %dma_wait3A_80 = arith.constant 0 : i32
        %dma_wait3A_81 = arith.constant 0 : i32
        %dma_wait3A_82 = tpu.memref_slice %arg9[%dma_wait3A, %dma_wait3A_80, %dma_wait3A_81] : memref<2x128x128xf32, #tpu.memory_space<vmem>> -> memref<1x128x128xf32, #tpu.memory_space<vmem>>
        %dma_wait3A_83 = tpu.memref_squeeze %dma_wait3A_82 : memref<1x128x128xf32, #tpu.memory_space<vmem>> -> memref<128x128xf32, #tpu.memory_space<vmem>>
        %dma_wait3A_84 = arith.constant 0 : i32
        %dma_wait3A_85 = arith.constant 0 : i32
        %dma_wait3A_86 = tpu.memref_slice %arg4[%dma_wait3A_84, %dma_wait3A_85] : memref<10000x128xf32, #tpu.memory_space<hbm>> -> memref<128x128xf32, #tpu.memory_space<hbm>>
        %dma_wait3A_87 = arith.constant 0 : i32
        %dma_wait3A_88 = arith.constant 0 : i32
        %dma_wait3A_89 = tpu.memref_slice %arg9[%dma_wait3A, %dma_wait3A_87, %dma_wait3A_88] : memref<2x128x128xf32, #tpu.memory_space<vmem>> -> memref<1x128x128xf32, #tpu.memory_space<vmem>>
        %dma_wait3A_90 = tpu.memref_squeeze %dma_wait3A_89 : memref<1x128x128xf32, #tpu.memory_space<vmem>> -> memref<128x128xf32, #tpu.memory_space<vmem>>
        %dma_wait3A_91 = arith.constant 0 : i32
        %dma_wait3A_92 = arith.constant 0 : i32
        %dma_wait3A_93 = tpu.memref_slice %arg4[%dma_wait3A_91, %dma_wait3A_92] : memref<10000x128xf32, #tpu.memory_space<hbm>> -> memref<128x128xf32, #tpu.memory_space<hbm>>
        tpu.wait_dma2 semaphore(%arg11 : memref<!tpu.dma_semaphore, #tpu.memory_space<semaphore_mem>>) src(%dma_wait3A_93 : memref<128x128xf32, #tpu.memory_space<hbm>>) dst(%dma_wait3A_90 : memref<128x128xf32, #tpu.memory_space<vmem>>)
        %run_scoped3A = arith.constant 0 : i32
        %run_scoped3A_94 = arith.constant 0 : i32
        "tpu.region"() ({
          %run_scoped3A_126 = tpu.sem_alloc : memref<!tpu.dma_semaphore, #tpu.memory_space<semaphore_mem>>
          %dma_start3A_127 = arith.constant 0 : i32
          %dma_start3A_128 = arith.constant 0 : i32
          %dma_start3A_129 = tpu.memref_slice %arg9[%run_scoped3A, %dma_start3A_127, %dma_start3A_128] : memref<2x128x128xf32, #tpu.memory_space<vmem>> -> memref<1x128x128xf32, #tpu.memory_space<vmem>>
          %dma_start3A_130 = tpu.memref_squeeze %dma_start3A_129 : memref<1x128x128xf32, #tpu.memory_space<vmem>> -> memref<128x128xf32, #tpu.memory_space<vmem>>
          %dma_start3A_131 = arith.constant 0 : i32
          %dma_start3A_132 = tpu.memref_slice %arg8[%add3A_79, %run_scoped3A_94, %dma_start3A_131] : memref<4x1x128xi32, #tpu.memory_space<vmem>> -> memref<1x1x128xi32, #tpu.memory_space<vmem>>
          %dma_start3A_133 = tpu.memref_squeeze %dma_start3A_132 : memref<1x1x128xi32, #tpu.memory_space<vmem>> -> memref<128xi32, #tpu.memory_space<vmem>>
          %dma_start3A_134 = arith.constant 0 : i32
          %dma_start3A_135 = arith.constant 0 : i32
          %dma_start3A_136 = tpu.memref_slice %arg10[%dma_start3A_134, %dma_start3A_135] : memref<10112x128xf32, #tpu.memory_space<vmem_shared>> -> memref<10112x128xf32, #tpu.memory_space<vmem_shared>>
          tpu.enqueue_indirect_dma source(%dma_start3A_130 : memref<128x128xf32, #tpu.memory_space<vmem>>) target(%dma_start3A_136 : memref<10112x128xf32, #tpu.memory_space<vmem_shared>>) offsets(%dma_start3A_133 : memref<128xi32, #tpu.memory_space<vmem>>) semaphore(%run_scoped3A_126 : memref<!tpu.dma_semaphore, #tpu.memory_space<semaphore_mem>>) {add = true}
          %dma_wait3A_137 = arith.constant 0 : i32
          %dma_wait3A_138 = arith.constant 0 : i32
          %dma_wait3A_139 = tpu.memref_slice %arg9[%run_scoped3A, %dma_wait3A_137, %dma_wait3A_138] : memref<2x128x128xf32, #tpu.memory_space<vmem>> -> memref<1x128x128xf32, #tpu.memory_space<vmem>>
          %dma_wait3A_140 = tpu.memref_squeeze %dma_wait3A_139 : memref<1x128x128xf32, #tpu.memory_space<vmem>> -> memref<128x128xf32, #tpu.memory_space<vmem>>
          %dma_wait3A_141 = arith.constant 0 : i32
          %dma_wait3A_142 = tpu.memref_slice %arg8[%add3A_79, %run_scoped3A_94, %dma_wait3A_141] : memref<4x1x128xi32, #tpu.memory_space<vmem>> -> memref<1x1x128xi32, #tpu.memory_space<vmem>>
          %dma_wait3A_143 = tpu.memref_squeeze %dma_wait3A_142 : memref<1x1x128xi32, #tpu.memory_space<vmem>> -> memref<128xi32, #tpu.memory_space<vmem>>
          %dma_wait3A_144 = arith.constant 0 : i32
          %dma_wait3A_145 = arith.constant 0 : i32
          %dma_wait3A_146 = tpu.memref_slice %arg10[%dma_wait3A_144, %dma_wait3A_145] : memref<10112x128xf32, #tpu.memory_space<vmem_shared>> -> memref<10112x128xf32, #tpu.memory_space<vmem_shared>>
          tpu.wait_indirect_dma semaphore(%run_scoped3A_126 : memref<!tpu.dma_semaphore, #tpu.memory_space<semaphore_mem>>) src(%dma_wait3A_140 : memref<128x128xf32, #tpu.memory_space<vmem>>) dst(%dma_wait3A_146 : memref<10112x128xf32, #tpu.memory_space<vmem_shared>>)
          tpu.yield
        }) : () -> ()
        %add3A_95 = arith.constant 2 : i32
        %add3A_96 = arith.addi %add3A_79, %add3A_95 : i32
        %lt3A = arith.constant 4 : i32
        %lt3A_97 = arith.cmpi slt, %add3A_96, %lt3A : i32
        %convert_element_type3A = arith.extui %lt3A_97 : i1 to i32
        %cond3A = arith.constant 0 : i32
        %cond3A_98 = arith.cmpi ne, %convert_element_type3A, %cond3A : i32
        scf.if %cond3A_98 {
          %mul3A_126 = arith.constant 128 : i32
          %mul3A_127 = arith.muli %add3A_96, %mul3A_126 : i32
          %dma_start3A_128 = arith.constant 0 : i32
          %dma_start3A_129 = arith.constant 0 : i32
          %dma_start3A_130 = arith.constant 0 : i32
          %dma_start3A_131 = tpu.memref_slice %arg9[%dma_start3A_128, %dma_start3A_129, %dma_start3A_130] : memref<2x128x128xf32, #tpu.memory_space<vmem>> -> memref<1x128x128xf32, #tpu.memory_space<vmem>>
          %dma_start3A_132 = tpu.memref_squeeze %dma_start3A_131 : memref<1x128x128xf32, #tpu.memory_space<vmem>> -> memref<128x128xf32, #tpu.memory_space<vmem>>
          %dma_start3A_133 = tpu.memref_slice %arg7[%mul3A_127] : memref<512xi32, #tpu.memory_space<vmem>> -> memref<128xi32, #tpu.memory_space<vmem>>
          %dma_start3A_134 = arith.constant 0 : i32
          %dma_start3A_135 = arith.constant 0 : i32
          %dma_start3A_136 = tpu.memref_slice %arg4[%dma_start3A_134, %dma_start3A_135] : memref<10000x128xf32, #tpu.memory_space<hbm>> -> memref<10000x128xf32, #tpu.memory_space<hbm>>
          tpu.enqueue_indirect_dma source(%dma_start3A_136 : memref<10000x128xf32, #tpu.memory_space<hbm>>) target(%dma_start3A_132 : memref<128x128xf32, #tpu.memory_space<vmem>>) offsets(%dma_start3A_133 : memref<128xi32, #tpu.memory_space<vmem>>) semaphore(%arg11 : memref<!tpu.dma_semaphore, #tpu.memory_space<semaphore_mem>>)
        } else {
        }
        %add3A_99 = arith.constant 1 : i32
        %add3A_100 = arith.addi %mul3A_77, %add3A_99 : i32
        %dma_wait3A_101 = arith.constant 1 : i32
        %dma_wait3A_102 = arith.constant 0 : i32
        %dma_wait3A_103 = arith.constant 0 : i32
        %dma_wait3A_104 = tpu.memref_slice %arg9[%dma_wait3A_101, %dma_wait3A_102, %dma_wait3A_103] : memref<2x128x128xf32, #tpu.memory_space<vmem>> -> memref<1x128x128xf32, #tpu.memory_space<vmem>>
        %dma_wait3A_105 = tpu.memref_squeeze %dma_wait3A_104 : memref<1x128x128xf32, #tpu.memory_space<vmem>> -> memref<128x128xf32, #tpu.memory_space<vmem>>
        %dma_wait3A_106 = arith.constant 0 : i32
        %dma_wait3A_107 = arith.constant 0 : i32
        %dma_wait3A_108 = tpu.memref_slice %arg4[%dma_wait3A_106, %dma_wait3A_107] : memref<10000x128xf32, #tpu.memory_space<hbm>> -> memref<128x128xf32, #tpu.memory_space<hbm>>
        %dma_wait3A_109 = arith.constant 0 : i32
        %dma_wait3A_110 = arith.constant 0 : i32
        %dma_wait3A_111 = tpu.memref_slice %arg9[%dma_wait3A_101, %dma_wait3A_109, %dma_wait3A_110] : memref<2x128x128xf32, #tpu.memory_space<vmem>> -> memref<1x128x128xf32, #tpu.memory_space<vmem>>
        %dma_wait3A_112 = tpu.memref_squeeze %dma_wait3A_111 : memref<1x128x128xf32, #tpu.memory_space<vmem>> -> memref<128x128xf32, #tpu.memory_space<vmem>>
        %dma_wait3A_113 = arith.constant 0 : i32
        %dma_wait3A_114 = arith.constant 0 : i32
        %dma_wait3A_115 = tpu.memref_slice %arg4[%dma_wait3A_113, %dma_wait3A_114] : memref<10000x128xf32, #tpu.memory_space<hbm>> -> memref<128x128xf32, #tpu.memory_space<hbm>>
        tpu.wait_dma2 semaphore(%arg12 : memref<!tpu.dma_semaphore, #tpu.memory_space<semaphore_mem>>) src(%dma_wait3A_115 : memref<128x128xf32, #tpu.memory_space<hbm>>) dst(%dma_wait3A_112 : memref<128x128xf32, #tpu.memory_space<vmem>>)
        %run_scoped3A_116 = arith.constant 1 : i32
        %run_scoped3A_117 = arith.constant 0 : i32
        "tpu.region"() ({
          %run_scoped3A_126 = tpu.sem_alloc : memref<!tpu.dma_semaphore, #tpu.memory_space<semaphore_mem>>
          %dma_start3A_127 = arith.constant 0 : i32
          %dma_start3A_128 = arith.constant 0 : i32
          %dma_start3A_129 = tpu.memref_slice %arg9[%run_scoped3A_116, %dma_start3A_127, %dma_start3A_128] : memref<2x128x128xf32, #tpu.memory_space<vmem>> -> memref<1x128x128xf32, #tpu.memory_space<vmem>>
          %dma_start3A_130 = tpu.memref_squeeze %dma_start3A_129 : memref<1x128x128xf32, #tpu.memory_space<vmem>> -> memref<128x128xf32, #tpu.memory_space<vmem>>
          %dma_start3A_131 = arith.constant 0 : i32
          %dma_start3A_132 = tpu.memref_slice %arg8[%add3A_100, %run_scoped3A_117, %dma_start3A_131] : memref<4x1x128xi32, #tpu.memory_space<vmem>> -> memref<1x1x128xi32, #tpu.memory_space<vmem>>
          %dma_start3A_133 = tpu.memref_squeeze %dma_start3A_132 : memref<1x1x128xi32, #tpu.memory_space<vmem>> -> memref<128xi32, #tpu.memory_space<vmem>>
          %dma_start3A_134 = arith.constant 0 : i32
          %dma_start3A_135 = arith.constant 0 : i32
          %dma_start3A_136 = tpu.memref_slice %arg10[%dma_start3A_134, %dma_start3A_135] : memref<10112x128xf32, #tpu.memory_space<vmem_shared>> -> memref<10112x128xf32, #tpu.memory_space<vmem_shared>>
          tpu.enqueue_indirect_dma source(%dma_start3A_130 : memref<128x128xf32, #tpu.memory_space<vmem>>) target(%dma_start3A_136 : memref<10112x128xf32, #tpu.memory_space<vmem_shared>>) offsets(%dma_start3A_133 : memref<128xi32, #tpu.memory_space<vmem>>) semaphore(%run_scoped3A_126 : memref<!tpu.dma_semaphore, #tpu.memory_space<semaphore_mem>>) {add = true}
          %dma_wait3A_137 = arith.constant 0 : i32
          %dma_wait3A_138 = arith.constant 0 : i32
          %dma_wait3A_139 = tpu.memref_slice %arg9[%run_scoped3A_116, %dma_wait3A_137, %dma_wait3A_138] : memref<2x128x128xf32, #tpu.memory_space<vmem>> -> memref<1x128x128xf32, #tpu.memory_space<vmem>>
          %dma_wait3A_140 = tpu.memref_squeeze %dma_wait3A_139 : memref<1x128x128xf32, #tpu.memory_space<vmem>> -> memref<128x128xf32, #tpu.memory_space<vmem>>
          %dma_wait3A_141 = arith.constant 0 : i32
          %dma_wait3A_142 = tpu.memref_slice %arg8[%add3A_100, %run_scoped3A_117, %dma_wait3A_141] : memref<4x1x128xi32, #tpu.memory_space<vmem>> -> memref<1x1x128xi32, #tpu.memory_space<vmem>>
          %dma_wait3A_143 = tpu.memref_squeeze %dma_wait3A_142 : memref<1x1x128xi32, #tpu.memory_space<vmem>> -> memref<128xi32, #tpu.memory_space<vmem>>
          %dma_wait3A_144 = arith.constant 0 : i32
          %dma_wait3A_145 = arith.constant 0 : i32
          %dma_wait3A_146 = tpu.memref_slice %arg10[%dma_wait3A_144, %dma_wait3A_145] : memref<10112x128xf32, #tpu.memory_space<vmem_shared>> -> memref<10112x128xf32, #tpu.memory_space<vmem_shared>>
          tpu.wait_indirect_dma semaphore(%run_scoped3A_126 : memref<!tpu.dma_semaphore, #tpu.memory_space<semaphore_mem>>) src(%dma_wait3A_140 : memref<128x128xf32, #tpu.memory_space<vmem>>) dst(%dma_wait3A_146 : memref<10112x128xf32, #tpu.memory_space<vmem_shared>>)
          tpu.yield
        }) : () -> ()
        %add3A_118 = arith.constant 2 : i32
        %add3A_119 = arith.addi %add3A_100, %add3A_118 : i32
        %lt3A_120 = arith.constant 4 : i32
        %lt3A_121 = arith.cmpi slt, %add3A_119, %lt3A_120 : i32
        %convert_element_type3A_122 = arith.extui %lt3A_121 : i1 to i32
        %cond3A_123 = arith.constant 0 : i32
        %cond3A_124 = arith.cmpi ne, %convert_element_type3A_122, %cond3A_123 : i32
        scf.if %cond3A_124 {
          %mul3A_126 = arith.constant 128 : i32
          %mul3A_127 = arith.muli %add3A_119, %mul3A_126 : i32
          %dma_start3A_128 = arith.constant 1 : i32
          %dma_start3A_129 = arith.constant 0 : i32
          %dma_start3A_130 = arith.constant 0 : i32
          %dma_start3A_131 = tpu.memref_slice %arg9[%dma_start3A_128, %dma_start3A_129, %dma_start3A_130] : memref<2x128x128xf32, #tpu.memory_space<vmem>> -> memref<1x128x128xf32, #tpu.memory_space<vmem>>
          %dma_start3A_132 = tpu.memref_squeeze %dma_start3A_131 : memref<1x128x128xf32, #tpu.memory_space<vmem>> -> memref<128x128xf32, #tpu.memory_space<vmem>>
          %dma_start3A_133 = tpu.memref_slice %arg7[%mul3A_127] : memref<512xi32, #tpu.memory_space<vmem>> -> memref<128xi32, #tpu.memory_space<vmem>>
          %dma_start3A_134 = arith.constant 0 : i32
          %dma_start3A_135 = arith.constant 0 : i32
          %dma_start3A_136 = tpu.memref_slice %arg4[%dma_start3A_134, %dma_start3A_135] : memref<10000x128xf32, #tpu.memory_space<hbm>> -> memref<10000x128xf32, #tpu.memory_space<hbm>>
          tpu.enqueue_indirect_dma source(%dma_start3A_136 : memref<10000x128xf32, #tpu.memory_space<hbm>>) target(%dma_start3A_132 : memref<128x128xf32, #tpu.memory_space<vmem>>) offsets(%dma_start3A_133 : memref<128xi32, #tpu.memory_space<vmem>>) semaphore(%arg12 : memref<!tpu.dma_semaphore, #tpu.memory_space<semaphore_mem>>)
        } else {
        }
        %scan3A_125 = arith.constant 0 : i32
        scf.yield %scan3A_125 : i32
      }
      %scan3A_72 = arith.constant 2 : i32
      %while3A_73 = arith.constant 0 : i32
      scf.yield %while3A_73 : i32
    }
    %barrier3A_40 = arith.constant 0 : index
    tpu.barrier barrier_id(%barrier3A_40)
    "tpu.region"() ({
      %run_scoped3A = tpu.sem_alloc : memref<!tpu.dma_semaphore, #tpu.memory_space<semaphore_mem>>
      %dma_start3A = arith.constant 0 : i32
      %dma_start3A_41 = tpu.memref_slice %arg6[%arg0, %mul3A_0, %dma_start3A] : memref<2x10112x128xf32, #tpu.memory_space<hbm>> -> memref<1x632x128xf32, #tpu.memory_space<hbm>>
      %dma_start3A_42 = tpu.memref_squeeze %dma_start3A_41 : memref<1x632x128xf32, #tpu.memory_space<hbm>> -> memref<632x128xf32, #tpu.memory_space<hbm>>
      %dma_start3A_43 = arith.constant 0 : i32
      %dma_start3A_44 = tpu.memref_slice %arg10[%mul3A_0, %dma_start3A_43] : memref<10112x128xf32, #tpu.memory_space<vmem_shared>> -> memref<632x128xf32, #tpu.memory_space<vmem_shared>>
      tpu.enqueue_dma source(%dma_start3A_44 : memref<632x128xf32, #tpu.memory_space<vmem_shared>>) target(%dma_start3A_42 : memref<632x128xf32, #tpu.memory_space<hbm>>) target_semaphore(%run_scoped3A : memref<!tpu.dma_semaphore, #tpu.memory_space<semaphore_mem>>)
      %dma_wait3A = arith.constant 0 : i32
      %dma_wait3A_45 = tpu.memref_slice %arg6[%arg0, %mul3A_0, %dma_wait3A] : memref<2x10112x128xf32, #tpu.memory_space<hbm>> -> memref<1x632x128xf32, #tpu.memory_space<hbm>>
      %dma_wait3A_46 = tpu.memref_squeeze %dma_wait3A_45 : memref<1x632x128xf32, #tpu.memory_space<hbm>> -> memref<632x128xf32, #tpu.memory_space<hbm>>
      %dma_wait3A_47 = arith.constant 0 : i32
      %dma_wait3A_48 = tpu.memref_slice %arg10[%mul3A_0, %dma_wait3A_47] : memref<10112x128xf32, #tpu.memory_space<vmem_shared>> -> memref<632x128xf32, #tpu.memory_space<vmem_shared>>
      tpu.wait_dma2 semaphore(%run_scoped3A : memref<!tpu.dma_semaphore, #tpu.memory_space<semaphore_mem>>) src(%dma_wait3A_48 : memref<632x128xf32, #tpu.memory_space<vmem_shared>>) dst(%dma_wait3A_46 : memref<632x128xf32, #tpu.memory_space<hbm>>)
      tpu.yield
    }) : () -> ()
    return
  }
}

#map = affine_map<(d0, d1) -> (0, 0)>
#map1 = affine_map<(d0, d1) -> (0, 0, 0)>
module attributes {stable_mosaic.version = 14 : i64} {
  func.func @_agg_body(%arg0: i32, %arg1: i32, %arg2: memref<2x327680xi32, #tpu.memory_space<hbm>>, %arg3: memref<2560x1x128xi32, #tpu.memory_space<hbm>>, %arg4: memref<20000x128xf32, #tpu.memory_space<hbm>>, %arg5: memref<10112x128xf32, #tpu.memory_space<hbm>>, %arg6: memref<2x10112x128xf32, #tpu.memory_space<hbm>>, %arg7: memref<5120xi32, #tpu.memory_space<vmem>>, %arg8: memref<40x1x128xi32, #tpu.memory_space<vmem>>, %arg9: memref<2x128x128xf32, #tpu.memory_space<vmem>>, %arg10: memref<10112x128xf32, #tpu.memory_space<vmem_shared>>, %arg11: memref<!tpu.dma_semaphore, #tpu.memory_space<semaphore_mem>>, %arg12: memref<!tpu.dma_semaphore, #tpu.memory_space<semaphore_mem>>) attributes {dimension_semantics = [#tpu.dimension_semantics<core_parallel>, #tpu.dimension_semantics<subcore_parallel>], iteration_bounds = array<i64: 2, 16>, scalar_prefetch = 0 : i64, scratch_operands = 6 : i64, tpu.core_type = #tpu.core_type<sc_vector_subcore>, window_params = [{transform_indices = #map}, {transform_indices = #map1}, {transform_indices = #map}, {transform_indices = #map}, {transform_indices = #map1}]} {
    %mul3A = arith.constant 632 : i32
    %mul3A_0 = arith.muli %arg1, %mul3A : i32
    %mul3A_1 = arith.constant 160 : i32
    %mul3A_2 = arith.muli %arg1, %mul3A_1 : i32
    "tpu.region"() ({
      %run_scoped3A = tpu.sem_alloc : memref<!tpu.dma_semaphore, #tpu.memory_space<semaphore_mem>>
      %dma_start3A = arith.constant 0 : i32
      %dma_start3A_10 = tpu.memref_slice %arg10[%mul3A_0, %dma_start3A] : memref<10112x128xf32, #tpu.memory_space<vmem_shared>> -> memref<632x128xf32, #tpu.memory_space<vmem_shared>>
      %dma_start3A_11 = arith.constant 0 : i32
      %dma_start3A_12 = tpu.memref_slice %arg5[%mul3A_0, %dma_start3A_11] : memref<10112x128xf32, #tpu.memory_space<hbm>> -> memref<632x128xf32, #tpu.memory_space<hbm>>
      tpu.enqueue_dma source(%dma_start3A_12 : memref<632x128xf32, #tpu.memory_space<hbm>>) target(%dma_start3A_10 : memref<632x128xf32, #tpu.memory_space<vmem_shared>>) target_semaphore(%run_scoped3A : memref<!tpu.dma_semaphore, #tpu.memory_space<semaphore_mem>>)
      %dma_wait3A = arith.constant 0 : i32
      %dma_wait3A_13 = tpu.memref_slice %arg10[%mul3A_0, %dma_wait3A] : memref<10112x128xf32, #tpu.memory_space<vmem_shared>> -> memref<632x128xf32, #tpu.memory_space<vmem_shared>>
      %dma_wait3A_14 = arith.constant 0 : i32
      %dma_wait3A_15 = tpu.memref_slice %arg5[%mul3A_0, %dma_wait3A_14] : memref<10112x128xf32, #tpu.memory_space<hbm>> -> memref<632x128xf32, #tpu.memory_space<hbm>>
      tpu.wait_dma2 semaphore(%run_scoped3A : memref<!tpu.dma_semaphore, #tpu.memory_space<semaphore_mem>>) src(%dma_wait3A_15 : memref<632x128xf32, #tpu.memory_space<hbm>>) dst(%dma_wait3A_13 : memref<632x128xf32, #tpu.memory_space<vmem_shared>>)
      tpu.yield
    }) : () -> ()
    %barrier3A = arith.constant 0 : index
    tpu.barrier barrier_id(%barrier3A)
    %scan3A = arith.constant 0 : i32
    %scan3A_3 = arith.constant 0 : i32
    %scan3A_4 = arith.constant 4 : i32
    %scan3A_5 = arith.addi %scan3A_3, %scan3A_4 : i32
    %scan3A_6 = arith.constant 1 : i32
    %scan3A_7 = scf.for %scan3A_10 = %scan3A_3 to %scan3A_5 step %scan3A_6 iter_args(%scan3A_11 = %scan3A) -> (i32)  : i32 {
      %mul3A_12 = arith.constant 40 : i32
      %mul3A_13 = arith.muli %scan3A_10, %mul3A_12 : i32
      %add3A = arith.addi %mul3A_2, %mul3A_13 : i32
      %mul3A_14 = arith.constant 128 : i32
      %mul3A_15 = arith.muli %add3A, %mul3A_14 : i32
      "tpu.region"() ({
        %run_scoped3A = tpu.sem_alloc : memref<!tpu.dma_semaphore, #tpu.memory_space<semaphore_mem>>
        %dma_start3A_43 = tpu.memref_slice %arg2[%arg0, %mul3A_15] : memref<2x327680xi32, #tpu.memory_space<hbm>> -> memref<1x5120xi32, #tpu.memory_space<hbm>>
        %dma_start3A_44 = tpu.memref_squeeze %dma_start3A_43 : memref<1x5120xi32, #tpu.memory_space<hbm>> -> memref<5120xi32, #tpu.memory_space<hbm>>
        %dma_start3A_45 = tpu.memref_slice %arg2[%arg0, %mul3A_15] : memref<2x327680xi32, #tpu.memory_space<hbm>> -> memref<1x5120xi32, #tpu.memory_space<hbm>>
        %dma_start3A_46 = tpu.memref_squeeze %dma_start3A_45 : memref<1x5120xi32, #tpu.memory_space<hbm>> -> memref<5120xi32, #tpu.memory_space<hbm>>
        tpu.enqueue_dma source(%dma_start3A_46 : memref<5120xi32, #tpu.memory_space<hbm>>) target(%arg7 : memref<5120xi32, #tpu.memory_space<vmem>>) target_semaphore(%run_scoped3A : memref<!tpu.dma_semaphore, #tpu.memory_space<semaphore_mem>>)
        %dma_wait3A = tpu.memref_slice %arg2[%arg0, %mul3A_15] : memref<2x327680xi32, #tpu.memory_space<hbm>> -> memref<1x5120xi32, #tpu.memory_space<hbm>>
        %dma_wait3A_47 = tpu.memref_squeeze %dma_wait3A : memref<1x5120xi32, #tpu.memory_space<hbm>> -> memref<5120xi32, #tpu.memory_space<hbm>>
        %dma_wait3A_48 = tpu.memref_slice %arg2[%arg0, %mul3A_15] : memref<2x327680xi32, #tpu.memory_space<hbm>> -> memref<1x5120xi32, #tpu.memory_space<hbm>>
        %dma_wait3A_49 = tpu.memref_squeeze %dma_wait3A_48 : memref<1x5120xi32, #tpu.memory_space<hbm>> -> memref<5120xi32, #tpu.memory_space<hbm>>
        tpu.wait_dma2 semaphore(%run_scoped3A : memref<!tpu.dma_semaphore, #tpu.memory_space<semaphore_mem>>) src(%dma_wait3A_49 : memref<5120xi32, #tpu.memory_space<hbm>>) dst(%arg7 : memref<5120xi32, #tpu.memory_space<vmem>>)
        tpu.yield
      }) : () -> ()
      "tpu.region"() ({
        %run_scoped3A = tpu.sem_alloc : memref<!tpu.dma_semaphore, #tpu.memory_space<semaphore_mem>>
        %dma_start3A_43 = arith.constant 0 : i32
        %dma_start3A_44 = arith.constant 0 : i32
        %dma_start3A_45 = tpu.memref_slice %arg3[%add3A, %dma_start3A_43, %dma_start3A_44] : memref<2560x1x128xi32, #tpu.memory_space<hbm>> -> memref<40x1x128xi32, #tpu.memory_space<hbm>>
        %dma_start3A_46 = arith.constant 0 : i32
        %dma_start3A_47 = arith.constant 0 : i32
        %dma_start3A_48 = tpu.memref_slice %arg3[%add3A, %dma_start3A_46, %dma_start3A_47] : memref<2560x1x128xi32, #tpu.memory_space<hbm>> -> memref<40x1x128xi32, #tpu.memory_space<hbm>>
        tpu.enqueue_dma source(%dma_start3A_48 : memref<40x1x128xi32, #tpu.memory_space<hbm>>) target(%arg8 : memref<40x1x128xi32, #tpu.memory_space<vmem>>) target_semaphore(%run_scoped3A : memref<!tpu.dma_semaphore, #tpu.memory_space<semaphore_mem>>)
        %dma_wait3A = arith.constant 0 : i32
        %dma_wait3A_49 = arith.constant 0 : i32
        %dma_wait3A_50 = tpu.memref_slice %arg3[%add3A, %dma_wait3A, %dma_wait3A_49] : memref<2560x1x128xi32, #tpu.memory_space<hbm>> -> memref<40x1x128xi32, #tpu.memory_space<hbm>>
        %dma_wait3A_51 = arith.constant 0 : i32
        %dma_wait3A_52 = arith.constant 0 : i32
        %dma_wait3A_53 = tpu.memref_slice %arg3[%add3A, %dma_wait3A_51, %dma_wait3A_52] : memref<2560x1x128xi32, #tpu.memory_space<hbm>> -> memref<40x1x128xi32, #tpu.memory_space<hbm>>
        tpu.wait_dma2 semaphore(%run_scoped3A : memref<!tpu.dma_semaphore, #tpu.memory_space<semaphore_mem>>) src(%dma_wait3A_53 : memref<40x1x128xi32, #tpu.memory_space<hbm>>) dst(%arg8 : memref<40x1x128xi32, #tpu.memory_space<vmem>>)
        tpu.yield
      }) : () -> ()
      %dma_start3A = arith.constant 0 : i32
      %dma_start3A_16 = arith.constant 0 : i32
      %dma_start3A_17 = arith.constant 0 : i32
      %dma_start3A_18 = tpu.memref_slice %arg9[%dma_start3A, %dma_start3A_16, %dma_start3A_17] : memref<2x128x128xf32, #tpu.memory_space<vmem>> -> memref<1x128x128xf32, #tpu.memory_space<vmem>>
      %dma_start3A_19 = tpu.memref_squeeze %dma_start3A_18 : memref<1x128x128xf32, #tpu.memory_space<vmem>> -> memref<128x128xf32, #tpu.memory_space<vmem>>
      %dma_start3A_20 = arith.constant 0 : i32
      %dma_start3A_21 = tpu.memref_slice %arg7[%dma_start3A_20] : memref<5120xi32, #tpu.memory_space<vmem>> -> memref<128xi32, #tpu.memory_space<vmem>>
      %dma_start3A_22 = arith.constant 0 : i32
      %dma_start3A_23 = arith.constant 0 : i32
      %dma_start3A_24 = tpu.memref_slice %arg4[%dma_start3A_22, %dma_start3A_23] : memref<20000x128xf32, #tpu.memory_space<hbm>> -> memref<20000x128xf32, #tpu.memory_space<hbm>>
      tpu.enqueue_indirect_dma source(%dma_start3A_24 : memref<20000x128xf32, #tpu.memory_space<hbm>>) target(%dma_start3A_19 : memref<128x128xf32, #tpu.memory_space<vmem>>) offsets(%dma_start3A_21 : memref<128xi32, #tpu.memory_space<vmem>>) semaphore(%arg11 : memref<!tpu.dma_semaphore, #tpu.memory_space<semaphore_mem>>)
      %dma_start3A_25 = arith.constant 1 : i32
      %dma_start3A_26 = arith.constant 0 : i32
      %dma_start3A_27 = arith.constant 0 : i32
      %dma_start3A_28 = tpu.memref_slice %arg9[%dma_start3A_25, %dma_start3A_26, %dma_start3A_27] : memref<2x128x128xf32, #tpu.memory_space<vmem>> -> memref<1x128x128xf32, #tpu.memory_space<vmem>>
      %dma_start3A_29 = tpu.memref_squeeze %dma_start3A_28 : memref<1x128x128xf32, #tpu.memory_space<vmem>> -> memref<128x128xf32, #tpu.memory_space<vmem>>
      %dma_start3A_30 = arith.constant 128 : i32
      %dma_start3A_31 = tpu.memref_slice %arg7[%dma_start3A_30] : memref<5120xi32, #tpu.memory_space<vmem>> -> memref<128xi32, #tpu.memory_space<vmem>>
      %dma_start3A_32 = arith.constant 0 : i32
      %dma_start3A_33 = arith.constant 0 : i32
      %dma_start3A_34 = tpu.memref_slice %arg4[%dma_start3A_32, %dma_start3A_33] : memref<20000x128xf32, #tpu.memory_space<hbm>> -> memref<20000x128xf32, #tpu.memory_space<hbm>>
      tpu.enqueue_indirect_dma source(%dma_start3A_34 : memref<20000x128xf32, #tpu.memory_space<hbm>>) target(%dma_start3A_29 : memref<128x128xf32, #tpu.memory_space<vmem>>) offsets(%dma_start3A_31 : memref<128xi32, #tpu.memory_space<vmem>>) semaphore(%arg12 : memref<!tpu.dma_semaphore, #tpu.memory_space<semaphore_mem>>)
      %scan3A_35 = arith.constant 0 : i32
      %scan3A_36 = arith.constant 0 : i32
      %scan3A_37 = arith.constant 20 : i32
      %scan3A_38 = arith.addi %scan3A_36, %scan3A_37 : i32
      %scan3A_39 = arith.constant 1 : i32
      %scan3A_40 = scf.for %scan3A_43 = %scan3A_36 to %scan3A_38 step %scan3A_39 iter_args(%scan3A_44 = %scan3A_35) -> (i32)  : i32 {
        %mul3A_45 = arith.constant 2 : i32
        %mul3A_46 = arith.muli %scan3A_43, %mul3A_45 : i32
        %add3A_47 = arith.constant 0 : i32
        %add3A_48 = arith.addi %mul3A_46, %add3A_47 : i32
        %dma_wait3A = arith.constant 0 : i32
        %dma_wait3A_49 = arith.constant 0 : i32
        %dma_wait3A_50 = arith.constant 0 : i32
        %dma_wait3A_51 = tpu.memref_slice %arg9[%dma_wait3A, %dma_wait3A_49, %dma_wait3A_50] : memref<2x128x128xf32, #tpu.memory_space<vmem>> -> memref<1x128x128xf32, #tpu.memory_space<vmem>>
        %dma_wait3A_52 = tpu.memref_squeeze %dma_wait3A_51 : memref<1x128x128xf32, #tpu.memory_space<vmem>> -> memref<128x128xf32, #tpu.memory_space<vmem>>
        %dma_wait3A_53 = arith.constant 0 : i32
        %dma_wait3A_54 = arith.constant 0 : i32
        %dma_wait3A_55 = tpu.memref_slice %arg4[%dma_wait3A_53, %dma_wait3A_54] : memref<20000x128xf32, #tpu.memory_space<hbm>> -> memref<128x128xf32, #tpu.memory_space<hbm>>
        %dma_wait3A_56 = arith.constant 0 : i32
        %dma_wait3A_57 = arith.constant 0 : i32
        %dma_wait3A_58 = tpu.memref_slice %arg9[%dma_wait3A, %dma_wait3A_56, %dma_wait3A_57] : memref<2x128x128xf32, #tpu.memory_space<vmem>> -> memref<1x128x128xf32, #tpu.memory_space<vmem>>
        %dma_wait3A_59 = tpu.memref_squeeze %dma_wait3A_58 : memref<1x128x128xf32, #tpu.memory_space<vmem>> -> memref<128x128xf32, #tpu.memory_space<vmem>>
        %dma_wait3A_60 = arith.constant 0 : i32
        %dma_wait3A_61 = arith.constant 0 : i32
        %dma_wait3A_62 = tpu.memref_slice %arg4[%dma_wait3A_60, %dma_wait3A_61] : memref<20000x128xf32, #tpu.memory_space<hbm>> -> memref<128x128xf32, #tpu.memory_space<hbm>>
        tpu.wait_dma2 semaphore(%arg11 : memref<!tpu.dma_semaphore, #tpu.memory_space<semaphore_mem>>) src(%dma_wait3A_62 : memref<128x128xf32, #tpu.memory_space<hbm>>) dst(%dma_wait3A_59 : memref<128x128xf32, #tpu.memory_space<vmem>>)
        %run_scoped3A = arith.constant 0 : i32
        %run_scoped3A_63 = arith.constant 0 : i32
        "tpu.region"() ({
          %run_scoped3A_95 = tpu.sem_alloc : memref<!tpu.dma_semaphore, #tpu.memory_space<semaphore_mem>>
          %dma_start3A_96 = arith.constant 0 : i32
          %dma_start3A_97 = arith.constant 0 : i32
          %dma_start3A_98 = tpu.memref_slice %arg9[%run_scoped3A, %dma_start3A_96, %dma_start3A_97] : memref<2x128x128xf32, #tpu.memory_space<vmem>> -> memref<1x128x128xf32, #tpu.memory_space<vmem>>
          %dma_start3A_99 = tpu.memref_squeeze %dma_start3A_98 : memref<1x128x128xf32, #tpu.memory_space<vmem>> -> memref<128x128xf32, #tpu.memory_space<vmem>>
          %dma_start3A_100 = arith.constant 0 : i32
          %dma_start3A_101 = tpu.memref_slice %arg8[%add3A_48, %run_scoped3A_63, %dma_start3A_100] : memref<40x1x128xi32, #tpu.memory_space<vmem>> -> memref<1x1x128xi32, #tpu.memory_space<vmem>>
          %dma_start3A_102 = tpu.memref_squeeze %dma_start3A_101 : memref<1x1x128xi32, #tpu.memory_space<vmem>> -> memref<128xi32, #tpu.memory_space<vmem>>
          %dma_start3A_103 = arith.constant 0 : i32
          %dma_start3A_104 = arith.constant 0 : i32
          %dma_start3A_105 = tpu.memref_slice %arg10[%dma_start3A_103, %dma_start3A_104] : memref<10112x128xf32, #tpu.memory_space<vmem_shared>> -> memref<10112x128xf32, #tpu.memory_space<vmem_shared>>
          tpu.enqueue_indirect_dma source(%dma_start3A_99 : memref<128x128xf32, #tpu.memory_space<vmem>>) target(%dma_start3A_105 : memref<10112x128xf32, #tpu.memory_space<vmem_shared>>) offsets(%dma_start3A_102 : memref<128xi32, #tpu.memory_space<vmem>>) semaphore(%run_scoped3A_95 : memref<!tpu.dma_semaphore, #tpu.memory_space<semaphore_mem>>) {add = true}
          %dma_wait3A_106 = arith.constant 0 : i32
          %dma_wait3A_107 = arith.constant 0 : i32
          %dma_wait3A_108 = tpu.memref_slice %arg9[%run_scoped3A, %dma_wait3A_106, %dma_wait3A_107] : memref<2x128x128xf32, #tpu.memory_space<vmem>> -> memref<1x128x128xf32, #tpu.memory_space<vmem>>
          %dma_wait3A_109 = tpu.memref_squeeze %dma_wait3A_108 : memref<1x128x128xf32, #tpu.memory_space<vmem>> -> memref<128x128xf32, #tpu.memory_space<vmem>>
          %dma_wait3A_110 = arith.constant 0 : i32
          %dma_wait3A_111 = tpu.memref_slice %arg8[%add3A_48, %run_scoped3A_63, %dma_wait3A_110] : memref<40x1x128xi32, #tpu.memory_space<vmem>> -> memref<1x1x128xi32, #tpu.memory_space<vmem>>
          %dma_wait3A_112 = tpu.memref_squeeze %dma_wait3A_111 : memref<1x1x128xi32, #tpu.memory_space<vmem>> -> memref<128xi32, #tpu.memory_space<vmem>>
          %dma_wait3A_113 = arith.constant 0 : i32
          %dma_wait3A_114 = arith.constant 0 : i32
          %dma_wait3A_115 = tpu.memref_slice %arg10[%dma_wait3A_113, %dma_wait3A_114] : memref<10112x128xf32, #tpu.memory_space<vmem_shared>> -> memref<10112x128xf32, #tpu.memory_space<vmem_shared>>
          tpu.wait_indirect_dma semaphore(%run_scoped3A_95 : memref<!tpu.dma_semaphore, #tpu.memory_space<semaphore_mem>>) src(%dma_wait3A_109 : memref<128x128xf32, #tpu.memory_space<vmem>>) dst(%dma_wait3A_115 : memref<10112x128xf32, #tpu.memory_space<vmem_shared>>)
          tpu.yield
        }) : () -> ()
        %add3A_64 = arith.constant 2 : i32
        %add3A_65 = arith.addi %add3A_48, %add3A_64 : i32
        %lt3A = arith.constant 40 : i32
        %lt3A_66 = arith.cmpi slt, %add3A_65, %lt3A : i32
        %convert_element_type3A = arith.extui %lt3A_66 : i1 to i32
        %cond3A = arith.constant 0 : i32
        %cond3A_67 = arith.cmpi ne, %convert_element_type3A, %cond3A : i32
        scf.if %cond3A_67 {
          %mul3A_95 = arith.constant 128 : i32
          %mul3A_96 = arith.muli %add3A_65, %mul3A_95 : i32
          %dma_start3A_97 = arith.constant 0 : i32
          %dma_start3A_98 = arith.constant 0 : i32
          %dma_start3A_99 = arith.constant 0 : i32
          %dma_start3A_100 = tpu.memref_slice %arg9[%dma_start3A_97, %dma_start3A_98, %dma_start3A_99] : memref<2x128x128xf32, #tpu.memory_space<vmem>> -> memref<1x128x128xf32, #tpu.memory_space<vmem>>
          %dma_start3A_101 = tpu.memref_squeeze %dma_start3A_100 : memref<1x128x128xf32, #tpu.memory_space<vmem>> -> memref<128x128xf32, #tpu.memory_space<vmem>>
          %dma_start3A_102 = tpu.memref_slice %arg7[%mul3A_96] : memref<5120xi32, #tpu.memory_space<vmem>> -> memref<128xi32, #tpu.memory_space<vmem>>
          %dma_start3A_103 = arith.constant 0 : i32
          %dma_start3A_104 = arith.constant 0 : i32
          %dma_start3A_105 = tpu.memref_slice %arg4[%dma_start3A_103, %dma_start3A_104] : memref<20000x128xf32, #tpu.memory_space<hbm>> -> memref<20000x128xf32, #tpu.memory_space<hbm>>
          tpu.enqueue_indirect_dma source(%dma_start3A_105 : memref<20000x128xf32, #tpu.memory_space<hbm>>) target(%dma_start3A_101 : memref<128x128xf32, #tpu.memory_space<vmem>>) offsets(%dma_start3A_102 : memref<128xi32, #tpu.memory_space<vmem>>) semaphore(%arg11 : memref<!tpu.dma_semaphore, #tpu.memory_space<semaphore_mem>>)
        } else {
        }
        %add3A_68 = arith.constant 1 : i32
        %add3A_69 = arith.addi %mul3A_46, %add3A_68 : i32
        %dma_wait3A_70 = arith.constant 1 : i32
        %dma_wait3A_71 = arith.constant 0 : i32
        %dma_wait3A_72 = arith.constant 0 : i32
        %dma_wait3A_73 = tpu.memref_slice %arg9[%dma_wait3A_70, %dma_wait3A_71, %dma_wait3A_72] : memref<2x128x128xf32, #tpu.memory_space<vmem>> -> memref<1x128x128xf32, #tpu.memory_space<vmem>>
        %dma_wait3A_74 = tpu.memref_squeeze %dma_wait3A_73 : memref<1x128x128xf32, #tpu.memory_space<vmem>> -> memref<128x128xf32, #tpu.memory_space<vmem>>
        %dma_wait3A_75 = arith.constant 0 : i32
        %dma_wait3A_76 = arith.constant 0 : i32
        %dma_wait3A_77 = tpu.memref_slice %arg4[%dma_wait3A_75, %dma_wait3A_76] : memref<20000x128xf32, #tpu.memory_space<hbm>> -> memref<128x128xf32, #tpu.memory_space<hbm>>
        %dma_wait3A_78 = arith.constant 0 : i32
        %dma_wait3A_79 = arith.constant 0 : i32
        %dma_wait3A_80 = tpu.memref_slice %arg9[%dma_wait3A_70, %dma_wait3A_78, %dma_wait3A_79] : memref<2x128x128xf32, #tpu.memory_space<vmem>> -> memref<1x128x128xf32, #tpu.memory_space<vmem>>
        %dma_wait3A_81 = tpu.memref_squeeze %dma_wait3A_80 : memref<1x128x128xf32, #tpu.memory_space<vmem>> -> memref<128x128xf32, #tpu.memory_space<vmem>>
        %dma_wait3A_82 = arith.constant 0 : i32
        %dma_wait3A_83 = arith.constant 0 : i32
        %dma_wait3A_84 = tpu.memref_slice %arg4[%dma_wait3A_82, %dma_wait3A_83] : memref<20000x128xf32, #tpu.memory_space<hbm>> -> memref<128x128xf32, #tpu.memory_space<hbm>>
        tpu.wait_dma2 semaphore(%arg12 : memref<!tpu.dma_semaphore, #tpu.memory_space<semaphore_mem>>) src(%dma_wait3A_84 : memref<128x128xf32, #tpu.memory_space<hbm>>) dst(%dma_wait3A_81 : memref<128x128xf32, #tpu.memory_space<vmem>>)
        %run_scoped3A_85 = arith.constant 1 : i32
        %run_scoped3A_86 = arith.constant 0 : i32
        "tpu.region"() ({
          %run_scoped3A_95 = tpu.sem_alloc : memref<!tpu.dma_semaphore, #tpu.memory_space<semaphore_mem>>
          %dma_start3A_96 = arith.constant 0 : i32
          %dma_start3A_97 = arith.constant 0 : i32
          %dma_start3A_98 = tpu.memref_slice %arg9[%run_scoped3A_85, %dma_start3A_96, %dma_start3A_97] : memref<2x128x128xf32, #tpu.memory_space<vmem>> -> memref<1x128x128xf32, #tpu.memory_space<vmem>>
          %dma_start3A_99 = tpu.memref_squeeze %dma_start3A_98 : memref<1x128x128xf32, #tpu.memory_space<vmem>> -> memref<128x128xf32, #tpu.memory_space<vmem>>
          %dma_start3A_100 = arith.constant 0 : i32
          %dma_start3A_101 = tpu.memref_slice %arg8[%add3A_69, %run_scoped3A_86, %dma_start3A_100] : memref<40x1x128xi32, #tpu.memory_space<vmem>> -> memref<1x1x128xi32, #tpu.memory_space<vmem>>
          %dma_start3A_102 = tpu.memref_squeeze %dma_start3A_101 : memref<1x1x128xi32, #tpu.memory_space<vmem>> -> memref<128xi32, #tpu.memory_space<vmem>>
          %dma_start3A_103 = arith.constant 0 : i32
          %dma_start3A_104 = arith.constant 0 : i32
          %dma_start3A_105 = tpu.memref_slice %arg10[%dma_start3A_103, %dma_start3A_104] : memref<10112x128xf32, #tpu.memory_space<vmem_shared>> -> memref<10112x128xf32, #tpu.memory_space<vmem_shared>>
          tpu.enqueue_indirect_dma source(%dma_start3A_99 : memref<128x128xf32, #tpu.memory_space<vmem>>) target(%dma_start3A_105 : memref<10112x128xf32, #tpu.memory_space<vmem_shared>>) offsets(%dma_start3A_102 : memref<128xi32, #tpu.memory_space<vmem>>) semaphore(%run_scoped3A_95 : memref<!tpu.dma_semaphore, #tpu.memory_space<semaphore_mem>>) {add = true}
          %dma_wait3A_106 = arith.constant 0 : i32
          %dma_wait3A_107 = arith.constant 0 : i32
          %dma_wait3A_108 = tpu.memref_slice %arg9[%run_scoped3A_85, %dma_wait3A_106, %dma_wait3A_107] : memref<2x128x128xf32, #tpu.memory_space<vmem>> -> memref<1x128x128xf32, #tpu.memory_space<vmem>>
          %dma_wait3A_109 = tpu.memref_squeeze %dma_wait3A_108 : memref<1x128x128xf32, #tpu.memory_space<vmem>> -> memref<128x128xf32, #tpu.memory_space<vmem>>
          %dma_wait3A_110 = arith.constant 0 : i32
          %dma_wait3A_111 = tpu.memref_slice %arg8[%add3A_69, %run_scoped3A_86, %dma_wait3A_110] : memref<40x1x128xi32, #tpu.memory_space<vmem>> -> memref<1x1x128xi32, #tpu.memory_space<vmem>>
          %dma_wait3A_112 = tpu.memref_squeeze %dma_wait3A_111 : memref<1x1x128xi32, #tpu.memory_space<vmem>> -> memref<128xi32, #tpu.memory_space<vmem>>
          %dma_wait3A_113 = arith.constant 0 : i32
          %dma_wait3A_114 = arith.constant 0 : i32
          %dma_wait3A_115 = tpu.memref_slice %arg10[%dma_wait3A_113, %dma_wait3A_114] : memref<10112x128xf32, #tpu.memory_space<vmem_shared>> -> memref<10112x128xf32, #tpu.memory_space<vmem_shared>>
          tpu.wait_indirect_dma semaphore(%run_scoped3A_95 : memref<!tpu.dma_semaphore, #tpu.memory_space<semaphore_mem>>) src(%dma_wait3A_109 : memref<128x128xf32, #tpu.memory_space<vmem>>) dst(%dma_wait3A_115 : memref<10112x128xf32, #tpu.memory_space<vmem_shared>>)
          tpu.yield
        }) : () -> ()
        %add3A_87 = arith.constant 2 : i32
        %add3A_88 = arith.addi %add3A_69, %add3A_87 : i32
        %lt3A_89 = arith.constant 40 : i32
        %lt3A_90 = arith.cmpi slt, %add3A_88, %lt3A_89 : i32
        %convert_element_type3A_91 = arith.extui %lt3A_90 : i1 to i32
        %cond3A_92 = arith.constant 0 : i32
        %cond3A_93 = arith.cmpi ne, %convert_element_type3A_91, %cond3A_92 : i32
        scf.if %cond3A_93 {
          %mul3A_95 = arith.constant 128 : i32
          %mul3A_96 = arith.muli %add3A_88, %mul3A_95 : i32
          %dma_start3A_97 = arith.constant 1 : i32
          %dma_start3A_98 = arith.constant 0 : i32
          %dma_start3A_99 = arith.constant 0 : i32
          %dma_start3A_100 = tpu.memref_slice %arg9[%dma_start3A_97, %dma_start3A_98, %dma_start3A_99] : memref<2x128x128xf32, #tpu.memory_space<vmem>> -> memref<1x128x128xf32, #tpu.memory_space<vmem>>
          %dma_start3A_101 = tpu.memref_squeeze %dma_start3A_100 : memref<1x128x128xf32, #tpu.memory_space<vmem>> -> memref<128x128xf32, #tpu.memory_space<vmem>>
          %dma_start3A_102 = tpu.memref_slice %arg7[%mul3A_96] : memref<5120xi32, #tpu.memory_space<vmem>> -> memref<128xi32, #tpu.memory_space<vmem>>
          %dma_start3A_103 = arith.constant 0 : i32
          %dma_start3A_104 = arith.constant 0 : i32
          %dma_start3A_105 = tpu.memref_slice %arg4[%dma_start3A_103, %dma_start3A_104] : memref<20000x128xf32, #tpu.memory_space<hbm>> -> memref<20000x128xf32, #tpu.memory_space<hbm>>
          tpu.enqueue_indirect_dma source(%dma_start3A_105 : memref<20000x128xf32, #tpu.memory_space<hbm>>) target(%dma_start3A_101 : memref<128x128xf32, #tpu.memory_space<vmem>>) offsets(%dma_start3A_102 : memref<128xi32, #tpu.memory_space<vmem>>) semaphore(%arg12 : memref<!tpu.dma_semaphore, #tpu.memory_space<semaphore_mem>>)
        } else {
        }
        %scan3A_94 = arith.constant 0 : i32
        scf.yield %scan3A_94 : i32
      }
      %scan3A_41 = arith.constant 20 : i32
      %scan3A_42 = arith.constant 0 : i32
      scf.yield %scan3A_42 : i32
    }
    %scan3A_8 = arith.constant 4 : i32
    %barrier3A_9 = arith.constant 0 : index
    tpu.barrier barrier_id(%barrier3A_9)
    "tpu.region"() ({
      %run_scoped3A = tpu.sem_alloc : memref<!tpu.dma_semaphore, #tpu.memory_space<semaphore_mem>>
      %dma_start3A = arith.constant 0 : i32
      %dma_start3A_10 = tpu.memref_slice %arg6[%arg0, %mul3A_0, %dma_start3A] : memref<2x10112x128xf32, #tpu.memory_space<hbm>> -> memref<1x632x128xf32, #tpu.memory_space<hbm>>
      %dma_start3A_11 = tpu.memref_squeeze %dma_start3A_10 : memref<1x632x128xf32, #tpu.memory_space<hbm>> -> memref<632x128xf32, #tpu.memory_space<hbm>>
      %dma_start3A_12 = arith.constant 0 : i32
      %dma_start3A_13 = tpu.memref_slice %arg10[%mul3A_0, %dma_start3A_12] : memref<10112x128xf32, #tpu.memory_space<vmem_shared>> -> memref<632x128xf32, #tpu.memory_space<vmem_shared>>
      tpu.enqueue_dma source(%dma_start3A_13 : memref<632x128xf32, #tpu.memory_space<vmem_shared>>) target(%dma_start3A_11 : memref<632x128xf32, #tpu.memory_space<hbm>>) target_semaphore(%run_scoped3A : memref<!tpu.dma_semaphore, #tpu.memory_space<semaphore_mem>>)
      %dma_wait3A = arith.constant 0 : i32
      %dma_wait3A_14 = tpu.memref_slice %arg6[%arg0, %mul3A_0, %dma_wait3A] : memref<2x10112x128xf32, #tpu.memory_space<hbm>> -> memref<1x632x128xf32, #tpu.memory_space<hbm>>
      %dma_wait3A_15 = tpu.memref_squeeze %dma_wait3A_14 : memref<1x632x128xf32, #tpu.memory_space<hbm>> -> memref<632x128xf32, #tpu.memory_space<hbm>>
      %dma_wait3A_16 = arith.constant 0 : i32
      %dma_wait3A_17 = tpu.memref_slice %arg10[%mul3A_0, %dma_wait3A_16] : memref<10112x128xf32, #tpu.memory_space<vmem_shared>> -> memref<632x128xf32, #tpu.memory_space<vmem_shared>>
      tpu.wait_dma2 semaphore(%run_scoped3A : memref<!tpu.dma_semaphore, #tpu.memory_space<semaphore_mem>>) src(%dma_wait3A_17 : memref<632x128xf32, #tpu.memory_space<vmem_shared>>) dst(%dma_wait3A_15 : memref<632x128xf32, #tpu.memory_space<hbm>>)
      tpu.yield
    }) : () -> ()
    return
  }
}

module attributes {stable_mosaic.version = 14 : i64} {
  func.func @_k1_body(%arg0: i32, %arg1: memref<1000x128xf32, #tpu.memory_space<vmem>>, %arg2: memref<128x128xf32, #tpu.memory_space<vmem>>, %arg3: memref<2x1000x128xf32, #tpu.memory_space<vmem>>, %arg4: memref<1000x128xf32, #tpu.memory_space<vmem>>, %arg5: memref<1000x1xf32, #tpu.memory_space<vmem>>) attributes {dimension_semantics = [#tpu.dimension_semantics<arbitrary>], iteration_bounds = array<i64: 10>, scalar_prefetch = 0 : i64, scratch_operands = 0 : i64, tpu.core_type = #tpu.core_type<tc>, window_params = [{transform_indices = @transform_0, window_bounds = array<i64: 1000, 128>}, {pipeline_mode = #tpu.pipeline_mode<synchronous>, transform_indices = @transform_1, window_bounds = array<i64: 128, 128>}, {transform_indices = @transform_2, window_bounds = array<i64: 2, 1000, 128>}, {transform_indices = @transform_3, window_bounds = array<i64: 1000, 128>}, {transform_indices = @transform_4, window_bounds = array<i64: 1000, 1>}]} {
    %get3A = arith.constant 0 : index
    %get3A_0 = arith.constant 0 : index
    %get3A_1 = arith.constant 0 : index
    %get3A_2 = vector.load %arg3[%get3A, %get3A_0, %get3A_1] : memref<2x1000x128xf32, #tpu.memory_space<vmem>>, vector<1x1000x128xf32>
    %get3A_3 = vector.shape_cast %get3A_2 : vector<1x1000x128xf32> to vector<1000x128xf32>
    %get3A_4 = arith.constant 1 : index
    %get3A_5 = arith.constant 0 : index
    %get3A_6 = arith.constant 0 : index
    %get3A_7 = vector.load %arg3[%get3A_4, %get3A_5, %get3A_6] : memref<2x1000x128xf32, #tpu.memory_space<vmem>>, vector<1x1000x128xf32>
    %get3A_8 = vector.shape_cast %get3A_7 : vector<1x1000x128xf32> to vector<1000x128xf32>
    %add3A = arith.addf %get3A_3, %get3A_8 : vector<1000x128xf32>
    %slice3A = vector.extract_strided_slice %add3A {offsets = [0, 0], sizes = [1000, 1], strides = [1, 1]} : vector<1000x128xf32> to vector<1000x1xf32>
    %squeeze3A = vector.shape_cast %slice3A : vector<1000x1xf32> to vector<1000xf32>
    %add3A_9 = arith.constant 2.000000e+00 : f32
    %add3A_10 = vector.broadcast %add3A_9 : f32 to vector<1000xf32>
    %add3A_11 = arith.addf %squeeze3A, %add3A_10 : vector<1000xf32>
    %rsqrt3A = math.rsqrt %add3A_11 : vector<1000xf32>
    %get3A_12 = arith.constant 0 : index
    %get3A_13 = arith.constant 0 : index
    %get3A_14 = vector.load %arg1[%get3A_12, %get3A_13] : memref<1000x128xf32, #tpu.memory_space<vmem>>, vector<1000x128xf32>
    %get3A_15 = arith.constant 0 : index
    %get3A_16 = arith.constant 0 : index
    %get3A_17 = vector.load %arg2[%get3A_15, %get3A_16] : memref<128x128xf32, #tpu.memory_space<vmem>>, vector<128x128xf32>
    %dot_general3A = arith.constant dense<0.000000e+00> : vector<1000x128xf32>
    %dot_general3A_18 = tpu.matmul %get3A_14, %get3A_17, %dot_general3A {dimension_numbers = #tpu.dot_dimension_numbers<[1], [0], [0], [1], [0, 0, 1, 1], [], []>, transpose_lhs_hint = false} : vector<1000x128xf32>, vector<128x128xf32>, vector<1000x128xf32> -> vector<1000x128xf32>
    %broadcast_in_dim3A = vector.shape_cast %rsqrt3A : vector<1000xf32> to vector<1000x1xf32>
    %mul3A = vector.broadcast %broadcast_in_dim3A : vector<1000x1xf32> to vector<1000x128xf32>
    %mul3A_19 = arith.mulf %dot_general3A_18, %mul3A : vector<1000x128xf32>
    %swap3A = arith.constant 0 : index
    %swap3A_20 = arith.constant 0 : index
    %swap3A_21 = vector.load %arg4[%swap3A, %swap3A_20] : memref<1000x128xf32, #tpu.memory_space<vmem>>, vector<1000x128xf32>
    tpu.vector_store %arg4[%swap3A, %swap3A_20], %mul3A_19 {strides = array<i32>} : memref<1000x128xf32, #tpu.memory_space<vmem>>, vector<1000x128xf32>,
    %broadcast_in_dim3A_22 = vector.shape_cast %rsqrt3A : vector<1000xf32> to vector<1000x1xf32>
    %swap3A_23 = arith.constant 0 : index
    %swap3A_24 = arith.constant 0 : index
    %swap3A_25 = vector.load %arg5[%swap3A_23, %swap3A_24] : memref<1000x1xf32, #tpu.memory_space<vmem>>, vector<1000x1xf32>
    tpu.vector_store %arg5[%swap3A_23, %swap3A_24], %broadcast_in_dim3A_22 {strides = array<i32>} : memref<1000x1xf32, #tpu.memory_space<vmem>>, vector<1000x1xf32>,
    return
  }
  func.func @transform_0(%arg0: i32) -> (i32, i32) {
    %c0_i32 = arith.constant 0 : i32
    %c0_i32_0 = arith.constant 0 : i32
    return %arg0, %c0_i32 : i32, i32
  }
  func.func @transform_1(%arg0: i32) -> (i32, i32) {
    %c0_i32 = arith.constant 0 : i32
    %c0_i32_0 = arith.constant 0 : i32
    %c0_i32_1 = arith.constant 0 : i32
    return %c0_i32, %c0_i32_0 : i32, i32
  }
  func.func @transform_2(%arg0: i32) -> (i32, i32, i32) {
    %c0_i32 = arith.constant 0 : i32
    %c0_i32_0 = arith.constant 0 : i32
    %c0_i32_1 = arith.constant 0 : i32
    return %c0_i32, %arg0, %c0_i32_0 : i32, i32, i32
  }
  func.func @transform_3(%arg0: i32) -> (i32, i32) {
    %c0_i32 = arith.constant 0 : i32
    %c0_i32_0 = arith.constant 0 : i32
    return %arg0, %c0_i32 : i32, i32
  }
  func.func @transform_4(%arg0: i32) -> (i32, i32) {
    %c0_i32 = arith.constant 0 : i32
    %c0_i32_0 = arith.constant 0 : i32
    return %arg0, %c0_i32 : i32, i32
  }
}

module attributes {stable_mosaic.version = 14 : i64} {
  func.func @_k2a_body(%arg0: i32, %arg1: memref<2x1000x128xf32, #tpu.memory_space<vmem>>, %arg2: memref<1000x128xf32, #tpu.memory_space<vmem>>, %arg3: memref<1000x1xf32, #tpu.memory_space<vmem>>, %arg4: memref<1x128xf32, #tpu.memory_space<vmem>>, %arg5: memref<128x256xf32, #tpu.memory_space<vmem>>, %arg6: memref<2x1000x128xf32, #tpu.memory_space<vmem>>) attributes {dimension_semantics = [#tpu.dimension_semantics<arbitrary>], iteration_bounds = array<i64: 10>, scalar_prefetch = 0 : i64, scratch_operands = 0 : i64, tpu.core_type = #tpu.core_type<tc>, window_params = [{transform_indices = @transform_0, window_bounds = array<i64: 2, 1000, 128>}, {transform_indices = @transform_1, window_bounds = array<i64: 1000, 128>}, {transform_indices = @transform_2, window_bounds = array<i64: 1000, 1>}, {pipeline_mode = #tpu.pipeline_mode<synchronous>, transform_indices = @transform_3, window_bounds = array<i64: 1, 128>}, {pipeline_mode = #tpu.pipeline_mode<synchronous>, transform_indices = @transform_4, window_bounds = array<i64: 128, 256>}, {transform_indices = @transform_5, window_bounds = array<i64: 2, 1000, 128>}]} {
    %get3A = arith.constant 0 : index
    %get3A_0 = arith.constant 0 : index
    %get3A_1 = vector.load %arg3[%get3A, %get3A_0] : memref<1000x1xf32, #tpu.memory_space<vmem>>, vector<1000x1xf32>
    %get3A_2 = arith.constant 0 : index
    %get3A_3 = arith.constant 0 : index
    %get3A_4 = arith.constant 0 : index
    %get3A_5 = vector.load %arg1[%get3A_2, %get3A_3, %get3A_4] : memref<2x1000x128xf32, #tpu.memory_space<vmem>>, vector<1x1000x128xf32>
    %get3A_6 = vector.shape_cast %get3A_5 : vector<1x1000x128xf32> to vector<1000x128xf32>
    %get3A_7 = arith.constant 1 : index
    %get3A_8 = arith.constant 0 : index
    %get3A_9 = arith.constant 0 : index
    %get3A_10 = vector.load %arg1[%get3A_7, %get3A_8, %get3A_9] : memref<2x1000x128xf32, #tpu.memory_space<vmem>>, vector<1x1000x128xf32>
    %get3A_11 = vector.shape_cast %get3A_10 : vector<1x1000x128xf32> to vector<1000x128xf32>
    %add3A = arith.addf %get3A_6, %get3A_11 : vector<1000x128xf32>
    %get3A_12 = arith.constant 0 : index
    %get3A_13 = arith.constant 0 : index
    %get3A_14 = vector.load %arg2[%get3A_12, %get3A_13] : memref<1000x128xf32, #tpu.memory_space<vmem>>, vector<1000x128xf32>
    %mul3A = arith.constant 2.000000e+00 : f32
    %mul3A_15 = vector.broadcast %mul3A : f32 to vector<1000x128xf32>
    %mul3A_16 = arith.mulf %mul3A_15, %get3A_14 : vector<1000x128xf32>
    %add3A_17 = arith.addf %add3A, %mul3A_16 : vector<1000x128xf32>
    %mul3A_18 = vector.broadcast %get3A_1 : vector<1000x1xf32> to vector<1000x128xf32>
    %mul3A_19 = arith.mulf %mul3A_18, %add3A_17 : vector<1000x128xf32>
    %get3A_20 = arith.constant 0 : index
    %get3A_21 = arith.constant 0 : index
    %get3A_22 = vector.load %arg4[%get3A_20, %get3A_21] : memref<1x128xf32, #tpu.memory_space<vmem>>, vector<1x128xf32>
    %add3A_23 = vector.broadcast %get3A_22 : vector<1x128xf32> to vector<1000x128xf32>
    %add3A_24 = arith.addf %mul3A_19, %add3A_23 : vector<1000x128xf32>
    %max3A = arith.constant 0.000000e+00 : f32
    %max3A_25 = vector.broadcast %max3A : f32 to vector<1000x128xf32>
    %max3A_26 = arith.maximumf %add3A_24, %max3A_25 : vector<1000x128xf32>
    %get3A_27 = arith.constant 0 : index
    %get3A_28 = arith.constant 0 : index
    %get3A_29 = vector.load %arg5[%get3A_27, %get3A_28] : memref<128x256xf32, #tpu.memory_space<vmem>>, vector<128x256xf32>
    %dot_general3A = arith.constant dense<0.000000e+00> : vector<1000x256xf32>
    %dot_general3A_30 = tpu.matmul %max3A_26, %get3A_29, %dot_general3A {dimension_numbers = #tpu.dot_dimension_numbers<[1], [0], [0], [1], [0, 0, 1, 1], [], []>, transpose_lhs_hint = false} : vector<1000x128xf32>, vector<128x256xf32>, vector<1000x256xf32> -> vector<1000x256xf32>
    %mul3A_31 = vector.broadcast %get3A_1 : vector<1000x1xf32> to vector<1000x256xf32>
    %mul3A_32 = arith.mulf %dot_general3A_30, %mul3A_31 : vector<1000x256xf32>
    %slice3A = vector.extract_strided_slice %mul3A_32 {offsets = [0, 0], sizes = [1000, 128], strides = [1, 1]} : vector<1000x256xf32> to vector<1000x128xf32>
    %swap3A = arith.constant 0 : index
    %swap3A_33 = arith.constant 0 : index
    %swap3A_34 = arith.constant 0 : index
    %swap3A_35 = vector.load %arg6[%swap3A, %swap3A_33, %swap3A_34] : memref<2x1000x128xf32, #tpu.memory_space<vmem>>, vector<1x1000x128xf32>
    %swap3A_36 = vector.shape_cast %swap3A_35 : vector<1x1000x128xf32> to vector<1000x128xf32>
    %swap3A_37 = vector.shape_cast %slice3A : vector<1000x128xf32> to vector<1x1000x128xf32>
    tpu.vector_store %arg6[%swap3A, %swap3A_33, %swap3A_34], %swap3A_37 {strides = array<i32>} : memref<2x1000x128xf32, #tpu.memory_space<vmem>>, vector<1x1000x128xf32>,
    %slice3A_38 = vector.extract_strided_slice %mul3A_32 {offsets = [0, 128], sizes = [1000, 128], strides = [1, 1]} : vector<1000x256xf32> to vector<1000x128xf32>
    %swap3A_39 = arith.constant 1 : index
    %swap3A_40 = arith.constant 0 : index
    %swap3A_41 = arith.constant 0 : index
    %swap3A_42 = vector.load %arg6[%swap3A_39, %swap3A_40, %swap3A_41] : memref<2x1000x128xf32, #tpu.memory_space<vmem>>, vector<1x1000x128xf32>
    %swap3A_43 = vector.shape_cast %swap3A_42 : vector<1x1000x128xf32> to vector<1000x128xf32>
    %swap3A_44 = vector.shape_cast %slice3A_38 : vector<1000x128xf32> to vector<1x1000x128xf32>
    tpu.vector_store %arg6[%swap3A_39, %swap3A_40, %swap3A_41], %swap3A_44 {strides = array<i32>} : memref<2x1000x128xf32, #tpu.memory_space<vmem>>, vector<1x1000x128xf32>,
    return
  }
  func.func @transform_0(%arg0: i32) -> (i32, i32, i32) {
    %c0_i32 = arith.constant 0 : i32
    %c0_i32_0 = arith.constant 0 : i32
    %c0_i32_1 = arith.constant 0 : i32
    return %c0_i32, %arg0, %c0_i32_0 : i32, i32, i32
  }
  func.func @transform_1(%arg0: i32) -> (i32, i32) {
    %c0_i32 = arith.constant 0 : i32
    %c0_i32_0 = arith.constant 0 : i32
    return %arg0, %c0_i32 : i32, i32
  }
  func.func @transform_2(%arg0: i32) -> (i32, i32) {
    %c0_i32 = arith.constant 0 : i32
    %c0_i32_0 = arith.constant 0 : i32
    return %arg0, %c0_i32 : i32, i32
  }
  func.func @transform_3(%arg0: i32) -> (i32, i32) {
    %c0_i32 = arith.constant 0 : i32
    %c0_i32_0 = arith.constant 0 : i32
    %c0_i32_1 = arith.constant 0 : i32
    return %c0_i32, %c0_i32_0 : i32, i32
  }
  func.func @transform_4(%arg0: i32) -> (i32, i32) {
    %c0_i32 = arith.constant 0 : i32
    %c0_i32_0 = arith.constant 0 : i32
    %c0_i32_1 = arith.constant 0 : i32
    return %c0_i32, %c0_i32_0 : i32, i32
  }
  func.func @transform_5(%arg0: i32) -> (i32, i32, i32) {
    %c0_i32 = arith.constant 0 : i32
    %c0_i32_0 = arith.constant 0 : i32
    %c0_i32_1 = arith.constant 0 : i32
    return %c0_i32, %arg0, %c0_i32_0 : i32, i32, i32
  }
}

module attributes {stable_mosaic.version = 14 : i64} {
  func.func @_k2b_body(%arg0: i32, %arg1: memref<2x1000x128xf32, #tpu.memory_space<vmem>>, %arg2: memref<2x1000x128xf32, #tpu.memory_space<vmem>>, %arg3: memref<1000x1xf32, #tpu.memory_space<vmem>>, %arg4: memref<1x256xf32, #tpu.memory_space<vmem>>, %arg5: memref<256x128xf32, #tpu.memory_space<vmem>>, %arg6: memref<1000x128xf32, #tpu.memory_space<vmem>>) attributes {dimension_semantics = [#tpu.dimension_semantics<arbitrary>], iteration_bounds = array<i64: 10>, scalar_prefetch = 0 : i64, scratch_operands = 0 : i64, tpu.core_type = #tpu.core_type<tc>, window_params = [{transform_indices = @transform_0, window_bounds = array<i64: 2, 1000, 128>}, {transform_indices = @transform_1, window_bounds = array<i64: 2, 1000, 128>}, {transform_indices = @transform_2, window_bounds = array<i64: 1000, 1>}, {pipeline_mode = #tpu.pipeline_mode<synchronous>, transform_indices = @transform_3, window_bounds = array<i64: 1, 256>}, {pipeline_mode = #tpu.pipeline_mode<synchronous>, transform_indices = @transform_4, window_bounds = array<i64: 256, 128>}, {transform_indices = @transform_5, window_bounds = array<i64: 1000, 128>}]} {
    %get3A = arith.constant 0 : index
    %get3A_0 = arith.constant 0 : index
    %get3A_1 = vector.load %arg3[%get3A, %get3A_0] : memref<1000x1xf32, #tpu.memory_space<vmem>>, vector<1000x1xf32>
    %get3A_2 = arith.constant 0 : index
    %get3A_3 = arith.constant 0 : index
    %get3A_4 = arith.constant 0 : index
    %get3A_5 = vector.load %arg1[%get3A_2, %get3A_3, %get3A_4] : memref<2x1000x128xf32, #tpu.memory_space<vmem>>, vector<1x1000x128xf32>
    %get3A_6 = vector.shape_cast %get3A_5 : vector<1x1000x128xf32> to vector<1000x128xf32>
    %get3A_7 = arith.constant 1 : index
    %get3A_8 = arith.constant 0 : index
    %get3A_9 = arith.constant 0 : index
    %get3A_10 = vector.load %arg1[%get3A_7, %get3A_8, %get3A_9] : memref<2x1000x128xf32, #tpu.memory_space<vmem>>, vector<1x1000x128xf32>
    %get3A_11 = vector.shape_cast %get3A_10 : vector<1x1000x128xf32> to vector<1000x128xf32>
    %concatenate3A = tpu.concatenate %get3A_6, %get3A_11 in 1 : vector<1000x128xf32>, vector<1000x128xf32> -> vector<1000x256xf32>
    %get3A_12 = arith.constant 0 : index
    %get3A_13 = arith.constant 0 : index
    %get3A_14 = arith.constant 0 : index
    %get3A_15 = vector.load %arg2[%get3A_12, %get3A_13, %get3A_14] : memref<2x1000x128xf32, #tpu.memory_space<vmem>>, vector<1x1000x128xf32>
    %get3A_16 = vector.shape_cast %get3A_15 : vector<1x1000x128xf32> to vector<1000x128xf32>
    %get3A_17 = arith.constant 1 : index
    %get3A_18 = arith.constant 0 : index
    %get3A_19 = arith.constant 0 : index
    %get3A_20 = vector.load %arg2[%get3A_17, %get3A_18, %get3A_19] : memref<2x1000x128xf32, #tpu.memory_space<vmem>>, vector<1x1000x128xf32>
    %get3A_21 = vector.shape_cast %get3A_20 : vector<1x1000x128xf32> to vector<1000x128xf32>
    %concatenate3A_22 = tpu.concatenate %get3A_16, %get3A_21 in 1 : vector<1000x128xf32>, vector<1000x128xf32> -> vector<1000x256xf32>
    %mul3A = arith.constant 2.000000e+00 : f32
    %mul3A_23 = vector.broadcast %mul3A : f32 to vector<1000x256xf32>
    %mul3A_24 = arith.mulf %mul3A_23, %concatenate3A_22 : vector<1000x256xf32>
    %add3A = arith.addf %concatenate3A, %mul3A_24 : vector<1000x256xf32>
    %mul3A_25 = vector.broadcast %get3A_1 : vector<1000x1xf32> to vector<1000x256xf32>
    %mul3A_26 = arith.mulf %mul3A_25, %add3A : vector<1000x256xf32>
    %get3A_27 = arith.constant 0 : index
    %get3A_28 = arith.constant 0 : index
    %get3A_29 = vector.load %arg4[%get3A_27, %get3A_28] : memref<1x256xf32, #tpu.memory_space<vmem>>, vector<1x256xf32>
    %add3A_30 = vector.broadcast %get3A_29 : vector<1x256xf32> to vector<1000x256xf32>
    %add3A_31 = arith.addf %mul3A_26, %add3A_30 : vector<1000x256xf32>
    %max3A = arith.constant 0.000000e+00 : f32
    %max3A_32 = vector.broadcast %max3A : f32 to vector<1000x256xf32>
    %max3A_33 = arith.maximumf %add3A_31, %max3A_32 : vector<1000x256xf32>
    %get3A_34 = arith.constant 0 : index
    %get3A_35 = arith.constant 0 : index
    %get3A_36 = vector.load %arg5[%get3A_34, %get3A_35] : memref<256x128xf32, #tpu.memory_space<vmem>>, vector<256x128xf32>
    %dot_general3A = arith.constant dense<0.000000e+00> : vector<1000x128xf32>
    %dot_general3A_37 = tpu.matmul %max3A_33, %get3A_36, %dot_general3A {dimension_numbers = #tpu.dot_dimension_numbers<[1], [0], [0], [1], [0, 0, 1, 1], [], []>, transpose_lhs_hint = false} : vector<1000x256xf32>, vector<256x128xf32>, vector<1000x128xf32> -> vector<1000x128xf32>
    %mul3A_38 = vector.broadcast %get3A_1 : vector<1000x1xf32> to vector<1000x128xf32>
    %mul3A_39 = arith.mulf %dot_general3A_37, %mul3A_38 : vector<1000x128xf32>
    %swap3A = arith.constant 0 : index
    %swap3A_40 = arith.constant 0 : index
    %swap3A_41 = vector.load %arg6[%swap3A, %swap3A_40] : memref<1000x128xf32, #tpu.memory_space<vmem>>, vector<1000x128xf32>
    tpu.vector_store %arg6[%swap3A, %swap3A_40], %mul3A_39 {strides = array<i32>} : memref<1000x128xf32, #tpu.memory_space<vmem>>, vector<1000x128xf32>,
    return
  }
  func.func @transform_0(%arg0: i32) -> (i32, i32, i32) {
    %c0_i32 = arith.constant 0 : i32
    %c0_i32_0 = arith.constant 0 : i32
    %c0_i32_1 = arith.constant 0 : i32
    return %c0_i32, %arg0, %c0_i32_0 : i32, i32, i32
  }
  func.func @transform_1(%arg0: i32) -> (i32, i32, i32) {
    %c0_i32 = arith.constant 0 : i32
    %c0_i32_0 = arith.constant 0 : i32
    %c0_i32_1 = arith.constant 0 : i32
    return %c0_i32, %arg0, %c0_i32_0 : i32, i32, i32
  }
  func.func @transform_2(%arg0: i32) -> (i32, i32) {
    %c0_i32 = arith.constant 0 : i32
    %c0_i32_0 = arith.constant 0 : i32
    return %arg0, %c0_i32 : i32, i32
  }
  func.func @transform_3(%arg0: i32) -> (i32, i32) {
    %c0_i32 = arith.constant 0 : i32
    %c0_i32_0 = arith.constant 0 : i32
    %c0_i32_1 = arith.constant 0 : i32
    return %c0_i32, %c0_i32_0 : i32, i32
  }
  func.func @transform_4(%arg0: i32) -> (i32, i32) {
    %c0_i32 = arith.constant 0 : i32
    %c0_i32_0 = arith.constant 0 : i32
    %c0_i32_1 = arith.constant 0 : i32
    return %c0_i32, %c0_i32_0 : i32, i32
  }
  func.func @transform_5(%arg0: i32) -> (i32, i32) {
    %c0_i32 = arith.constant 0 : i32
    %c0_i32_0 = arith.constant 0 : i32
    return %arg0, %c0_i32 : i32, i32
  }
}

module attributes {stable_mosaic.version = 14 : i64} {
  func.func @_k3_body(%arg0: i32, %arg1: memref<2x1000x128xf32, #tpu.memory_space<vmem>>, %arg2: memref<1000x128xf32, #tpu.memory_space<vmem>>, %arg3: memref<1000x1xf32, #tpu.memory_space<vmem>>, %arg4: memref<1x128xf32, #tpu.memory_space<vmem>>, %arg5: memref<1000x1xi32, #tpu.memory_space<vmem>>, %arg6: memref<64x128xf32, #tpu.memory_space<vmem>>) attributes {dimension_semantics = [#tpu.dimension_semantics<arbitrary>], iteration_bounds = array<i64: 10>, scalar_prefetch = 0 : i64, scratch_operands = 0 : i64, tpu.core_type = #tpu.core_type<tc>, window_params = [{transform_indices = @transform_0, window_bounds = array<i64: 2, 1000, 128>}, {transform_indices = @transform_1, window_bounds = array<i64: 1000, 128>}, {transform_indices = @transform_2, window_bounds = array<i64: 1000, 1>}, {pipeline_mode = #tpu.pipeline_mode<synchronous>, transform_indices = @transform_3, window_bounds = array<i64: 1, 128>}, {transform_indices = @transform_4, window_bounds = array<i64: 1000, 1>}, {pipeline_mode = #tpu.pipeline_mode<synchronous>, transform_indices = @transform_5, window_bounds = array<i64: 64, 128>}]} {
    %get3A = arith.constant 0 : index
    %get3A_0 = arith.constant 0 : index
    %get3A_1 = vector.load %arg3[%get3A, %get3A_0] : memref<1000x1xf32, #tpu.memory_space<vmem>>, vector<1000x1xf32>
    %get3A_2 = arith.constant 0 : index
    %get3A_3 = arith.constant 0 : index
    %get3A_4 = arith.constant 0 : index
    %get3A_5 = vector.load %arg1[%get3A_2, %get3A_3, %get3A_4] : memref<2x1000x128xf32, #tpu.memory_space<vmem>>, vector<1x1000x128xf32>
    %get3A_6 = vector.shape_cast %get3A_5 : vector<1x1000x128xf32> to vector<1000x128xf32>
    %get3A_7 = arith.constant 1 : index
    %get3A_8 = arith.constant 0 : index
    %get3A_9 = arith.constant 0 : index
    %get3A_10 = vector.load %arg1[%get3A_7, %get3A_8, %get3A_9] : memref<2x1000x128xf32, #tpu.memory_space<vmem>>, vector<1x1000x128xf32>
    %get3A_11 = vector.shape_cast %get3A_10 : vector<1x1000x128xf32> to vector<1000x128xf32>
    %add3A = arith.addf %get3A_6, %get3A_11 : vector<1000x128xf32>
    %get3A_12 = arith.constant 0 : index
    %get3A_13 = arith.constant 0 : index
    %get3A_14 = vector.load %arg2[%get3A_12, %get3A_13] : memref<1000x128xf32, #tpu.memory_space<vmem>>, vector<1000x128xf32>
    %mul3A = arith.constant 2.000000e+00 : f32
    %mul3A_15 = vector.broadcast %mul3A : f32 to vector<1000x128xf32>
    %mul3A_16 = arith.mulf %mul3A_15, %get3A_14 : vector<1000x128xf32>
    %add3A_17 = arith.addf %add3A, %mul3A_16 : vector<1000x128xf32>
    %mul3A_18 = vector.broadcast %get3A_1 : vector<1000x1xf32> to vector<1000x128xf32>
    %mul3A_19 = arith.mulf %mul3A_18, %add3A_17 : vector<1000x128xf32>
    %get3A_20 = arith.constant 0 : index
    %get3A_21 = arith.constant 0 : index
    %get3A_22 = vector.load %arg4[%get3A_20, %get3A_21] : memref<1x128xf32, #tpu.memory_space<vmem>>, vector<1x128xf32>
    %add3A_23 = vector.broadcast %get3A_22 : vector<1x128xf32> to vector<1000x128xf32>
    %add3A_24 = arith.addf %mul3A_19, %add3A_23 : vector<1000x128xf32>
    %get3A_25 = arith.constant 0 : index
    %get3A_26 = arith.constant 0 : index
    %get3A_27 = vector.load %arg5[%get3A_25, %get3A_26] : memref<1000x1xi32, #tpu.memory_space<vmem>>, vector<1000x1xi32>
    %eq3A = arith.constant 0 : i32
    %eq3A_28 = arith.cmpi eq, %arg0, %eq3A : i32
    %convert_element_type3A = arith.extui %eq3A_28 : i1 to i32
    %cond3A = arith.constant 0 : i32
    %cond3A_29 = arith.cmpi ne, %convert_element_type3A, %cond3A : i32
    scf.if %cond3A_29 {
      %broadcast_in_dim3A_735 = arith.constant 0xFF800000 : f32
      %broadcast_in_dim3A_736 = vector.broadcast %broadcast_in_dim3A_735 : f32 to vector<64x128xf32>
      %swap3A_737 = arith.constant 0 : index
      %swap3A_738 = arith.constant 0 : index
      %swap3A_739 = vector.load %arg6[%swap3A_737, %swap3A_738] : memref<64x128xf32, #tpu.memory_space<vmem>>, vector<64x128xf32>
      tpu.vector_store %arg6[%swap3A_737, %swap3A_738], %broadcast_in_dim3A_736 {strides = array<i32>} : memref<64x128xf32, #tpu.memory_space<vmem>>, vector<64x128xf32>,
    } else {
    }
    %eq3A_30 = arith.constant 0 : i32
    %eq3A_31 = vector.broadcast %eq3A_30 : i32 to vector<1000x1xi32>
    %eq3A_32 = arith.cmpi eq, %get3A_27, %eq3A_31 : vector<1000x1xi32>
    %jit3A = arith.constant 0xFF800000 : f32
    %broadcast_in_dim3A = vector.shape_cast %eq3A_32 : vector<1000x1xi1> to vector<1000x1xi1>
    %broadcast_in_dim3A_33 = vector.broadcast %broadcast_in_dim3A : vector<1000x1xi1> to vector<1000x128xi1>
    %broadcast_in_dim3A_34 = vector.broadcast %jit3A : f32 to vector<1000x128xf32>
    %select_n3A = arith.select %broadcast_in_dim3A_33, %add3A_24, %broadcast_in_dim3A_34 : vector<1000x128xi1>, vector<1000x128xf32>
    %reduce_max3A = arith.constant dense<0xFF800000> : vector<128xf32>
    %reduce_max3A_35 = vector.multi_reduction <maximumf>, %select_n3A, %reduce_max3A [0] : vector<1000x128xf32> to vector<128xf32>
    %eq3A_36 = arith.constant 1 : i32
    %eq3A_37 = vector.broadcast %eq3A_36 : i32 to vector<1000x1xi32>
    %eq3A_38 = arith.cmpi eq, %get3A_27, %eq3A_37 : vector<1000x1xi32>
    %jit3A_39 = arith.constant 0xFF800000 : f32
    %broadcast_in_dim3A_40 = vector.shape_cast %eq3A_38 : vector<1000x1xi1> to vector<1000x1xi1>
    %broadcast_in_dim3A_41 = vector.broadcast %broadcast_in_dim3A_40 : vector<1000x1xi1> to vector<1000x128xi1>
    %broadcast_in_dim3A_42 = vector.broadcast %jit3A_39 : f32 to vector<1000x128xf32>
    %select_n3A_43 = arith.select %broadcast_in_dim3A_41, %add3A_24, %broadcast_in_dim3A_42 : vector<1000x128xi1>, vector<1000x128xf32>
    %reduce_max3A_44 = arith.constant dense<0xFF800000> : vector<128xf32>
    %reduce_max3A_45 = vector.multi_reduction <maximumf>, %select_n3A_43, %reduce_max3A_44 [0] : vector<1000x128xf32> to vector<128xf32>
    %eq3A_46 = arith.constant 2 : i32
    %eq3A_47 = vector.broadcast %eq3A_46 : i32 to vector<1000x1xi32>
    %eq3A_48 = arith.cmpi eq, %get3A_27, %eq3A_47 : vector<1000x1xi32>
    %jit3A_49 = arith.constant 0xFF800000 : f32
    %broadcast_in_dim3A_50 = vector.shape_cast %eq3A_48 : vector<1000x1xi1> to vector<1000x1xi1>
    %broadcast_in_dim3A_51 = vector.broadcast %broadcast_in_dim3A_50 : vector<1000x1xi1> to vector<1000x128xi1>
    %broadcast_in_dim3A_52 = vector.broadcast %jit3A_49 : f32 to vector<1000x128xf32>
    %select_n3A_53 = arith.select %broadcast_in_dim3A_51, %add3A_24, %broadcast_in_dim3A_52 : vector<1000x128xi1>, vector<1000x128xf32>
    %reduce_max3A_54 = arith.constant dense<0xFF800000> : vector<128xf32>
    %reduce_max3A_55 = vector.multi_reduction <maximumf>, %select_n3A_53, %reduce_max3A_54 [0] : vector<1000x128xf32> to vector<128xf32>
    %eq3A_56 = arith.constant 3 : i32
    %eq3A_57 = vector.broadcast %eq3A_56 : i32 to vector<1000x1xi32>
    %eq3A_58 = arith.cmpi eq, %get3A_27, %eq3A_57 : vector<1000x1xi32>
    %jit3A_59 = arith.constant 0xFF800000 : f32
    %broadcast_in_dim3A_60 = vector.shape_cast %eq3A_58 : vector<1000x1xi1> to vector<1000x1xi1>
    %broadcast_in_dim3A_61 = vector.broadcast %broadcast_in_dim3A_60 : vector<1000x1xi1> to vector<1000x128xi1>
    %broadcast_in_dim3A_62 = vector.broadcast %jit3A_59 : f32 to vector<1000x128xf32>
    %select_n3A_63 = arith.select %broadcast_in_dim3A_61, %add3A_24, %broadcast_in_dim3A_62 : vector<1000x128xi1>, vector<1000x128xf32>
    %reduce_max3A_64 = arith.constant dense<0xFF800000> : vector<128xf32>
    %reduce_max3A_65 = vector.multi_reduction <maximumf>, %select_n3A_63, %reduce_max3A_64 [0] : vector<1000x128xf32> to vector<128xf32>
    %eq3A_66 = arith.constant 4 : i32
    %eq3A_67 = vector.broadcast %eq3A_66 : i32 to vector<1000x1xi32>
    %eq3A_68 = arith.cmpi eq, %get3A_27, %eq3A_67 : vector<1000x1xi32>
    %jit3A_69 = arith.constant 0xFF800000 : f32
    %broadcast_in_dim3A_70 = vector.shape_cast %eq3A_68 : vector<1000x1xi1> to vector<1000x1xi1>
    %broadcast_in_dim3A_71 = vector.broadcast %broadcast_in_dim3A_70 : vector<1000x1xi1> to vector<1000x128xi1>
    %broadcast_in_dim3A_72 = vector.broadcast %jit3A_69 : f32 to vector<1000x128xf32>
    %select_n3A_73 = arith.select %broadcast_in_dim3A_71, %add3A_24, %broadcast_in_dim3A_72 : vector<1000x128xi1>, vector<1000x128xf32>
    %reduce_max3A_74 = arith.constant dense<0xFF800000> : vector<128xf32>
    %reduce_max3A_75 = vector.multi_reduction <maximumf>, %select_n3A_73, %reduce_max3A_74 [0] : vector<1000x128xf32> to vector<128xf32>
    %eq3A_76 = arith.constant 5 : i32
    %eq3A_77 = vector.broadcast %eq3A_76 : i32 to vector<1000x1xi32>
    %eq3A_78 = arith.cmpi eq, %get3A_27, %eq3A_77 : vector<1000x1xi32>
    %jit3A_79 = arith.constant 0xFF800000 : f32
    %broadcast_in_dim3A_80 = vector.shape_cast %eq3A_78 : vector<1000x1xi1> to vector<1000x1xi1>
    %broadcast_in_dim3A_81 = vector.broadcast %broadcast_in_dim3A_80 : vector<1000x1xi1> to vector<1000x128xi1>
    %broadcast_in_dim3A_82 = vector.broadcast %jit3A_79 : f32 to vector<1000x128xf32>
    %select_n3A_83 = arith.select %broadcast_in_dim3A_81, %add3A_24, %broadcast_in_dim3A_82 : vector<1000x128xi1>, vector<1000x128xf32>
    %reduce_max3A_84 = arith.constant dense<0xFF800000> : vector<128xf32>
    %reduce_max3A_85 = vector.multi_reduction <maximumf>, %select_n3A_83, %reduce_max3A_84 [0] : vector<1000x128xf32> to vector<128xf32>
    %eq3A_86 = arith.constant 6 : i32
    %eq3A_87 = vector.broadcast %eq3A_86 : i32 to vector<1000x1xi32>
    %eq3A_88 = arith.cmpi eq, %get3A_27, %eq3A_87 : vector<1000x1xi32>
    %jit3A_89 = arith.constant 0xFF800000 : f32
    %broadcast_in_dim3A_90 = vector.shape_cast %eq3A_88 : vector<1000x1xi1> to vector<1000x1xi1>
    %broadcast_in_dim3A_91 = vector.broadcast %broadcast_in_dim3A_90 : vector<1000x1xi1> to vector<1000x128xi1>
    %broadcast_in_dim3A_92 = vector.broadcast %jit3A_89 : f32 to vector<1000x128xf32>
    %select_n3A_93 = arith.select %broadcast_in_dim3A_91, %add3A_24, %broadcast_in_dim3A_92 : vector<1000x128xi1>, vector<1000x128xf32>
    %reduce_max3A_94 = arith.constant dense<0xFF800000> : vector<128xf32>
    %reduce_max3A_95 = vector.multi_reduction <maximumf>, %select_n3A_93, %reduce_max3A_94 [0] : vector<1000x128xf32> to vector<128xf32>
    %eq3A_96 = arith.constant 7 : i32
    %eq3A_97 = vector.broadcast %eq3A_96 : i32 to vector<1000x1xi32>
    %eq3A_98 = arith.cmpi eq, %get3A_27, %eq3A_97 : vector<1000x1xi32>
    %jit3A_99 = arith.constant 0xFF800000 : f32
    %broadcast_in_dim3A_100 = vector.shape_cast %eq3A_98 : vector<1000x1xi1> to vector<1000x1xi1>
    %broadcast_in_dim3A_101 = vector.broadcast %broadcast_in_dim3A_100 : vector<1000x1xi1> to vector<1000x128xi1>
    %broadcast_in_dim3A_102 = vector.broadcast %jit3A_99 : f32 to vector<1000x128xf32>
    %select_n3A_103 = arith.select %broadcast_in_dim3A_101, %add3A_24, %broadcast_in_dim3A_102 : vector<1000x128xi1>, vector<1000x128xf32>
    %reduce_max3A_104 = arith.constant dense<0xFF800000> : vector<128xf32>
    %reduce_max3A_105 = vector.multi_reduction <maximumf>, %select_n3A_103, %reduce_max3A_104 [0] : vector<1000x128xf32> to vector<128xf32>
    %eq3A_106 = arith.constant 8 : i32
    %eq3A_107 = vector.broadcast %eq3A_106 : i32 to vector<1000x1xi32>
    %eq3A_108 = arith.cmpi eq, %get3A_27, %eq3A_107 : vector<1000x1xi32>
    %jit3A_109 = arith.constant 0xFF800000 : f32
    %broadcast_in_dim3A_110 = vector.shape_cast %eq3A_108 : vector<1000x1xi1> to vector<1000x1xi1>
    %broadcast_in_dim3A_111 = vector.broadcast %broadcast_in_dim3A_110 : vector<1000x1xi1> to vector<1000x128xi1>
    %broadcast_in_dim3A_112 = vector.broadcast %jit3A_109 : f32 to vector<1000x128xf32>
    %select_n3A_113 = arith.select %broadcast_in_dim3A_111, %add3A_24, %broadcast_in_dim3A_112 : vector<1000x128xi1>, vector<1000x128xf32>
    %reduce_max3A_114 = arith.constant dense<0xFF800000> : vector<128xf32>
    %reduce_max3A_115 = vector.multi_reduction <maximumf>, %select_n3A_113, %reduce_max3A_114 [0] : vector<1000x128xf32> to vector<128xf32>
    %eq3A_116 = arith.constant 9 : i32
    %eq3A_117 = vector.broadcast %eq3A_116 : i32 to vector<1000x1xi32>
    %eq3A_118 = arith.cmpi eq, %get3A_27, %eq3A_117 : vector<1000x1xi32>
    %jit3A_119 = arith.constant 0xFF800000 : f32
    %broadcast_in_dim3A_120 = vector.shape_cast %eq3A_118 : vector<1000x1xi1> to vector<1000x1xi1>
    %broadcast_in_dim3A_121 = vector.broadcast %broadcast_in_dim3A_120 : vector<1000x1xi1> to vector<1000x128xi1>
    %broadcast_in_dim3A_122 = vector.broadcast %jit3A_119 : f32 to vector<1000x128xf32>
    %select_n3A_123 = arith.select %broadcast_in_dim3A_121, %add3A_24, %broadcast_in_dim3A_122 : vector<1000x128xi1>, vector<1000x128xf32>
    %reduce_max3A_124 = arith.constant dense<0xFF800000> : vector<128xf32>
    %reduce_max3A_125 = vector.multi_reduction <maximumf>, %select_n3A_123, %reduce_max3A_124 [0] : vector<1000x128xf32> to vector<128xf32>
    %eq3A_126 = arith.constant 10 : i32
    %eq3A_127 = vector.broadcast %eq3A_126 : i32 to vector<1000x1xi32>
    %eq3A_128 = arith.cmpi eq, %get3A_27, %eq3A_127 : vector<1000x1xi32>
    %jit3A_129 = arith.constant 0xFF800000 : f32
    %broadcast_in_dim3A_130 = vector.shape_cast %eq3A_128 : vector<1000x1xi1> to vector<1000x1xi1>
    %broadcast_in_dim3A_131 = vector.broadcast %broadcast_in_dim3A_130 : vector<1000x1xi1> to vector<1000x128xi1>
    %broadcast_in_dim3A_132 = vector.broadcast %jit3A_129 : f32 to vector<1000x128xf32>
    %select_n3A_133 = arith.select %broadcast_in_dim3A_131, %add3A_24, %broadcast_in_dim3A_132 : vector<1000x128xi1>, vector<1000x128xf32>
    %reduce_max3A_134 = arith.constant dense<0xFF800000> : vector<128xf32>
    %reduce_max3A_135 = vector.multi_reduction <maximumf>, %select_n3A_133, %reduce_max3A_134 [0] : vector<1000x128xf32> to vector<128xf32>
    %eq3A_136 = arith.constant 11 : i32
    %eq3A_137 = vector.broadcast %eq3A_136 : i32 to vector<1000x1xi32>
    %eq3A_138 = arith.cmpi eq, %get3A_27, %eq3A_137 : vector<1000x1xi32>
    %jit3A_139 = arith.constant 0xFF800000 : f32
    %broadcast_in_dim3A_140 = vector.shape_cast %eq3A_138 : vector<1000x1xi1> to vector<1000x1xi1>
    %broadcast_in_dim3A_141 = vector.broadcast %broadcast_in_dim3A_140 : vector<1000x1xi1> to vector<1000x128xi1>
    %broadcast_in_dim3A_142 = vector.broadcast %jit3A_139 : f32 to vector<1000x128xf32>
    %select_n3A_143 = arith.select %broadcast_in_dim3A_141, %add3A_24, %broadcast_in_dim3A_142 : vector<1000x128xi1>, vector<1000x128xf32>
    %reduce_max3A_144 = arith.constant dense<0xFF800000> : vector<128xf32>
    %reduce_max3A_145 = vector.multi_reduction <maximumf>, %select_n3A_143, %reduce_max3A_144 [0] : vector<1000x128xf32> to vector<128xf32>
    %eq3A_146 = arith.constant 12 : i32
    %eq3A_147 = vector.broadcast %eq3A_146 : i32 to vector<1000x1xi32>
    %eq3A_148 = arith.cmpi eq, %get3A_27, %eq3A_147 : vector<1000x1xi32>
    %jit3A_149 = arith.constant 0xFF800000 : f32
    %broadcast_in_dim3A_150 = vector.shape_cast %eq3A_148 : vector<1000x1xi1> to vector<1000x1xi1>
    %broadcast_in_dim3A_151 = vector.broadcast %broadcast_in_dim3A_150 : vector<1000x1xi1> to vector<1000x128xi1>
    %broadcast_in_dim3A_152 = vector.broadcast %jit3A_149 : f32 to vector<1000x128xf32>
    %select_n3A_153 = arith.select %broadcast_in_dim3A_151, %add3A_24, %broadcast_in_dim3A_152 : vector<1000x128xi1>, vector<1000x128xf32>
    %reduce_max3A_154 = arith.constant dense<0xFF800000> : vector<128xf32>
    %reduce_max3A_155 = vector.multi_reduction <maximumf>, %select_n3A_153, %reduce_max3A_154 [0] : vector<1000x128xf32> to vector<128xf32>
    %eq3A_156 = arith.constant 13 : i32
    %eq3A_157 = vector.broadcast %eq3A_156 : i32 to vector<1000x1xi32>
    %eq3A_158 = arith.cmpi eq, %get3A_27, %eq3A_157 : vector<1000x1xi32>
    %jit3A_159 = arith.constant 0xFF800000 : f32
    %broadcast_in_dim3A_160 = vector.shape_cast %eq3A_158 : vector<1000x1xi1> to vector<1000x1xi1>
    %broadcast_in_dim3A_161 = vector.broadcast %broadcast_in_dim3A_160 : vector<1000x1xi1> to vector<1000x128xi1>
    %broadcast_in_dim3A_162 = vector.broadcast %jit3A_159 : f32 to vector<1000x128xf32>
    %select_n3A_163 = arith.select %broadcast_in_dim3A_161, %add3A_24, %broadcast_in_dim3A_162 : vector<1000x128xi1>, vector<1000x128xf32>
    %reduce_max3A_164 = arith.constant dense<0xFF800000> : vector<128xf32>
    %reduce_max3A_165 = vector.multi_reduction <maximumf>, %select_n3A_163, %reduce_max3A_164 [0] : vector<1000x128xf32> to vector<128xf32>
    %eq3A_166 = arith.constant 14 : i32
    %eq3A_167 = vector.broadcast %eq3A_166 : i32 to vector<1000x1xi32>
    %eq3A_168 = arith.cmpi eq, %get3A_27, %eq3A_167 : vector<1000x1xi32>
    %jit3A_169 = arith.constant 0xFF800000 : f32
    %broadcast_in_dim3A_170 = vector.shape_cast %eq3A_168 : vector<1000x1xi1> to vector<1000x1xi1>
    %broadcast_in_dim3A_171 = vector.broadcast %broadcast_in_dim3A_170 : vector<1000x1xi1> to vector<1000x128xi1>
    %broadcast_in_dim3A_172 = vector.broadcast %jit3A_169 : f32 to vector<1000x128xf32>
    %select_n3A_173 = arith.select %broadcast_in_dim3A_171, %add3A_24, %broadcast_in_dim3A_172 : vector<1000x128xi1>, vector<1000x128xf32>
    %reduce_max3A_174 = arith.constant dense<0xFF800000> : vector<128xf32>
    %reduce_max3A_175 = vector.multi_reduction <maximumf>, %select_n3A_173, %reduce_max3A_174 [0] : vector<1000x128xf32> to vector<128xf32>
    %eq3A_176 = arith.constant 15 : i32
    %eq3A_177 = vector.broadcast %eq3A_176 : i32 to vector<1000x1xi32>
    %eq3A_178 = arith.cmpi eq, %get3A_27, %eq3A_177 : vector<1000x1xi32>
    %jit3A_179 = arith.constant 0xFF800000 : f32
    %broadcast_in_dim3A_180 = vector.shape_cast %eq3A_178 : vector<1000x1xi1> to vector<1000x1xi1>
    %broadcast_in_dim3A_181 = vector.broadcast %broadcast_in_dim3A_180 : vector<1000x1xi1> to vector<1000x128xi1>
    %broadcast_in_dim3A_182 = vector.broadcast %jit3A_179 : f32 to vector<1000x128xf32>
    %select_n3A_183 = arith.select %broadcast_in_dim3A_181, %add3A_24, %broadcast_in_dim3A_182 : vector<1000x128xi1>, vector<1000x128xf32>
    %reduce_max3A_184 = arith.constant dense<0xFF800000> : vector<128xf32>
    %reduce_max3A_185 = vector.multi_reduction <maximumf>, %select_n3A_183, %reduce_max3A_184 [0] : vector<1000x128xf32> to vector<128xf32>
    %eq3A_186 = arith.constant 16 : i32
    %eq3A_187 = vector.broadcast %eq3A_186 : i32 to vector<1000x1xi32>
    %eq3A_188 = arith.cmpi eq, %get3A_27, %eq3A_187 : vector<1000x1xi32>
    %jit3A_189 = arith.constant 0xFF800000 : f32
    %broadcast_in_dim3A_190 = vector.shape_cast %eq3A_188 : vector<1000x1xi1> to vector<1000x1xi1>
    %broadcast_in_dim3A_191 = vector.broadcast %broadcast_in_dim3A_190 : vector<1000x1xi1> to vector<1000x128xi1>
    %broadcast_in_dim3A_192 = vector.broadcast %jit3A_189 : f32 to vector<1000x128xf32>
    %select_n3A_193 = arith.select %broadcast_in_dim3A_191, %add3A_24, %broadcast_in_dim3A_192 : vector<1000x128xi1>, vector<1000x128xf32>
    %reduce_max3A_194 = arith.constant dense<0xFF800000> : vector<128xf32>
    %reduce_max3A_195 = vector.multi_reduction <maximumf>, %select_n3A_193, %reduce_max3A_194 [0] : vector<1000x128xf32> to vector<128xf32>
    %eq3A_196 = arith.constant 17 : i32
    %eq3A_197 = vector.broadcast %eq3A_196 : i32 to vector<1000x1xi32>
    %eq3A_198 = arith.cmpi eq, %get3A_27, %eq3A_197 : vector<1000x1xi32>
    %jit3A_199 = arith.constant 0xFF800000 : f32
    %broadcast_in_dim3A_200 = vector.shape_cast %eq3A_198 : vector<1000x1xi1> to vector<1000x1xi1>
    %broadcast_in_dim3A_201 = vector.broadcast %broadcast_in_dim3A_200 : vector<1000x1xi1> to vector<1000x128xi1>
    %broadcast_in_dim3A_202 = vector.broadcast %jit3A_199 : f32 to vector<1000x128xf32>
    %select_n3A_203 = arith.select %broadcast_in_dim3A_201, %add3A_24, %broadcast_in_dim3A_202 : vector<1000x128xi1>, vector<1000x128xf32>
    %reduce_max3A_204 = arith.constant dense<0xFF800000> : vector<128xf32>
    %reduce_max3A_205 = vector.multi_reduction <maximumf>, %select_n3A_203, %reduce_max3A_204 [0] : vector<1000x128xf32> to vector<128xf32>
    %eq3A_206 = arith.constant 18 : i32
    %eq3A_207 = vector.broadcast %eq3A_206 : i32 to vector<1000x1xi32>
    %eq3A_208 = arith.cmpi eq, %get3A_27, %eq3A_207 : vector<1000x1xi32>
    %jit3A_209 = arith.constant 0xFF800000 : f32
    %broadcast_in_dim3A_210 = vector.shape_cast %eq3A_208 : vector<1000x1xi1> to vector<1000x1xi1>
    %broadcast_in_dim3A_211 = vector.broadcast %broadcast_in_dim3A_210 : vector<1000x1xi1> to vector<1000x128xi1>
    %broadcast_in_dim3A_212 = vector.broadcast %jit3A_209 : f32 to vector<1000x128xf32>
    %select_n3A_213 = arith.select %broadcast_in_dim3A_211, %add3A_24, %broadcast_in_dim3A_212 : vector<1000x128xi1>, vector<1000x128xf32>
    %reduce_max3A_214 = arith.constant dense<0xFF800000> : vector<128xf32>
    %reduce_max3A_215 = vector.multi_reduction <maximumf>, %select_n3A_213, %reduce_max3A_214 [0] : vector<1000x128xf32> to vector<128xf32>
    %eq3A_216 = arith.constant 19 : i32
    %eq3A_217 = vector.broadcast %eq3A_216 : i32 to vector<1000x1xi32>
    %eq3A_218 = arith.cmpi eq, %get3A_27, %eq3A_217 : vector<1000x1xi32>
    %jit3A_219 = arith.constant 0xFF800000 : f32
    %broadcast_in_dim3A_220 = vector.shape_cast %eq3A_218 : vector<1000x1xi1> to vector<1000x1xi1>
    %broadcast_in_dim3A_221 = vector.broadcast %broadcast_in_dim3A_220 : vector<1000x1xi1> to vector<1000x128xi1>
    %broadcast_in_dim3A_222 = vector.broadcast %jit3A_219 : f32 to vector<1000x128xf32>
    %select_n3A_223 = arith.select %broadcast_in_dim3A_221, %add3A_24, %broadcast_in_dim3A_222 : vector<1000x128xi1>, vector<1000x128xf32>
    %reduce_max3A_224 = arith.constant dense<0xFF800000> : vector<128xf32>
    %reduce_max3A_225 = vector.multi_reduction <maximumf>, %select_n3A_223, %reduce_max3A_224 [0] : vector<1000x128xf32> to vector<128xf32>
    %eq3A_226 = arith.constant 20 : i32
    %eq3A_227 = vector.broadcast %eq3A_226 : i32 to vector<1000x1xi32>
    %eq3A_228 = arith.cmpi eq, %get3A_27, %eq3A_227 : vector<1000x1xi32>
    %jit3A_229 = arith.constant 0xFF800000 : f32
    %broadcast_in_dim3A_230 = vector.shape_cast %eq3A_228 : vector<1000x1xi1> to vector<1000x1xi1>
    %broadcast_in_dim3A_231 = vector.broadcast %broadcast_in_dim3A_230 : vector<1000x1xi1> to vector<1000x128xi1>
    %broadcast_in_dim3A_232 = vector.broadcast %jit3A_229 : f32 to vector<1000x128xf32>
    %select_n3A_233 = arith.select %broadcast_in_dim3A_231, %add3A_24, %broadcast_in_dim3A_232 : vector<1000x128xi1>, vector<1000x128xf32>
    %reduce_max3A_234 = arith.constant dense<0xFF800000> : vector<128xf32>
    %reduce_max3A_235 = vector.multi_reduction <maximumf>, %select_n3A_233, %reduce_max3A_234 [0] : vector<1000x128xf32> to vector<128xf32>
    %eq3A_236 = arith.constant 21 : i32
    %eq3A_237 = vector.broadcast %eq3A_236 : i32 to vector<1000x1xi32>
    %eq3A_238 = arith.cmpi eq, %get3A_27, %eq3A_237 : vector<1000x1xi32>
    %jit3A_239 = arith.constant 0xFF800000 : f32
    %broadcast_in_dim3A_240 = vector.shape_cast %eq3A_238 : vector<1000x1xi1> to vector<1000x1xi1>
    %broadcast_in_dim3A_241 = vector.broadcast %broadcast_in_dim3A_240 : vector<1000x1xi1> to vector<1000x128xi1>
    %broadcast_in_dim3A_242 = vector.broadcast %jit3A_239 : f32 to vector<1000x128xf32>
    %select_n3A_243 = arith.select %broadcast_in_dim3A_241, %add3A_24, %broadcast_in_dim3A_242 : vector<1000x128xi1>, vector<1000x128xf32>
    %reduce_max3A_244 = arith.constant dense<0xFF800000> : vector<128xf32>
    %reduce_max3A_245 = vector.multi_reduction <maximumf>, %select_n3A_243, %reduce_max3A_244 [0] : vector<1000x128xf32> to vector<128xf32>
    %eq3A_246 = arith.constant 22 : i32
    %eq3A_247 = vector.broadcast %eq3A_246 : i32 to vector<1000x1xi32>
    %eq3A_248 = arith.cmpi eq, %get3A_27, %eq3A_247 : vector<1000x1xi32>
    %jit3A_249 = arith.constant 0xFF800000 : f32
    %broadcast_in_dim3A_250 = vector.shape_cast %eq3A_248 : vector<1000x1xi1> to vector<1000x1xi1>
    %broadcast_in_dim3A_251 = vector.broadcast %broadcast_in_dim3A_250 : vector<1000x1xi1> to vector<1000x128xi1>
    %broadcast_in_dim3A_252 = vector.broadcast %jit3A_249 : f32 to vector<1000x128xf32>
    %select_n3A_253 = arith.select %broadcast_in_dim3A_251, %add3A_24, %broadcast_in_dim3A_252 : vector<1000x128xi1>, vector<1000x128xf32>
    %reduce_max3A_254 = arith.constant dense<0xFF800000> : vector<128xf32>
    %reduce_max3A_255 = vector.multi_reduction <maximumf>, %select_n3A_253, %reduce_max3A_254 [0] : vector<1000x128xf32> to vector<128xf32>
    %eq3A_256 = arith.constant 23 : i32
    %eq3A_257 = vector.broadcast %eq3A_256 : i32 to vector<1000x1xi32>
    %eq3A_258 = arith.cmpi eq, %get3A_27, %eq3A_257 : vector<1000x1xi32>
    %jit3A_259 = arith.constant 0xFF800000 : f32
    %broadcast_in_dim3A_260 = vector.shape_cast %eq3A_258 : vector<1000x1xi1> to vector<1000x1xi1>
    %broadcast_in_dim3A_261 = vector.broadcast %broadcast_in_dim3A_260 : vector<1000x1xi1> to vector<1000x128xi1>
    %broadcast_in_dim3A_262 = vector.broadcast %jit3A_259 : f32 to vector<1000x128xf32>
    %select_n3A_263 = arith.select %broadcast_in_dim3A_261, %add3A_24, %broadcast_in_dim3A_262 : vector<1000x128xi1>, vector<1000x128xf32>
    %reduce_max3A_264 = arith.constant dense<0xFF800000> : vector<128xf32>
    %reduce_max3A_265 = vector.multi_reduction <maximumf>, %select_n3A_263, %reduce_max3A_264 [0] : vector<1000x128xf32> to vector<128xf32>
    %eq3A_266 = arith.constant 24 : i32
    %eq3A_267 = vector.broadcast %eq3A_266 : i32 to vector<1000x1xi32>
    %eq3A_268 = arith.cmpi eq, %get3A_27, %eq3A_267 : vector<1000x1xi32>
    %jit3A_269 = arith.constant 0xFF800000 : f32
    %broadcast_in_dim3A_270 = vector.shape_cast %eq3A_268 : vector<1000x1xi1> to vector<1000x1xi1>
    %broadcast_in_dim3A_271 = vector.broadcast %broadcast_in_dim3A_270 : vector<1000x1xi1> to vector<1000x128xi1>
    %broadcast_in_dim3A_272 = vector.broadcast %jit3A_269 : f32 to vector<1000x128xf32>
    %select_n3A_273 = arith.select %broadcast_in_dim3A_271, %add3A_24, %broadcast_in_dim3A_272 : vector<1000x128xi1>, vector<1000x128xf32>
    %reduce_max3A_274 = arith.constant dense<0xFF800000> : vector<128xf32>
    %reduce_max3A_275 = vector.multi_reduction <maximumf>, %select_n3A_273, %reduce_max3A_274 [0] : vector<1000x128xf32> to vector<128xf32>
    %eq3A_276 = arith.constant 25 : i32
    %eq3A_277 = vector.broadcast %eq3A_276 : i32 to vector<1000x1xi32>
    %eq3A_278 = arith.cmpi eq, %get3A_27, %eq3A_277 : vector<1000x1xi32>
    %jit3A_279 = arith.constant 0xFF800000 : f32
    %broadcast_in_dim3A_280 = vector.shape_cast %eq3A_278 : vector<1000x1xi1> to vector<1000x1xi1>
    %broadcast_in_dim3A_281 = vector.broadcast %broadcast_in_dim3A_280 : vector<1000x1xi1> to vector<1000x128xi1>
    %broadcast_in_dim3A_282 = vector.broadcast %jit3A_279 : f32 to vector<1000x128xf32>
    %select_n3A_283 = arith.select %broadcast_in_dim3A_281, %add3A_24, %broadcast_in_dim3A_282 : vector<1000x128xi1>, vector<1000x128xf32>
    %reduce_max3A_284 = arith.constant dense<0xFF800000> : vector<128xf32>
    %reduce_max3A_285 = vector.multi_reduction <maximumf>, %select_n3A_283, %reduce_max3A_284 [0] : vector<1000x128xf32> to vector<128xf32>
    %eq3A_286 = arith.constant 26 : i32
    %eq3A_287 = vector.broadcast %eq3A_286 : i32 to vector<1000x1xi32>
    %eq3A_288 = arith.cmpi eq, %get3A_27, %eq3A_287 : vector<1000x1xi32>
    %jit3A_289 = arith.constant 0xFF800000 : f32
    %broadcast_in_dim3A_290 = vector.shape_cast %eq3A_288 : vector<1000x1xi1> to vector<1000x1xi1>
    %broadcast_in_dim3A_291 = vector.broadcast %broadcast_in_dim3A_290 : vector<1000x1xi1> to vector<1000x128xi1>
    %broadcast_in_dim3A_292 = vector.broadcast %jit3A_289 : f32 to vector<1000x128xf32>
    %select_n3A_293 = arith.select %broadcast_in_dim3A_291, %add3A_24, %broadcast_in_dim3A_292 : vector<1000x128xi1>, vector<1000x128xf32>
    %reduce_max3A_294 = arith.constant dense<0xFF800000> : vector<128xf32>
    %reduce_max3A_295 = vector.multi_reduction <maximumf>, %select_n3A_293, %reduce_max3A_294 [0] : vector<1000x128xf32> to vector<128xf32>
    %eq3A_296 = arith.constant 27 : i32
    %eq3A_297 = vector.broadcast %eq3A_296 : i32 to vector<1000x1xi32>
    %eq3A_298 = arith.cmpi eq, %get3A_27, %eq3A_297 : vector<1000x1xi32>
    %jit3A_299 = arith.constant 0xFF800000 : f32
    %broadcast_in_dim3A_300 = vector.shape_cast %eq3A_298 : vector<1000x1xi1> to vector<1000x1xi1>
    %broadcast_in_dim3A_301 = vector.broadcast %broadcast_in_dim3A_300 : vector<1000x1xi1> to vector<1000x128xi1>
    %broadcast_in_dim3A_302 = vector.broadcast %jit3A_299 : f32 to vector<1000x128xf32>
    %select_n3A_303 = arith.select %broadcast_in_dim3A_301, %add3A_24, %broadcast_in_dim3A_302 : vector<1000x128xi1>, vector<1000x128xf32>
    %reduce_max3A_304 = arith.constant dense<0xFF800000> : vector<128xf32>
    %reduce_max3A_305 = vector.multi_reduction <maximumf>, %select_n3A_303, %reduce_max3A_304 [0] : vector<1000x128xf32> to vector<128xf32>
    %eq3A_306 = arith.constant 28 : i32
    %eq3A_307 = vector.broadcast %eq3A_306 : i32 to vector<1000x1xi32>
    %eq3A_308 = arith.cmpi eq, %get3A_27, %eq3A_307 : vector<1000x1xi32>
    %jit3A_309 = arith.constant 0xFF800000 : f32
    %broadcast_in_dim3A_310 = vector.shape_cast %eq3A_308 : vector<1000x1xi1> to vector<1000x1xi1>
    %broadcast_in_dim3A_311 = vector.broadcast %broadcast_in_dim3A_310 : vector<1000x1xi1> to vector<1000x128xi1>
    %broadcast_in_dim3A_312 = vector.broadcast %jit3A_309 : f32 to vector<1000x128xf32>
    %select_n3A_313 = arith.select %broadcast_in_dim3A_311, %add3A_24, %broadcast_in_dim3A_312 : vector<1000x128xi1>, vector<1000x128xf32>
    %reduce_max3A_314 = arith.constant dense<0xFF800000> : vector<128xf32>
    %reduce_max3A_315 = vector.multi_reduction <maximumf>, %select_n3A_313, %reduce_max3A_314 [0] : vector<1000x128xf32> to vector<128xf32>
    %eq3A_316 = arith.constant 29 : i32
    %eq3A_317 = vector.broadcast %eq3A_316 : i32 to vector<1000x1xi32>
    %eq3A_318 = arith.cmpi eq, %get3A_27, %eq3A_317 : vector<1000x1xi32>
    %jit3A_319 = arith.constant 0xFF800000 : f32
    %broadcast_in_dim3A_320 = vector.shape_cast %eq3A_318 : vector<1000x1xi1> to vector<1000x1xi1>
    %broadcast_in_dim3A_321 = vector.broadcast %broadcast_in_dim3A_320 : vector<1000x1xi1> to vector<1000x128xi1>
    %broadcast_in_dim3A_322 = vector.broadcast %jit3A_319 : f32 to vector<1000x128xf32>
    %select_n3A_323 = arith.select %broadcast_in_dim3A_321, %add3A_24, %broadcast_in_dim3A_322 : vector<1000x128xi1>, vector<1000x128xf32>
    %reduce_max3A_324 = arith.constant dense<0xFF800000> : vector<128xf32>
    %reduce_max3A_325 = vector.multi_reduction <maximumf>, %select_n3A_323, %reduce_max3A_324 [0] : vector<1000x128xf32> to vector<128xf32>
    %eq3A_326 = arith.constant 30 : i32
    %eq3A_327 = vector.broadcast %eq3A_326 : i32 to vector<1000x1xi32>
    %eq3A_328 = arith.cmpi eq, %get3A_27, %eq3A_327 : vector<1000x1xi32>
    %jit3A_329 = arith.constant 0xFF800000 : f32
    %broadcast_in_dim3A_330 = vector.shape_cast %eq3A_328 : vector<1000x1xi1> to vector<1000x1xi1>
    %broadcast_in_dim3A_331 = vector.broadcast %broadcast_in_dim3A_330 : vector<1000x1xi1> to vector<1000x128xi1>
    %broadcast_in_dim3A_332 = vector.broadcast %jit3A_329 : f32 to vector<1000x128xf32>
    %select_n3A_333 = arith.select %broadcast_in_dim3A_331, %add3A_24, %broadcast_in_dim3A_332 : vector<1000x128xi1>, vector<1000x128xf32>
    %reduce_max3A_334 = arith.constant dense<0xFF800000> : vector<128xf32>
    %reduce_max3A_335 = vector.multi_reduction <maximumf>, %select_n3A_333, %reduce_max3A_334 [0] : vector<1000x128xf32> to vector<128xf32>
    %eq3A_336 = arith.constant 31 : i32
    %eq3A_337 = vector.broadcast %eq3A_336 : i32 to vector<1000x1xi32>
    %eq3A_338 = arith.cmpi eq, %get3A_27, %eq3A_337 : vector<1000x1xi32>
    %jit3A_339 = arith.constant 0xFF800000 : f32
    %broadcast_in_dim3A_340 = vector.shape_cast %eq3A_338 : vector<1000x1xi1> to vector<1000x1xi1>
    %broadcast_in_dim3A_341 = vector.broadcast %broadcast_in_dim3A_340 : vector<1000x1xi1> to vector<1000x128xi1>
    %broadcast_in_dim3A_342 = vector.broadcast %jit3A_339 : f32 to vector<1000x128xf32>
    %select_n3A_343 = arith.select %broadcast_in_dim3A_341, %add3A_24, %broadcast_in_dim3A_342 : vector<1000x128xi1>, vector<1000x128xf32>
    %reduce_max3A_344 = arith.constant dense<0xFF800000> : vector<128xf32>
    %reduce_max3A_345 = vector.multi_reduction <maximumf>, %select_n3A_343, %reduce_max3A_344 [0] : vector<1000x128xf32> to vector<128xf32>
    %eq3A_346 = arith.constant 32 : i32
    %eq3A_347 = vector.broadcast %eq3A_346 : i32 to vector<1000x1xi32>
    %eq3A_348 = arith.cmpi eq, %get3A_27, %eq3A_347 : vector<1000x1xi32>
    %jit3A_349 = arith.constant 0xFF800000 : f32
    %broadcast_in_dim3A_350 = vector.shape_cast %eq3A_348 : vector<1000x1xi1> to vector<1000x1xi1>
    %broadcast_in_dim3A_351 = vector.broadcast %broadcast_in_dim3A_350 : vector<1000x1xi1> to vector<1000x128xi1>
    %broadcast_in_dim3A_352 = vector.broadcast %jit3A_349 : f32 to vector<1000x128xf32>
    %select_n3A_353 = arith.select %broadcast_in_dim3A_351, %add3A_24, %broadcast_in_dim3A_352 : vector<1000x128xi1>, vector<1000x128xf32>
    %reduce_max3A_354 = arith.constant dense<0xFF800000> : vector<128xf32>
    %reduce_max3A_355 = vector.multi_reduction <maximumf>, %select_n3A_353, %reduce_max3A_354 [0] : vector<1000x128xf32> to vector<128xf32>
    %eq3A_356 = arith.constant 33 : i32
    %eq3A_357 = vector.broadcast %eq3A_356 : i32 to vector<1000x1xi32>
    %eq3A_358 = arith.cmpi eq, %get3A_27, %eq3A_357 : vector<1000x1xi32>
    %jit3A_359 = arith.constant 0xFF800000 : f32
    %broadcast_in_dim3A_360 = vector.shape_cast %eq3A_358 : vector<1000x1xi1> to vector<1000x1xi1>
    %broadcast_in_dim3A_361 = vector.broadcast %broadcast_in_dim3A_360 : vector<1000x1xi1> to vector<1000x128xi1>
    %broadcast_in_dim3A_362 = vector.broadcast %jit3A_359 : f32 to vector<1000x128xf32>
    %select_n3A_363 = arith.select %broadcast_in_dim3A_361, %add3A_24, %broadcast_in_dim3A_362 : vector<1000x128xi1>, vector<1000x128xf32>
    %reduce_max3A_364 = arith.constant dense<0xFF800000> : vector<128xf32>
    %reduce_max3A_365 = vector.multi_reduction <maximumf>, %select_n3A_363, %reduce_max3A_364 [0] : vector<1000x128xf32> to vector<128xf32>
    %eq3A_366 = arith.constant 34 : i32
    %eq3A_367 = vector.broadcast %eq3A_366 : i32 to vector<1000x1xi32>
    %eq3A_368 = arith.cmpi eq, %get3A_27, %eq3A_367 : vector<1000x1xi32>
    %jit3A_369 = arith.constant 0xFF800000 : f32
    %broadcast_in_dim3A_370 = vector.shape_cast %eq3A_368 : vector<1000x1xi1> to vector<1000x1xi1>
    %broadcast_in_dim3A_371 = vector.broadcast %broadcast_in_dim3A_370 : vector<1000x1xi1> to vector<1000x128xi1>
    %broadcast_in_dim3A_372 = vector.broadcast %jit3A_369 : f32 to vector<1000x128xf32>
    %select_n3A_373 = arith.select %broadcast_in_dim3A_371, %add3A_24, %broadcast_in_dim3A_372 : vector<1000x128xi1>, vector<1000x128xf32>
    %reduce_max3A_374 = arith.constant dense<0xFF800000> : vector<128xf32>
    %reduce_max3A_375 = vector.multi_reduction <maximumf>, %select_n3A_373, %reduce_max3A_374 [0] : vector<1000x128xf32> to vector<128xf32>
    %eq3A_376 = arith.constant 35 : i32
    %eq3A_377 = vector.broadcast %eq3A_376 : i32 to vector<1000x1xi32>
    %eq3A_378 = arith.cmpi eq, %get3A_27, %eq3A_377 : vector<1000x1xi32>
    %jit3A_379 = arith.constant 0xFF800000 : f32
    %broadcast_in_dim3A_380 = vector.shape_cast %eq3A_378 : vector<1000x1xi1> to vector<1000x1xi1>
    %broadcast_in_dim3A_381 = vector.broadcast %broadcast_in_dim3A_380 : vector<1000x1xi1> to vector<1000x128xi1>
    %broadcast_in_dim3A_382 = vector.broadcast %jit3A_379 : f32 to vector<1000x128xf32>
    %select_n3A_383 = arith.select %broadcast_in_dim3A_381, %add3A_24, %broadcast_in_dim3A_382 : vector<1000x128xi1>, vector<1000x128xf32>
    %reduce_max3A_384 = arith.constant dense<0xFF800000> : vector<128xf32>
    %reduce_max3A_385 = vector.multi_reduction <maximumf>, %select_n3A_383, %reduce_max3A_384 [0] : vector<1000x128xf32> to vector<128xf32>
    %eq3A_386 = arith.constant 36 : i32
    %eq3A_387 = vector.broadcast %eq3A_386 : i32 to vector<1000x1xi32>
    %eq3A_388 = arith.cmpi eq, %get3A_27, %eq3A_387 : vector<1000x1xi32>
    %jit3A_389 = arith.constant 0xFF800000 : f32
    %broadcast_in_dim3A_390 = vector.shape_cast %eq3A_388 : vector<1000x1xi1> to vector<1000x1xi1>
    %broadcast_in_dim3A_391 = vector.broadcast %broadcast_in_dim3A_390 : vector<1000x1xi1> to vector<1000x128xi1>
    %broadcast_in_dim3A_392 = vector.broadcast %jit3A_389 : f32 to vector<1000x128xf32>
    %select_n3A_393 = arith.select %broadcast_in_dim3A_391, %add3A_24, %broadcast_in_dim3A_392 : vector<1000x128xi1>, vector<1000x128xf32>
    %reduce_max3A_394 = arith.constant dense<0xFF800000> : vector<128xf32>
    %reduce_max3A_395 = vector.multi_reduction <maximumf>, %select_n3A_393, %reduce_max3A_394 [0] : vector<1000x128xf32> to vector<128xf32>
    %eq3A_396 = arith.constant 37 : i32
    %eq3A_397 = vector.broadcast %eq3A_396 : i32 to vector<1000x1xi32>
    %eq3A_398 = arith.cmpi eq, %get3A_27, %eq3A_397 : vector<1000x1xi32>
    %jit3A_399 = arith.constant 0xFF800000 : f32
    %broadcast_in_dim3A_400 = vector.shape_cast %eq3A_398 : vector<1000x1xi1> to vector<1000x1xi1>
    %broadcast_in_dim3A_401 = vector.broadcast %broadcast_in_dim3A_400 : vector<1000x1xi1> to vector<1000x128xi1>
    %broadcast_in_dim3A_402 = vector.broadcast %jit3A_399 : f32 to vector<1000x128xf32>
    %select_n3A_403 = arith.select %broadcast_in_dim3A_401, %add3A_24, %broadcast_in_dim3A_402 : vector<1000x128xi1>, vector<1000x128xf32>
    %reduce_max3A_404 = arith.constant dense<0xFF800000> : vector<128xf32>
    %reduce_max3A_405 = vector.multi_reduction <maximumf>, %select_n3A_403, %reduce_max3A_404 [0] : vector<1000x128xf32> to vector<128xf32>
    %eq3A_406 = arith.constant 38 : i32
    %eq3A_407 = vector.broadcast %eq3A_406 : i32 to vector<1000x1xi32>
    %eq3A_408 = arith.cmpi eq, %get3A_27, %eq3A_407 : vector<1000x1xi32>
    %jit3A_409 = arith.constant 0xFF800000 : f32
    %broadcast_in_dim3A_410 = vector.shape_cast %eq3A_408 : vector<1000x1xi1> to vector<1000x1xi1>
    %broadcast_in_dim3A_411 = vector.broadcast %broadcast_in_dim3A_410 : vector<1000x1xi1> to vector<1000x128xi1>
    %broadcast_in_dim3A_412 = vector.broadcast %jit3A_409 : f32 to vector<1000x128xf32>
    %select_n3A_413 = arith.select %broadcast_in_dim3A_411, %add3A_24, %broadcast_in_dim3A_412 : vector<1000x128xi1>, vector<1000x128xf32>
    %reduce_max3A_414 = arith.constant dense<0xFF800000> : vector<128xf32>
    %reduce_max3A_415 = vector.multi_reduction <maximumf>, %select_n3A_413, %reduce_max3A_414 [0] : vector<1000x128xf32> to vector<128xf32>
    %eq3A_416 = arith.constant 39 : i32
    %eq3A_417 = vector.broadcast %eq3A_416 : i32 to vector<1000x1xi32>
    %eq3A_418 = arith.cmpi eq, %get3A_27, %eq3A_417 : vector<1000x1xi32>
    %jit3A_419 = arith.constant 0xFF800000 : f32
    %broadcast_in_dim3A_420 = vector.shape_cast %eq3A_418 : vector<1000x1xi1> to vector<1000x1xi1>
    %broadcast_in_dim3A_421 = vector.broadcast %broadcast_in_dim3A_420 : vector<1000x1xi1> to vector<1000x128xi1>
    %broadcast_in_dim3A_422 = vector.broadcast %jit3A_419 : f32 to vector<1000x128xf32>
    %select_n3A_423 = arith.select %broadcast_in_dim3A_421, %add3A_24, %broadcast_in_dim3A_422 : vector<1000x128xi1>, vector<1000x128xf32>
    %reduce_max3A_424 = arith.constant dense<0xFF800000> : vector<128xf32>
    %reduce_max3A_425 = vector.multi_reduction <maximumf>, %select_n3A_423, %reduce_max3A_424 [0] : vector<1000x128xf32> to vector<128xf32>
    %eq3A_426 = arith.constant 40 : i32
    %eq3A_427 = vector.broadcast %eq3A_426 : i32 to vector<1000x1xi32>
    %eq3A_428 = arith.cmpi eq, %get3A_27, %eq3A_427 : vector<1000x1xi32>
    %jit3A_429 = arith.constant 0xFF800000 : f32
    %broadcast_in_dim3A_430 = vector.shape_cast %eq3A_428 : vector<1000x1xi1> to vector<1000x1xi1>
    %broadcast_in_dim3A_431 = vector.broadcast %broadcast_in_dim3A_430 : vector<1000x1xi1> to vector<1000x128xi1>
    %broadcast_in_dim3A_432 = vector.broadcast %jit3A_429 : f32 to vector<1000x128xf32>
    %select_n3A_433 = arith.select %broadcast_in_dim3A_431, %add3A_24, %broadcast_in_dim3A_432 : vector<1000x128xi1>, vector<1000x128xf32>
    %reduce_max3A_434 = arith.constant dense<0xFF800000> : vector<128xf32>
    %reduce_max3A_435 = vector.multi_reduction <maximumf>, %select_n3A_433, %reduce_max3A_434 [0] : vector<1000x128xf32> to vector<128xf32>
    %eq3A_436 = arith.constant 41 : i32
    %eq3A_437 = vector.broadcast %eq3A_436 : i32 to vector<1000x1xi32>
    %eq3A_438 = arith.cmpi eq, %get3A_27, %eq3A_437 : vector<1000x1xi32>
    %jit3A_439 = arith.constant 0xFF800000 : f32
    %broadcast_in_dim3A_440 = vector.shape_cast %eq3A_438 : vector<1000x1xi1> to vector<1000x1xi1>
    %broadcast_in_dim3A_441 = vector.broadcast %broadcast_in_dim3A_440 : vector<1000x1xi1> to vector<1000x128xi1>
    %broadcast_in_dim3A_442 = vector.broadcast %jit3A_439 : f32 to vector<1000x128xf32>
    %select_n3A_443 = arith.select %broadcast_in_dim3A_441, %add3A_24, %broadcast_in_dim3A_442 : vector<1000x128xi1>, vector<1000x128xf32>
    %reduce_max3A_444 = arith.constant dense<0xFF800000> : vector<128xf32>
    %reduce_max3A_445 = vector.multi_reduction <maximumf>, %select_n3A_443, %reduce_max3A_444 [0] : vector<1000x128xf32> to vector<128xf32>
    %eq3A_446 = arith.constant 42 : i32
    %eq3A_447 = vector.broadcast %eq3A_446 : i32 to vector<1000x1xi32>
    %eq3A_448 = arith.cmpi eq, %get3A_27, %eq3A_447 : vector<1000x1xi32>
    %jit3A_449 = arith.constant 0xFF800000 : f32
    %broadcast_in_dim3A_450 = vector.shape_cast %eq3A_448 : vector<1000x1xi1> to vector<1000x1xi1>
    %broadcast_in_dim3A_451 = vector.broadcast %broadcast_in_dim3A_450 : vector<1000x1xi1> to vector<1000x128xi1>
    %broadcast_in_dim3A_452 = vector.broadcast %jit3A_449 : f32 to vector<1000x128xf32>
    %select_n3A_453 = arith.select %broadcast_in_dim3A_451, %add3A_24, %broadcast_in_dim3A_452 : vector<1000x128xi1>, vector<1000x128xf32>
    %reduce_max3A_454 = arith.constant dense<0xFF800000> : vector<128xf32>
    %reduce_max3A_455 = vector.multi_reduction <maximumf>, %select_n3A_453, %reduce_max3A_454 [0] : vector<1000x128xf32> to vector<128xf32>
    %eq3A_456 = arith.constant 43 : i32
    %eq3A_457 = vector.broadcast %eq3A_456 : i32 to vector<1000x1xi32>
    %eq3A_458 = arith.cmpi eq, %get3A_27, %eq3A_457 : vector<1000x1xi32>
    %jit3A_459 = arith.constant 0xFF800000 : f32
    %broadcast_in_dim3A_460 = vector.shape_cast %eq3A_458 : vector<1000x1xi1> to vector<1000x1xi1>
    %broadcast_in_dim3A_461 = vector.broadcast %broadcast_in_dim3A_460 : vector<1000x1xi1> to vector<1000x128xi1>
    %broadcast_in_dim3A_462 = vector.broadcast %jit3A_459 : f32 to vector<1000x128xf32>
    %select_n3A_463 = arith.select %broadcast_in_dim3A_461, %add3A_24, %broadcast_in_dim3A_462 : vector<1000x128xi1>, vector<1000x128xf32>
    %reduce_max3A_464 = arith.constant dense<0xFF800000> : vector<128xf32>
    %reduce_max3A_465 = vector.multi_reduction <maximumf>, %select_n3A_463, %reduce_max3A_464 [0] : vector<1000x128xf32> to vector<128xf32>
    %eq3A_466 = arith.constant 44 : i32
    %eq3A_467 = vector.broadcast %eq3A_466 : i32 to vector<1000x1xi32>
    %eq3A_468 = arith.cmpi eq, %get3A_27, %eq3A_467 : vector<1000x1xi32>
    %jit3A_469 = arith.constant 0xFF800000 : f32
    %broadcast_in_dim3A_470 = vector.shape_cast %eq3A_468 : vector<1000x1xi1> to vector<1000x1xi1>
    %broadcast_in_dim3A_471 = vector.broadcast %broadcast_in_dim3A_470 : vector<1000x1xi1> to vector<1000x128xi1>
    %broadcast_in_dim3A_472 = vector.broadcast %jit3A_469 : f32 to vector<1000x128xf32>
    %select_n3A_473 = arith.select %broadcast_in_dim3A_471, %add3A_24, %broadcast_in_dim3A_472 : vector<1000x128xi1>, vector<1000x128xf32>
    %reduce_max3A_474 = arith.constant dense<0xFF800000> : vector<128xf32>
    %reduce_max3A_475 = vector.multi_reduction <maximumf>, %select_n3A_473, %reduce_max3A_474 [0] : vector<1000x128xf32> to vector<128xf32>
    %eq3A_476 = arith.constant 45 : i32
    %eq3A_477 = vector.broadcast %eq3A_476 : i32 to vector<1000x1xi32>
    %eq3A_478 = arith.cmpi eq, %get3A_27, %eq3A_477 : vector<1000x1xi32>
    %jit3A_479 = arith.constant 0xFF800000 : f32
    %broadcast_in_dim3A_480 = vector.shape_cast %eq3A_478 : vector<1000x1xi1> to vector<1000x1xi1>
    %broadcast_in_dim3A_481 = vector.broadcast %broadcast_in_dim3A_480 : vector<1000x1xi1> to vector<1000x128xi1>
    %broadcast_in_dim3A_482 = vector.broadcast %jit3A_479 : f32 to vector<1000x128xf32>
    %select_n3A_483 = arith.select %broadcast_in_dim3A_481, %add3A_24, %broadcast_in_dim3A_482 : vector<1000x128xi1>, vector<1000x128xf32>
    %reduce_max3A_484 = arith.constant dense<0xFF800000> : vector<128xf32>
    %reduce_max3A_485 = vector.multi_reduction <maximumf>, %select_n3A_483, %reduce_max3A_484 [0] : vector<1000x128xf32> to vector<128xf32>
    %eq3A_486 = arith.constant 46 : i32
    %eq3A_487 = vector.broadcast %eq3A_486 : i32 to vector<1000x1xi32>
    %eq3A_488 = arith.cmpi eq, %get3A_27, %eq3A_487 : vector<1000x1xi32>
    %jit3A_489 = arith.constant 0xFF800000 : f32
    %broadcast_in_dim3A_490 = vector.shape_cast %eq3A_488 : vector<1000x1xi1> to vector<1000x1xi1>
    %broadcast_in_dim3A_491 = vector.broadcast %broadcast_in_dim3A_490 : vector<1000x1xi1> to vector<1000x128xi1>
    %broadcast_in_dim3A_492 = vector.broadcast %jit3A_489 : f32 to vector<1000x128xf32>
    %select_n3A_493 = arith.select %broadcast_in_dim3A_491, %add3A_24, %broadcast_in_dim3A_492 : vector<1000x128xi1>, vector<1000x128xf32>
    %reduce_max3A_494 = arith.constant dense<0xFF800000> : vector<128xf32>
    %reduce_max3A_495 = vector.multi_reduction <maximumf>, %select_n3A_493, %reduce_max3A_494 [0] : vector<1000x128xf32> to vector<128xf32>
    %eq3A_496 = arith.constant 47 : i32
    %eq3A_497 = vector.broadcast %eq3A_496 : i32 to vector<1000x1xi32>
    %eq3A_498 = arith.cmpi eq, %get3A_27, %eq3A_497 : vector<1000x1xi32>
    %jit3A_499 = arith.constant 0xFF800000 : f32
    %broadcast_in_dim3A_500 = vector.shape_cast %eq3A_498 : vector<1000x1xi1> to vector<1000x1xi1>
    %broadcast_in_dim3A_501 = vector.broadcast %broadcast_in_dim3A_500 : vector<1000x1xi1> to vector<1000x128xi1>
    %broadcast_in_dim3A_502 = vector.broadcast %jit3A_499 : f32 to vector<1000x128xf32>
    %select_n3A_503 = arith.select %broadcast_in_dim3A_501, %add3A_24, %broadcast_in_dim3A_502 : vector<1000x128xi1>, vector<1000x128xf32>
    %reduce_max3A_504 = arith.constant dense<0xFF800000> : vector<128xf32>
    %reduce_max3A_505 = vector.multi_reduction <maximumf>, %select_n3A_503, %reduce_max3A_504 [0] : vector<1000x128xf32> to vector<128xf32>
    %eq3A_506 = arith.constant 48 : i32
    %eq3A_507 = vector.broadcast %eq3A_506 : i32 to vector<1000x1xi32>
    %eq3A_508 = arith.cmpi eq, %get3A_27, %eq3A_507 : vector<1000x1xi32>
    %jit3A_509 = arith.constant 0xFF800000 : f32
    %broadcast_in_dim3A_510 = vector.shape_cast %eq3A_508 : vector<1000x1xi1> to vector<1000x1xi1>
    %broadcast_in_dim3A_511 = vector.broadcast %broadcast_in_dim3A_510 : vector<1000x1xi1> to vector<1000x128xi1>
    %broadcast_in_dim3A_512 = vector.broadcast %jit3A_509 : f32 to vector<1000x128xf32>
    %select_n3A_513 = arith.select %broadcast_in_dim3A_511, %add3A_24, %broadcast_in_dim3A_512 : vector<1000x128xi1>, vector<1000x128xf32>
    %reduce_max3A_514 = arith.constant dense<0xFF800000> : vector<128xf32>
    %reduce_max3A_515 = vector.multi_reduction <maximumf>, %select_n3A_513, %reduce_max3A_514 [0] : vector<1000x128xf32> to vector<128xf32>
    %eq3A_516 = arith.constant 49 : i32
    %eq3A_517 = vector.broadcast %eq3A_516 : i32 to vector<1000x1xi32>
    %eq3A_518 = arith.cmpi eq, %get3A_27, %eq3A_517 : vector<1000x1xi32>
    %jit3A_519 = arith.constant 0xFF800000 : f32
    %broadcast_in_dim3A_520 = vector.shape_cast %eq3A_518 : vector<1000x1xi1> to vector<1000x1xi1>
    %broadcast_in_dim3A_521 = vector.broadcast %broadcast_in_dim3A_520 : vector<1000x1xi1> to vector<1000x128xi1>
    %broadcast_in_dim3A_522 = vector.broadcast %jit3A_519 : f32 to vector<1000x128xf32>
    %select_n3A_523 = arith.select %broadcast_in_dim3A_521, %add3A_24, %broadcast_in_dim3A_522 : vector<1000x128xi1>, vector<1000x128xf32>
    %reduce_max3A_524 = arith.constant dense<0xFF800000> : vector<128xf32>
    %reduce_max3A_525 = vector.multi_reduction <maximumf>, %select_n3A_523, %reduce_max3A_524 [0] : vector<1000x128xf32> to vector<128xf32>
    %eq3A_526 = arith.constant 50 : i32
    %eq3A_527 = vector.broadcast %eq3A_526 : i32 to vector<1000x1xi32>
    %eq3A_528 = arith.cmpi eq, %get3A_27, %eq3A_527 : vector<1000x1xi32>
    %jit3A_529 = arith.constant 0xFF800000 : f32
    %broadcast_in_dim3A_530 = vector.shape_cast %eq3A_528 : vector<1000x1xi1> to vector<1000x1xi1>
    %broadcast_in_dim3A_531 = vector.broadcast %broadcast_in_dim3A_530 : vector<1000x1xi1> to vector<1000x128xi1>
    %broadcast_in_dim3A_532 = vector.broadcast %jit3A_529 : f32 to vector<1000x128xf32>
    %select_n3A_533 = arith.select %broadcast_in_dim3A_531, %add3A_24, %broadcast_in_dim3A_532 : vector<1000x128xi1>, vector<1000x128xf32>
    %reduce_max3A_534 = arith.constant dense<0xFF800000> : vector<128xf32>
    %reduce_max3A_535 = vector.multi_reduction <maximumf>, %select_n3A_533, %reduce_max3A_534 [0] : vector<1000x128xf32> to vector<128xf32>
    %eq3A_536 = arith.constant 51 : i32
    %eq3A_537 = vector.broadcast %eq3A_536 : i32 to vector<1000x1xi32>
    %eq3A_538 = arith.cmpi eq, %get3A_27, %eq3A_537 : vector<1000x1xi32>
    %jit3A_539 = arith.constant 0xFF800000 : f32
    %broadcast_in_dim3A_540 = vector.shape_cast %eq3A_538 : vector<1000x1xi1> to vector<1000x1xi1>
    %broadcast_in_dim3A_541 = vector.broadcast %broadcast_in_dim3A_540 : vector<1000x1xi1> to vector<1000x128xi1>
    %broadcast_in_dim3A_542 = vector.broadcast %jit3A_539 : f32 to vector<1000x128xf32>
    %select_n3A_543 = arith.select %broadcast_in_dim3A_541, %add3A_24, %broadcast_in_dim3A_542 : vector<1000x128xi1>, vector<1000x128xf32>
    %reduce_max3A_544 = arith.constant dense<0xFF800000> : vector<128xf32>
    %reduce_max3A_545 = vector.multi_reduction <maximumf>, %select_n3A_543, %reduce_max3A_544 [0] : vector<1000x128xf32> to vector<128xf32>
    %eq3A_546 = arith.constant 52 : i32
    %eq3A_547 = vector.broadcast %eq3A_546 : i32 to vector<1000x1xi32>
    %eq3A_548 = arith.cmpi eq, %get3A_27, %eq3A_547 : vector<1000x1xi32>
    %jit3A_549 = arith.constant 0xFF800000 : f32
    %broadcast_in_dim3A_550 = vector.shape_cast %eq3A_548 : vector<1000x1xi1> to vector<1000x1xi1>
    %broadcast_in_dim3A_551 = vector.broadcast %broadcast_in_dim3A_550 : vector<1000x1xi1> to vector<1000x128xi1>
    %broadcast_in_dim3A_552 = vector.broadcast %jit3A_549 : f32 to vector<1000x128xf32>
    %select_n3A_553 = arith.select %broadcast_in_dim3A_551, %add3A_24, %broadcast_in_dim3A_552 : vector<1000x128xi1>, vector<1000x128xf32>
    %reduce_max3A_554 = arith.constant dense<0xFF800000> : vector<128xf32>
    %reduce_max3A_555 = vector.multi_reduction <maximumf>, %select_n3A_553, %reduce_max3A_554 [0] : vector<1000x128xf32> to vector<128xf32>
    %eq3A_556 = arith.constant 53 : i32
    %eq3A_557 = vector.broadcast %eq3A_556 : i32 to vector<1000x1xi32>
    %eq3A_558 = arith.cmpi eq, %get3A_27, %eq3A_557 : vector<1000x1xi32>
    %jit3A_559 = arith.constant 0xFF800000 : f32
    %broadcast_in_dim3A_560 = vector.shape_cast %eq3A_558 : vector<1000x1xi1> to vector<1000x1xi1>
    %broadcast_in_dim3A_561 = vector.broadcast %broadcast_in_dim3A_560 : vector<1000x1xi1> to vector<1000x128xi1>
    %broadcast_in_dim3A_562 = vector.broadcast %jit3A_559 : f32 to vector<1000x128xf32>
    %select_n3A_563 = arith.select %broadcast_in_dim3A_561, %add3A_24, %broadcast_in_dim3A_562 : vector<1000x128xi1>, vector<1000x128xf32>
    %reduce_max3A_564 = arith.constant dense<0xFF800000> : vector<128xf32>
    %reduce_max3A_565 = vector.multi_reduction <maximumf>, %select_n3A_563, %reduce_max3A_564 [0] : vector<1000x128xf32> to vector<128xf32>
    %eq3A_566 = arith.constant 54 : i32
    %eq3A_567 = vector.broadcast %eq3A_566 : i32 to vector<1000x1xi32>
    %eq3A_568 = arith.cmpi eq, %get3A_27, %eq3A_567 : vector<1000x1xi32>
    %jit3A_569 = arith.constant 0xFF800000 : f32
    %broadcast_in_dim3A_570 = vector.shape_cast %eq3A_568 : vector<1000x1xi1> to vector<1000x1xi1>
    %broadcast_in_dim3A_571 = vector.broadcast %broadcast_in_dim3A_570 : vector<1000x1xi1> to vector<1000x128xi1>
    %broadcast_in_dim3A_572 = vector.broadcast %jit3A_569 : f32 to vector<1000x128xf32>
    %select_n3A_573 = arith.select %broadcast_in_dim3A_571, %add3A_24, %broadcast_in_dim3A_572 : vector<1000x128xi1>, vector<1000x128xf32>
    %reduce_max3A_574 = arith.constant dense<0xFF800000> : vector<128xf32>
    %reduce_max3A_575 = vector.multi_reduction <maximumf>, %select_n3A_573, %reduce_max3A_574 [0] : vector<1000x128xf32> to vector<128xf32>
    %eq3A_576 = arith.constant 55 : i32
    %eq3A_577 = vector.broadcast %eq3A_576 : i32 to vector<1000x1xi32>
    %eq3A_578 = arith.cmpi eq, %get3A_27, %eq3A_577 : vector<1000x1xi32>
    %jit3A_579 = arith.constant 0xFF800000 : f32
    %broadcast_in_dim3A_580 = vector.shape_cast %eq3A_578 : vector<1000x1xi1> to vector<1000x1xi1>
    %broadcast_in_dim3A_581 = vector.broadcast %broadcast_in_dim3A_580 : vector<1000x1xi1> to vector<1000x128xi1>
    %broadcast_in_dim3A_582 = vector.broadcast %jit3A_579 : f32 to vector<1000x128xf32>
    %select_n3A_583 = arith.select %broadcast_in_dim3A_581, %add3A_24, %broadcast_in_dim3A_582 : vector<1000x128xi1>, vector<1000x128xf32>
    %reduce_max3A_584 = arith.constant dense<0xFF800000> : vector<128xf32>
    %reduce_max3A_585 = vector.multi_reduction <maximumf>, %select_n3A_583, %reduce_max3A_584 [0] : vector<1000x128xf32> to vector<128xf32>
    %eq3A_586 = arith.constant 56 : i32
    %eq3A_587 = vector.broadcast %eq3A_586 : i32 to vector<1000x1xi32>
    %eq3A_588 = arith.cmpi eq, %get3A_27, %eq3A_587 : vector<1000x1xi32>
    %jit3A_589 = arith.constant 0xFF800000 : f32
    %broadcast_in_dim3A_590 = vector.shape_cast %eq3A_588 : vector<1000x1xi1> to vector<1000x1xi1>
    %broadcast_in_dim3A_591 = vector.broadcast %broadcast_in_dim3A_590 : vector<1000x1xi1> to vector<1000x128xi1>
    %broadcast_in_dim3A_592 = vector.broadcast %jit3A_589 : f32 to vector<1000x128xf32>
    %select_n3A_593 = arith.select %broadcast_in_dim3A_591, %add3A_24, %broadcast_in_dim3A_592 : vector<1000x128xi1>, vector<1000x128xf32>
    %reduce_max3A_594 = arith.constant dense<0xFF800000> : vector<128xf32>
    %reduce_max3A_595 = vector.multi_reduction <maximumf>, %select_n3A_593, %reduce_max3A_594 [0] : vector<1000x128xf32> to vector<128xf32>
    %eq3A_596 = arith.constant 57 : i32
    %eq3A_597 = vector.broadcast %eq3A_596 : i32 to vector<1000x1xi32>
    %eq3A_598 = arith.cmpi eq, %get3A_27, %eq3A_597 : vector<1000x1xi32>
    %jit3A_599 = arith.constant 0xFF800000 : f32
    %broadcast_in_dim3A_600 = vector.shape_cast %eq3A_598 : vector<1000x1xi1> to vector<1000x1xi1>
    %broadcast_in_dim3A_601 = vector.broadcast %broadcast_in_dim3A_600 : vector<1000x1xi1> to vector<1000x128xi1>
    %broadcast_in_dim3A_602 = vector.broadcast %jit3A_599 : f32 to vector<1000x128xf32>
    %select_n3A_603 = arith.select %broadcast_in_dim3A_601, %add3A_24, %broadcast_in_dim3A_602 : vector<1000x128xi1>, vector<1000x128xf32>
    %reduce_max3A_604 = arith.constant dense<0xFF800000> : vector<128xf32>
    %reduce_max3A_605 = vector.multi_reduction <maximumf>, %select_n3A_603, %reduce_max3A_604 [0] : vector<1000x128xf32> to vector<128xf32>
    %eq3A_606 = arith.constant 58 : i32
    %eq3A_607 = vector.broadcast %eq3A_606 : i32 to vector<1000x1xi32>
    %eq3A_608 = arith.cmpi eq, %get3A_27, %eq3A_607 : vector<1000x1xi32>
    %jit3A_609 = arith.constant 0xFF800000 : f32
    %broadcast_in_dim3A_610 = vector.shape_cast %eq3A_608 : vector<1000x1xi1> to vector<1000x1xi1>
    %broadcast_in_dim3A_611 = vector.broadcast %broadcast_in_dim3A_610 : vector<1000x1xi1> to vector<1000x128xi1>
    %broadcast_in_dim3A_612 = vector.broadcast %jit3A_609 : f32 to vector<1000x128xf32>
    %select_n3A_613 = arith.select %broadcast_in_dim3A_611, %add3A_24, %broadcast_in_dim3A_612 : vector<1000x128xi1>, vector<1000x128xf32>
    %reduce_max3A_614 = arith.constant dense<0xFF800000> : vector<128xf32>
    %reduce_max3A_615 = vector.multi_reduction <maximumf>, %select_n3A_613, %reduce_max3A_614 [0] : vector<1000x128xf32> to vector<128xf32>
    %eq3A_616 = arith.constant 59 : i32
    %eq3A_617 = vector.broadcast %eq3A_616 : i32 to vector<1000x1xi32>
    %eq3A_618 = arith.cmpi eq, %get3A_27, %eq3A_617 : vector<1000x1xi32>
    %jit3A_619 = arith.constant 0xFF800000 : f32
    %broadcast_in_dim3A_620 = vector.shape_cast %eq3A_618 : vector<1000x1xi1> to vector<1000x1xi1>
    %broadcast_in_dim3A_621 = vector.broadcast %broadcast_in_dim3A_620 : vector<1000x1xi1> to vector<1000x128xi1>
    %broadcast_in_dim3A_622 = vector.broadcast %jit3A_619 : f32 to vector<1000x128xf32>
    %select_n3A_623 = arith.select %broadcast_in_dim3A_621, %add3A_24, %broadcast_in_dim3A_622 : vector<1000x128xi1>, vector<1000x128xf32>
    %reduce_max3A_624 = arith.constant dense<0xFF800000> : vector<128xf32>
    %reduce_max3A_625 = vector.multi_reduction <maximumf>, %select_n3A_623, %reduce_max3A_624 [0] : vector<1000x128xf32> to vector<128xf32>
    %eq3A_626 = arith.constant 60 : i32
    %eq3A_627 = vector.broadcast %eq3A_626 : i32 to vector<1000x1xi32>
    %eq3A_628 = arith.cmpi eq, %get3A_27, %eq3A_627 : vector<1000x1xi32>
    %jit3A_629 = arith.constant 0xFF800000 : f32
    %broadcast_in_dim3A_630 = vector.shape_cast %eq3A_628 : vector<1000x1xi1> to vector<1000x1xi1>
    %broadcast_in_dim3A_631 = vector.broadcast %broadcast_in_dim3A_630 : vector<1000x1xi1> to vector<1000x128xi1>
    %broadcast_in_dim3A_632 = vector.broadcast %jit3A_629 : f32 to vector<1000x128xf32>
    %select_n3A_633 = arith.select %broadcast_in_dim3A_631, %add3A_24, %broadcast_in_dim3A_632 : vector<1000x128xi1>, vector<1000x128xf32>
    %reduce_max3A_634 = arith.constant dense<0xFF800000> : vector<128xf32>
    %reduce_max3A_635 = vector.multi_reduction <maximumf>, %select_n3A_633, %reduce_max3A_634 [0] : vector<1000x128xf32> to vector<128xf32>
    %eq3A_636 = arith.constant 61 : i32
    %eq3A_637 = vector.broadcast %eq3A_636 : i32 to vector<1000x1xi32>
    %eq3A_638 = arith.cmpi eq, %get3A_27, %eq3A_637 : vector<1000x1xi32>
    %jit3A_639 = arith.constant 0xFF800000 : f32
    %broadcast_in_dim3A_640 = vector.shape_cast %eq3A_638 : vector<1000x1xi1> to vector<1000x1xi1>
    %broadcast_in_dim3A_641 = vector.broadcast %broadcast_in_dim3A_640 : vector<1000x1xi1> to vector<1000x128xi1>
    %broadcast_in_dim3A_642 = vector.broadcast %jit3A_639 : f32 to vector<1000x128xf32>
    %select_n3A_643 = arith.select %broadcast_in_dim3A_641, %add3A_24, %broadcast_in_dim3A_642 : vector<1000x128xi1>, vector<1000x128xf32>
    %reduce_max3A_644 = arith.constant dense<0xFF800000> : vector<128xf32>
    %reduce_max3A_645 = vector.multi_reduction <maximumf>, %select_n3A_643, %reduce_max3A_644 [0] : vector<1000x128xf32> to vector<128xf32>
    %eq3A_646 = arith.constant 62 : i32
    %eq3A_647 = vector.broadcast %eq3A_646 : i32 to vector<1000x1xi32>
    %eq3A_648 = arith.cmpi eq, %get3A_27, %eq3A_647 : vector<1000x1xi32>
    %jit3A_649 = arith.constant 0xFF800000 : f32
    %broadcast_in_dim3A_650 = vector.shape_cast %eq3A_648 : vector<1000x1xi1> to vector<1000x1xi1>
    %broadcast_in_dim3A_651 = vector.broadcast %broadcast_in_dim3A_650 : vector<1000x1xi1> to vector<1000x128xi1>
    %broadcast_in_dim3A_652 = vector.broadcast %jit3A_649 : f32 to vector<1000x128xf32>
    %select_n3A_653 = arith.select %broadcast_in_dim3A_651, %add3A_24, %broadcast_in_dim3A_652 : vector<1000x128xi1>, vector<1000x128xf32>
    %reduce_max3A_654 = arith.constant dense<0xFF800000> : vector<128xf32>
    %reduce_max3A_655 = vector.multi_reduction <maximumf>, %select_n3A_653, %reduce_max3A_654 [0] : vector<1000x128xf32> to vector<128xf32>
    %eq3A_656 = arith.constant 63 : i32
    %eq3A_657 = vector.broadcast %eq3A_656 : i32 to vector<1000x1xi32>
    %eq3A_658 = arith.cmpi eq, %get3A_27, %eq3A_657 : vector<1000x1xi32>
    %jit3A_659 = arith.constant 0xFF800000 : f32
    %broadcast_in_dim3A_660 = vector.shape_cast %eq3A_658 : vector<1000x1xi1> to vector<1000x1xi1>
    %broadcast_in_dim3A_661 = vector.broadcast %broadcast_in_dim3A_660 : vector<1000x1xi1> to vector<1000x128xi1>
    %broadcast_in_dim3A_662 = vector.broadcast %jit3A_659 : f32 to vector<1000x128xf32>
    %select_n3A_663 = arith.select %broadcast_in_dim3A_661, %add3A_24, %broadcast_in_dim3A_662 : vector<1000x128xi1>, vector<1000x128xf32>
    %reduce_max3A_664 = arith.constant dense<0xFF800000> : vector<128xf32>
    %reduce_max3A_665 = vector.multi_reduction <maximumf>, %select_n3A_663, %reduce_max3A_664 [0] : vector<1000x128xf32> to vector<128xf32>
    %get3A_666 = arith.constant 0 : index
    %get3A_667 = arith.constant 0 : index
    %get3A_668 = vector.load %arg6[%get3A_666, %get3A_667] : memref<64x128xf32, #tpu.memory_space<vmem>>, vector<64x128xf32>
    %stack3A = vector.shape_cast %reduce_max3A_35 : vector<128xf32> to vector<1x128xf32>
    %stack3A_669 = vector.shape_cast %reduce_max3A_45 : vector<128xf32> to vector<1x128xf32>
    %stack3A_670 = vector.shape_cast %reduce_max3A_55 : vector<128xf32> to vector<1x128xf32>
    %stack3A_671 = vector.shape_cast %reduce_max3A_65 : vector<128xf32> to vector<1x128xf32>
    %stack3A_672 = vector.shape_cast %reduce_max3A_75 : vector<128xf32> to vector<1x128xf32>
    %stack3A_673 = vector.shape_cast %reduce_max3A_85 : vector<128xf32> to vector<1x128xf32>
    %stack3A_674 = vector.shape_cast %reduce_max3A_95 : vector<128xf32> to vector<1x128xf32>
    %stack3A_675 = vector.shape_cast %reduce_max3A_105 : vector<128xf32> to vector<1x128xf32>
    %stack3A_676 = vector.shape_cast %reduce_max3A_115 : vector<128xf32> to vector<1x128xf32>
    %stack3A_677 = vector.shape_cast %reduce_max3A_125 : vector<128xf32> to vector<1x128xf32>
    %stack3A_678 = vector.shape_cast %reduce_max3A_135 : vector<128xf32> to vector<1x128xf32>
    %stack3A_679 = vector.shape_cast %reduce_max3A_145 : vector<128xf32> to vector<1x128xf32>
    %stack3A_680 = vector.shape_cast %reduce_max3A_155 : vector<128xf32> to vector<1x128xf32>
    %stack3A_681 = vector.shape_cast %reduce_max3A_165 : vector<128xf32> to vector<1x128xf32>
    %stack3A_682 = vector.shape_cast %reduce_max3A_175 : vector<128xf32> to vector<1x128xf32>
    %stack3A_683 = vector.shape_cast %reduce_max3A_185 : vector<128xf32> to vector<1x128xf32>
    %stack3A_684 = vector.shape_cast %reduce_max3A_195 : vector<128xf32> to vector<1x128xf32>
    %stack3A_685 = vector.shape_cast %reduce_max3A_205 : vector<128xf32> to vector<1x128xf32>
    %stack3A_686 = vector.shape_cast %reduce_max3A_215 : vector<128xf32> to vector<1x128xf32>
    %stack3A_687 = vector.shape_cast %reduce_max3A_225 : vector<128xf32> to vector<1x128xf32>
    %stack3A_688 = vector.shape_cast %reduce_max3A_235 : vector<128xf32> to vector<1x128xf32>
    %stack3A_689 = vector.shape_cast %reduce_max3A_245 : vector<128xf32> to vector<1x128xf32>
    %stack3A_690 = vector.shape_cast %reduce_max3A_255 : vector<128xf32> to vector<1x128xf32>
    %stack3A_691 = vector.shape_cast %reduce_max3A_265 : vector<128xf32> to vector<1x128xf32>
    %stack3A_692 = vector.shape_cast %reduce_max3A_275 : vector<128xf32> to vector<1x128xf32>
    %stack3A_693 = vector.shape_cast %reduce_max3A_285 : vector<128xf32> to vector<1x128xf32>
    %stack3A_694 = vector.shape_cast %reduce_max3A_295 : vector<128xf32> to vector<1x128xf32>
    %stack3A_695 = vector.shape_cast %reduce_max3A_305 : vector<128xf32> to vector<1x128xf32>
    %stack3A_696 = vector.shape_cast %reduce_max3A_315 : vector<128xf32> to vector<1x128xf32>
    %stack3A_697 = vector.shape_cast %reduce_max3A_325 : vector<128xf32> to vector<1x128xf32>
    %stack3A_698 = vector.shape_cast %reduce_max3A_335 : vector<128xf32> to vector<1x128xf32>
    %stack3A_699 = vector.shape_cast %reduce_max3A_345 : vector<128xf32> to vector<1x128xf32>
    %stack3A_700 = vector.shape_cast %reduce_max3A_355 : vector<128xf32> to vector<1x128xf32>
    %stack3A_701 = vector.shape_cast %reduce_max3A_365 : vector<128xf32> to vector<1x128xf32>
    %stack3A_702 = vector.shape_cast %reduce_max3A_375 : vector<128xf32> to vector<1x128xf32>
    %stack3A_703 = vector.shape_cast %reduce_max3A_385 : vector<128xf32> to vector<1x128xf32>
    %stack3A_704 = vector.shape_cast %reduce_max3A_395 : vector<128xf32> to vector<1x128xf32>
    %stack3A_705 = vector.shape_cast %reduce_max3A_405 : vector<128xf32> to vector<1x128xf32>
    %stack3A_706 = vector.shape_cast %reduce_max3A_415 : vector<128xf32> to vector<1x128xf32>
    %stack3A_707 = vector.shape_cast %reduce_max3A_425 : vector<128xf32> to vector<1x128xf32>
    %stack3A_708 = vector.shape_cast %reduce_max3A_435 : vector<128xf32> to vector<1x128xf32>
    %stack3A_709 = vector.shape_cast %reduce_max3A_445 : vector<128xf32> to vector<1x128xf32>
    %stack3A_710 = vector.shape_cast %reduce_max3A_455 : vector<128xf32> to vector<1x128xf32>
    %stack3A_711 = vector.shape_cast %reduce_max3A_465 : vector<128xf32> to vector<1x128xf32>
    %stack3A_712 = vector.shape_cast %reduce_max3A_475 : vector<128xf32> to vector<1x128xf32>
    %stack3A_713 = vector.shape_cast %reduce_max3A_485 : vector<128xf32> to vector<1x128xf32>
    %stack3A_714 = vector.shape_cast %reduce_max3A_495 : vector<128xf32> to vector<1x128xf32>
    %stack3A_715 = vector.shape_cast %reduce_max3A_505 : vector<128xf32> to vector<1x128xf32>
    %stack3A_716 = vector.shape_cast %reduce_max3A_515 : vector<128xf32> to vector<1x128xf32>
    %stack3A_717 = vector.shape_cast %reduce_max3A_525 : vector<128xf32> to vector<1x128xf32>
    %stack3A_718 = vector.shape_cast %reduce_max3A_535 : vector<128xf32> to vector<1x128xf32>
    %stack3A_719 = vector.shape_cast %reduce_max3A_545 : vector<128xf32> to vector<1x128xf32>
    %stack3A_720 = vector.shape_cast %reduce_max3A_555 : vector<128xf32> to vector<1x128xf32>
    %stack3A_721 = vector.shape_cast %reduce_max3A_565 : vector<128xf32> to vector<1x128xf32>
    %stack3A_722 = vector.shape_cast %reduce_max3A_575 : vector<128xf32> to vector<1x128xf32>
    %stack3A_723 = vector.shape_cast %reduce_max3A_585 : vector<128xf32> to vector<1x128xf32>
    %stack3A_724 = vector.shape_cast %reduce_max3A_595 : vector<128xf32> to vector<1x128xf32>
    %stack3A_725 = vector.shape_cast %reduce_max3A_605 : vector<128xf32> to vector<1x128xf32>
    %stack3A_726 = vector.shape_cast %reduce_max3A_615 : vector<128xf32> to vector<1x128xf32>
    %stack3A_727 = vector.shape_cast %reduce_max3A_625 : vector<128xf32> to vector<1x128xf32>
    %stack3A_728 = vector.shape_cast %reduce_max3A_635 : vector<128xf32> to vector<1x128xf32>
    %stack3A_729 = vector.shape_cast %reduce_max3A_645 : vector<128xf32> to vector<1x128xf32>
    %stack3A_730 = vector.shape_cast %reduce_max3A_655 : vector<128xf32> to vector<1x128xf32>
    %stack3A_731 = vector.shape_cast %reduce_max3A_665 : vector<128xf32> to vector<1x128xf32>
    %stack3A_732 = tpu.concatenate %stack3A, %stack3A_669, %stack3A_670, %stack3A_671, %stack3A_672, %stack3A_673, %stack3A_674, %stack3A_675, %stack3A_676, %stack3A_677, %stack3A_678, %stack3A_679, %stack3A_680, %stack3A_681, %stack3A_682, %stack3A_683, %stack3A_684, %stack3A_685, %stack3A_686, %stack3A_687, %stack3A_688, %stack3A_689, %stack3A_690, %stack3A_691, %stack3A_692, %stack3A_693, %stack3A_694, %stack3A_695, %stack3A_696, %stack3A_697, %stack3A_698, %stack3A_699, %stack3A_700, %stack3A_701, %stack3A_702, %stack3A_703, %stack3A_704, %stack3A_705, %stack3A_706, %stack3A_707, %stack3A_708, %stack3A_709, %stack3A_710, %stack3A_711, %stack3A_712, %stack3A_713, %stack3A_714, %stack3A_715, %stack3A_716, %stack3A_717, %stack3A_718, %stack3A_719, %stack3A_720, %stack3A_721, %stack3A_722, %stack3A_723, %stack3A_724, %stack3A_725, %stack3A_726, %stack3A_727, %stack3A_728, %stack3A_729, %stack3A_730, %stack3A_731 in 0 : vector<1x128xf32>, vector<1x128xf32>, vector<1x128xf32>, vector<1x128xf32>, vector<1x128xf32>, vector<1x128xf32>, vector<1x128xf32>, vector<1x128xf32>, vector<1x128xf32>, vector<1x128xf32>, vector<1x128xf32>, vector<1x128xf32>, vector<1x128xf32>, vector<1x128xf32>, vector<1x128xf32>, vector<1x128xf32>, vector<1x128xf32>, vector<1x128xf32>, vector<1x128xf32>, vector<1x128xf32>, vector<1x128xf32>, vector<1x128xf32>, vector<1x128xf32>, vector<1x128xf32>, vector<1x128xf32>, vector<1x128xf32>, vector<1x128xf32>, vector<1x128xf32>, vector<1x128xf32>, vector<1x128xf32>, vector<1x128xf32>, vector<1x128xf32>, vector<1x128xf32>, vector<1x128xf32>, vector<1x128xf32>, vector<1x128xf32>, vector<1x128xf32>, vector<1x128xf32>, vector<1x128xf32>, vector<1x128xf32>, vector<1x128xf32>, vector<1x128xf32>, vector<1x128xf32>, vector<1x128xf32>, vector<1x128xf32>, vector<1x128xf32>, vector<1x128xf32>, vector<1x128xf32>, vector<1x128xf32>, vector<1x128xf32>, vector<1x128xf32>, vector<1x128xf32>, vector<1x128xf32>, vector<1x128xf32>, vector<1x128xf32>, vector<1x128xf32>, vector<1x128xf32>, vector<1x128xf32>, vector<1x128xf32>, vector<1x128xf32>, vector<1x128xf32>, vector<1x128xf32>, vector<1x128xf32>, vector<1x128xf32> -> vector<64x128xf32>
    %max3A = arith.maximumf %get3A_668, %stack3A_732 : vector<64x128xf32>
    %swap3A = arith.constant 0 : index
    %swap3A_733 = arith.constant 0 : index
    %swap3A_734 = vector.load %arg6[%swap3A, %swap3A_733] : memref<64x128xf32, #tpu.memory_space<vmem>>, vector<64x128xf32>
    tpu.vector_store %arg6[%swap3A, %swap3A_733], %max3A {strides = array<i32>} : memref<64x128xf32, #tpu.memory_space<vmem>>, vector<64x128xf32>,
    return
  }
  func.func @transform_0(%arg0: i32) -> (i32, i32, i32) {
    %c0_i32 = arith.constant 0 : i32
    %c0_i32_0 = arith.constant 0 : i32
    %c0_i32_1 = arith.constant 0 : i32
    return %c0_i32, %arg0, %c0_i32_0 : i32, i32, i32
  }
  func.func @transform_1(%arg0: i32) -> (i32, i32) {
    %c0_i32 = arith.constant 0 : i32
    %c0_i32_0 = arith.constant 0 : i32
    return %arg0, %c0_i32 : i32, i32
  }
  func.func @transform_2(%arg0: i32) -> (i32, i32) {
    %c0_i32 = arith.constant 0 : i32
    %c0_i32_0 = arith.constant 0 : i32
    return %arg0, %c0_i32 : i32, i32
  }
  func.func @transform_3(%arg0: i32) -> (i32, i32) {
    %c0_i32 = arith.constant 0 : i32
    %c0_i32_0 = arith.constant 0 : i32
    %c0_i32_1 = arith.constant 0 : i32
    return %c0_i32, %c0_i32_0 : i32, i32
  }
  func.func @transform_4(%arg0: i32) -> (i32, i32) {
    %c0_i32 = arith.constant 0 : i32
    %c0_i32_0 = arith.constant 0 : i32
    return %arg0, %c0_i32 : i32, i32
  }
  func.func @transform_5(%arg0: i32) -> (i32, i32) {
    %c0_i32 = arith.constant 0 : i32
    %c0_i32_0 = arith.constant 0 : i32
    %c0_i32_1 = arith.constant 0 : i32
    return %c0_i32, %c0_i32_0 : i32, i32
  }
}

</mosaic_0001>

<sc_bundles>
// kernel: kernel.10.cloned.1.call-start
scs
__scs_entry_jumppad:
0x0: {  	(pc) =	sbr.rel $0x88, $3  }
0x1: {  	(tag) =	ssettag $0x0;
	lr =	simm.s32 $0x1  }
0x2: {  	[smem:$0x3F98] =	sst lr;
	_ =	strace $0xD0000000  }
0x3: {  	_ = 	snop  }
0x4: {  	_ = 	snop  }
0x5: {  	_ = 	snop  }
0x6: {  	_ = 	snop  }
0x7: {  	_ = 	snop  }
__scs_overlays_trampoline_lowered:
0x8: {  	[smem:$0x3FA7] =	sst s0  }
0x9: {  	[smem:$0x3FA8] =	sst s1  }
0xa: {  	[smem:$0x3FA9] =	sst s2  }
0xb: {  	[smem:$0x3FAA] =	sst s3  }
0xc: {  	[smem:$0x3FAB] =	sst s4  }
0xd: {  	[smem:$0x3FAC] =	sst s5  }
0xe: {  	[smem:$0x3FAD] =	sst s6  }
0xf: {  	[smem:$0x3FAE] =	sst s7  }
0x10: {  	[smem:$0x3FAF] =	sst s8  }
0x11: {  	[smem:$0x3FB0] =	sst s9;
	s0 =	simm.s32 @!p0 $0x0  }
0x12: {  	s1 =	sld [smem:$0x3F96];
	s0 =	simm.s32 @p0 $0x1  }
0x13: {  	[smem:$0x3FB1] =	sst s0;
	s0 =	simm.s32 @!p1 $0x0  }
0x14: {  	s2 =	sld [smem:$0x3F95];
	s0 =	simm.s32 @p1 $0x1  }
0x15: {  	[smem:$0x3FB2] =	sst s0;
	s0 =	simm.s32 @!p2 $0x0  }
0x16: {  	s3 =	sld [smem:$0x3FDB];
	s0 =	simm.s32 @p2 $0x1  }
0x17: {  	s4 =	simm.s32 $0x1BF5;
	[smem:$0x3FB4] =	sst s0  }
0x18: {  	s0 =	sld [smem:$0x3F97];
	_ =	swait.ge [sflag:s4], $0x0  }
0x19: {  	s7 =	sld [smem:$0x3F98]  }
0x1a: {  	s8 =	sadd.s32 $0xFFFFE003, lr  }
0x1b: {  	s9 =	sadd.s32 $0xFFFFFEF7, lr;
	s5 =	simm.s32 $0xFFFFFFFF;
	p2 =	slt.u32 s8, $0xFFFFF086  }
0x1c: {  	p1 =	slt.u32 s9, $0xF7A;
	s5 =	simm.s32 @!p2 $0x0  }
0x1d: {  	s5 =	simm.s32 @p1 $0x1;
	p0 =	seq.s32 s7, s2  }
0x1e: {  	s7 =	smul.u32 @!p0 $0xF7A, s2;
	p2 =	seq.s32 @!p0 s5, $0x0  }
0x1f: {  	s9 =	smul.u32 $0xF7A, s1;
	s8 =	simm.s32 @!p0 $0x1BF5;
	p2 =	por !p2, p0  }
0x20: {  	[sflag:s8] =	ssyncset.s32 @!p0 $0xFFFFF086;
	s6 =	sadd.s32 @!p0 s3, s7;
	s7 =	simm.s32 @!p0 $0x108  }
0x21: {  	s3 =	sadd.s32 s3, s9;
	s6 =	sadd.s32 @!p0 $0x88, s6;
	s7 =	simm.s32 @p2 $0x1082  }
0x22: {  	[simem:s7], [sflag:s8] =	dma.local @!p0 [hbm:s6], $0xF7A  }
0x23: {  	s9 =	sor.u32 $0xD0000000, s2;
	s6 =	simm.s32 $0x108;
	_ =	swait.ge @!p0 [sflag:s8], $0x0  }
0x24: {  	s3 =	sadd.s32 $0x88, s3;
	s6 =	simm.s32 @!p1 $0x1082;
	[sflag:s4] =	ssyncset.s32 $0xFFFFF086  }
0x25: {  	[simem:s6], [sflag:s4] =	dma.local [hbm:s3], $0xF7A  }
0x26: {  	[smem:$0x3F98] =	sst s1;
	(tag) =	ssettag s2;
	_ =	strace s9  }
0x27: {  	s1 =	sld [smem:$0x3FA8]  }
0x28: {  	s2 =	sld [smem:$0x3FA9]  }
0x29: {  	s4 =	sld [smem:$0x3FAB]  }
0x2a: {  	p0 =	seq.s32 s5, $0x0;
	s5 =	sld [smem:$0x3FAC]  }
0x2b: {  	s6 =	sld [smem:$0x3FAD]  }
0x2c: {  	s7 =	sld [smem:$0x3FAE]  }
0x2d: {  	s3 =	simm.s32 $0x108;
	s8 =	sld [smem:$0x3FAF]  }
0x2e: {  	s3 =	simm.s32 @!p0 $0x1082;
	s9 =	sld [smem:$0x3FB0]  }
0x2f: {  	lr =	sadd.s32 s0, s3;
	s0 =	sld [smem:$0x3FA7]  }
0x30: {  	s3 =	sld [smem:$0x3FAA]  }
0x31: {  	[smem:$0x3FB3] =	sst s10  }
0x32: {  	s10 =	sld [smem:$0x3FB1];
	_ =	sdelay $0x3  }
0x33: {  	p0 =	seq.s32 s10, $0x1;
	s10 =	sld [smem:$0x3FB3];
	_ =	sdelay $0x3  }
0x34: {  	[smem:$0x3FB3] =	sst s10  }
0x35: {  	s10 =	sld [smem:$0x3FB2];
	_ =	sdelay $0x3  }
0x36: {  	p1 =	seq.s32 s10, $0x1;
	s10 =	sld [smem:$0x3FB3];
	_ =	sdelay $0x3  }
0x37: {  	[smem:$0x3FB3] =	sst s10  }
0x38: {  	s10 =	sld [smem:$0x3FB4]  }
0x39: {  	_ = 	snop;
	(pc) =	sbr.ind lr, $3  }
0x3a: {  	_ = 	snop  }
0x3b: {  	_ = 	snop  }
0x3c: {  	p2 =	seq.s32 s10, $0x1;
	s10 =	sld [smem:$0x3FB3]  }
0x3d: {  	_ =	shalt  }
0x3e: {  	_ =	shalt  }
0x3f: {  	_ =	shalt  }
0x40: {  	_ =	shalt  }
0x41: {  	_ =	shalt  }
0x42: {  	_ =	shalt  }
0x43: {  	_ =	shalt  }
0x44: {  	_ =	shalt  }
0x45: {  	_ =	shalt  }
0x46: {  	_ =	shalt  }
0x47: {  	_ =	shalt  }
0x48: {  	_ =	shalt  }
0x49: {  	_ =	shalt  }
0x4a: {  	_ =	shalt  }
0x4b: {  	_ =	shalt  }
0x4c: {  	_ =	shalt  }
0x4d: {  	_ =	shalt  }
0x4e: {  	_ =	shalt  }
0x4f: {  	_ =	shalt  }
0x50: {  	_ =	shalt  }
0x51: {  	_ =	shalt  }
0x52: {  	_ =	shalt  }
0x53: {  	_ =	shalt  }
0x54: {  	_ =	shalt  }
0x55: {  	_ =	shalt  }
0x56: {  	_ =	shalt  }
0x57: {  	_ =	shalt  }
0x58: {  	_ =	shalt  }
0x59: {  	_ =	shalt  }
0x5a: {  	_ =	shalt  }
0x5b: {  	_ =	shalt  }
0x5c: {  	_ =	shalt  }
0x5d: {  	_ =	shalt  }
0x5e: {  	_ =	shalt  }
0x5f: {  	_ =	shalt  }
0x60: {  	_ =	shalt  }
0x61: {  	_ =	shalt  }
0x62: {  	_ =	shalt  }
0x63: {  	_ =	shalt  }
0x64: {  	_ =	shalt  }
0x65: {  	_ =	shalt  }
0x66: {  	_ =	shalt  }
0x67: {  	_ =	shalt  }
0x68: {  	_ =	shalt  }
0x69: {  	_ =	shalt  }
0x6a: {  	_ =	shalt  }
0x6b: {  	_ =	shalt  }
0x6c: {  	_ =	shalt  }
0x6d: {  	_ =	shalt  }
0x6e: {  	_ =	shalt  }
0x6f: {  	_ =	shalt  }
0x70: {  	_ =	shalt  }
0x71: {  	_ =	shalt  }
0x72: {  	_ =	shalt  }
0x73: {  	_ =	shalt  }
0x74: {  	_ =	shalt  }
0x75: {  	_ =	shalt  }
0x76: {  	_ =	shalt  }
0x77: {  	_ =	shalt  }
0x78: {  	_ =	shalt  }
0x79: {  	_ =	shalt  }
0x7a: {  	_ =	shalt  }
0x7b: {  	_ =	shalt  }
0x7c: {  	_ =	shalt  }
0x7d: {  	_ =	shalt  }
0x7e: {  	_ =	shalt  }
0x7f: {  	_ =	shalt  }
0x80: {  	_ =	shalt  }
0x81: {  	_ =	shalt  }
0x82: {  	_ =	shalt  }
0x83: {  	_ =	shalt  }
0x84: {  	_ =	shalt  }
0x85: {  	_ =	shalt  }
0x86: {  	_ =	shalt  }
0x87: {  	_ =	shalt  }
.Lfunc_end0:
.L_simem_size_0:
called_computation_lowered:
.L_overlay_start_0:
0x88: {  	s2 =	sld [smem:$0x3FD9]  }
0x89: {  	s3 =	sld [smem:$0x3FFE];
	_ =	sdelay $0x1  }
0x8a: {  	s1 =	srdreg.scid  }
0x8b: {  	s0 =	sand.u32 $0x1, s1  }
0x8c: {  	s16 =	sshll.u32 s0, $0xA;
	s2 =	sadd.s32 s3, s2  }
0x8d: {  	s2 =	sadd.s32 s2, s16  }
0x8e: {  	[smem:$0x3FBF] =	sst s2  }
0x8f: {  	_ = 	snop  }
0x90: {  	(tm) =	ssettm $0x1  }
0x91: {  	s17 =	sld [smem:$0x3FFB];
	_ =	sdelay $0x3  }
0x92: {  	_ =	strace s17  }
0x93: {  	s2 =	sld [smem:$0x3FFC];
	_ =	sdelay $0x3  }
0x94: {  	_ =	strace s2  }
0x95: {  	s2 =	sld [smem:$0x3FFD];
	_ =	sdelay $0x3  }
0x96: {  	_ =	strace s2  }
0x97: {  	_ =	strace $0x8FFFFFFF  }
0x98: {  	s18 =	sld [smem:$0x3FDB];
	_ =	sdelay $0x1  }
0x99: {  	s19 =	simm.s32 $_scs_section_size  }
0x9a: {  	s4 =	simm.s32 $_size__tile_overlayer_lowered;
	s5 =	simm.s32 $_tile_overlayer_lowered  }
0x9b: {  	s22 =	simm.s32 $0x1BFF;
	s21 =	sshll.u32 s5, $0x1;
	s2 =	sadd.s32 s19, s18  }
0x9c: {  	s6 =	simm.s32 $0x0;
	s20 =	sshll.u32 s4, $0x1;
	s4 =	sadd.s32 s21, s2  }
0x9d: {  	[timem:s6], [sflag:s22] =	dma.local [hbm:s4], s20  }
0x9e: {  	_ =	swait.ge [sflag:s22], s20  }
0x9f: {  	s3 =	ssub.s32 $0x0, s20;
	[sflag:s22] =	ssyncset.done $0x0  }
0xa0: {  	[sflag:s22] =	ssyncadd.s32 s3;
	_ =	sdelay $0x1  }
0xa1: {  	s23 =	simm.s32 $0x1B8B  }
0xa2: {  	_ =	swait.ge [sflag:s23], $0x1  }
0xa3: {  	[sflag:s23] =	ssyncset.done $0x0  }
0xa4: {  	s25 =	simm.s32 $0x1B8E;
	s24 =	sld [smem:$0x3FFE];
	[sflag:s23] =	ssyncadd.s32 $0xFFFFFFFF  }
0xa5: {  	s26 =	simm.s32 $execute0_lowered;
	[smem:$0x3FD2] =	sst s25  }
0xa6: {  	s4 =	sshll.u32 s26, $0x1;
	_ =	strace $0x80000046;
	[dreg:$0x1] =	wrdreg $0xFFFFFFFF  }
0xa7: {  	s28 =	simm.s32 $_size_execute0_lowered;
	s2 =	sadd.s32 s2, s4;
	[dreg:$0x0] =	wrdreg $0x0  }
0xa8: {  	s4 =	sshll.u32 s28, $0x1;
	[dreg:$0x2] =	wrdreg s2  }
0xa9: {  	[dreg:$0x3] =	wrdreg s4  }
0xaa: {  	[dreg:$0x4] =	wrdreg $0xC0  }
0xab: {  	_ =	task [dreg:s6], $0x5FFFF  }
0xac: {  	[dreg:$0x1] =	wrdreg $0xFFFFFFFF  }
0xad: {  	[dreg:$0x0] =	wrdreg $0x60  }
0xae: {  	[dreg:$0x2] =	wrdreg s24  }
0xaf: {  	[dreg:$0x3] =	wrdreg $0x68000  }
0xb0: {  	[dreg:$0x4] =	wrdreg $0x9  }
0xb1: {  	_ =	task.clear_ibuf [dreg:s6], $0x5FFFF;
	_ =	strace $0x90000046  }
0xb2: {  	s29 =	simm.s32 $0x9;
	_ =	strace $0x80000048  }
0xb3: {  	_ =	swait.ge [sflag:s29], $0x1  }
0xb4: {  	[sflag:s29] =	ssyncadd.s32 $0xFFFFFFFF  }
0xb5: {  	_ =	strace $0x90000048  }
0xb6: {  	_ =	sfence  }
0xb7: {  	s30 =	sld [smem:$0x0];
	_ =	sdelay $0x2  }
0xb8: {  	s31 =	sshll.u32 s1, $0xD;
	s1 =	sshrl.u32 s1, $0x2  }
0xb9: {  	s3 =	sand.u32 $0x4000, s31;
	s1 =	sadd.s32 s1, s30  }
0xba: {  	s0 =	sor.u32 s3, s0;
	s1 =	sshll.u32 s1, $0x11  }
0xbb: {  	s0 =	sor.u32 s1, s0  }
0xbc: {  	s0 =	sadd.s32 $0x8F2B, s0  }
0xbd: {  	[sflag:s0] =	ssyncadd.remote.s32 $0x1  }
0xbe: {  	_ =	sfence.sel $0xFFFF  }
0xbf: {  	[dreg:$0x0] =	wrdreg $0xFFFFFFFF;
	(pc) =	sbr.abs _section_cstart, $3  }
0xc0: {  	[dreg:$0x1] =	wrdreg $0xFFFFFFFF  }
0xc1: {  	_ =	task.clear_ibuf [dreg:s6], $0x2FFFF;
	_ =	strace $0x9FFFFFFF  }
0xc2: {  	(tm) =	ssettm $0x7FFFFFFF  }
0xc3: {  	_ =	shalt  }
tec
execute0_lowered:
.L_overlay_start_1:
0x0: {  	(tag) =	ssettag $0x1  }
0x1: {  	s0 =	srdreg.scid;
	s5 =	rddreg [dreg:$0x0]  }
0x2: {  	s2 =	rddreg [dreg:$0x1];
	s4 =	sand.u32 $0x1, s0;
	s0 =	stileid.u32  }
0x3: {  	s3 =	simm.s32 $0x0;
	s13 =	simm.s32 $0x80;
	s7 =	smul.u32 $0x13C00, s0  }
0x4: {  	s14 =	simm.s32 $0x0;
	[smem:$0x7FF] =	sst s3;
	s9 =	smul.u32 $0x13C000, s4  }
0x5: {  	s1 =	sshll.u32 s4, $0x4;
	s30 =	ssub.s32 $0x2, s4;
	s10 =	smul.u32 $0x4F000, s0  }
0x6: {  	s4 =	sadd.s32 $0xCE00, s5;
	s31 =	sshll.u32 s0, $0x6;
	s6 =	sor.u32 s0, s1  }
0x7: {  	s1 =	rddreg [dreg:$0x2];
	_ =	strace $0x80000047;
	s11 =	sshrl.u32 s30, $0x1  }
0x8: {  	s6 =	smul.u32 $0x500, s6;
	s8 =	sshrl.u32 s7, $0x3;
	s7 =	sadd.s32 s7, s9  }
0x9: {  	s9 =	ssub.s32 s30, s11;
	s10 =	sshrl.u32 s10, $0x2;
	s11 =	sor.u32 $0x1C01, s31  }
0xa: {  	s8 =	sadd.s32 s8, s5;
	s7 =	sshrl.u32 s7, $0x3;
	s12 =	sadd.s32 s10, s2  }
0xb: {  	s10 =	simm.s32 $0x4000;
	s6 =	sadd.s32 s6, s5;
	s7 =	sadd.s32 s7, s5  }
0xc: {  	s12 =	sshrl.u32 s12, $0x3;
	s5 =	sadd.s32 $0x2E00, s6;
	s6 =	sadd.s32 $0xD600, s8  }
0xd: {  	s7 =	sadd.s32 $0x34E00, s7;
	s8 =	smax.u32 s9, $0x1;
	s9 =	simm.s32 $0x1  }
.LBB2_1:
0xe: {  	[tilespmem:s3], [sflag:$0x1] =	stream.linear.gather [hbm4b:s4+s3], $0x4000, $0x38;
	[tilespmem:$0x1A400] =	vst v63  }
0xf: {  	_ =	swait.ge [sflag:s9], $0x4000  }
0x10: {  	[sflag:s9] =	ssyncset.done $0x0  }
0x11: {  	[sflag:s9] =	ssyncadd.s32 $0xFFFFC000  }
0x12: {  	[tilespmem:s10], [sflag:$0x1] =	stream.linear.gather [hbm4b:s5+s3], $0x2800, $0x38;
	[tilespmem:$0x1A400] =	vst v63  }
0x13: {  	_ =	swait.ge [sflag:s9], $0x2800  }
0x14: {  	[sflag:s9] =	ssyncset.done $0x0  }
0x15: {  	[sflag:s9] =	ssyncadd.s32 $0xFFFFD800  }
0x16: {  	[spmem:s12], [sflag:s11] =	dma.local [hbm:s6], $0x2780  }
0x17: {  	_ =	swait.ge [sflag:s9], $0x2780  }
0x18: {  	[sflag:s9] =	ssyncset.done $0x0  }
0x19: {  	[sflag:s9] =	ssyncadd.s32 $0xFFFFD880  }
0x1a: {  	s15 =	simm.s32 $0x4000;
	[bflag:$0x0] =	sbarrier.arrive $0xFFFF  }
0x1b: {  	[spmem:s2] =	stream.indirect.scatter.add.f32 [tilespmem:s3], [sflag:$0x1], $0x80, s15, s13, $0xb8;
	[tilespmem:$0x1A400] =	vst v63  }
0x1c: {  	s15 =	simm.s32 $0x200;
	_ =	swait.ge [sflag:s9], $0x4000  }
.LBB2_2:
0x1d: {  	s16 =	sshra.s32 s15, $0x2;
	[sflag:s9] =	ssyncset.done $0x0;
	p0 =	sne.s32 s15, $0x9E00  }
.Ltmp0:
0x1e: {  	s16 =	sadd.s32 $0x4000, s16;
	[sflag:s9] =	ssyncadd.s32 $0xFFFFC000;
	(pc) =	sbr.rel @p0 .LBB2_2-.Ltmp0, $3  }
0x1f: {  	[spmem:s2] =	stream.indirect.scatter.add.f32 [tilespmem:s3], [sflag:$0x1], $0x80, s16, s13, $0xb8;
	[tilespmem:$0x1A400] =	vst v63  }
0x20: {  	s15 =	sadd.s32 $0x200, s15;
	_ =	sdelay $0x1  }
0x21: {  	_ =	swait.ge [sflag:s9], $0x4000  }
0x22: {  	[sflag:s9] =	ssyncset.done $0x0;
	s14 =	sadd.s32 $0x1, s14  }
0x23: {  	[sflag:s9] =	ssyncadd.s32 $0xFFFFC000;
	p0 =	sne.s32 s14, s8  }
.Ltmp1:
0x24: {  	[bflag:$0x0] =	sbarrier.arrive $0xFFFF;
	(pc) =	sbr.rel @p0 .LBB2_1-.Ltmp1, $4  }
0x25: {  	[hbm:s7], [sflag:s11] =	dma.local [spmem:s12], $0x2780  }
0x26: {  	_ =	swait.ge [sflag:s9], $0x2780  }
0x27: {  	[sflag:s9] =	ssyncset.done $0x0  }
0x28: {  	[sflag:s9] =	ssyncadd.s32 $0xFFFFD880  }
0x29: {  	_ =	sfence.sel $0x180000  }
0x2a: {  	[bflag:$0x0] =	sbarrier.arrive $0xFFFF  }
0x2b: {  	p0 =	sne.s32 s0, $0x0;
	_ =	strace $0x90000047  }
0x2c: {  	s0 =	sadd.s32 @!p0 $0x100000, s1;
	[bflag:$0x2] =	sbarrier.arrive $0xFFFF  }
0x2d: {  	[sflag:s0] =	ssyncadd.tile.s32 @!p0 $0x1;
	_ =	shalt  }
.Lfunc_end2:
_tile_overlayer_lowered:
.L_overlay_start_2:
0x2e: {  	(tag) =	ssettag $0x2  }
0x2f: {  	s0 =	rddreg [dreg:$0x0];
	s2 =	stileid.u32  }
0x30: {  	s1 =	rddreg [dreg:$0x1];
	p0 =	sne.s32 s2, $0x0  }
0x31: {  	s3 =	rddreg [dreg:$0x2];
	[bflag:$0x3] =	sbarrier.arrive $0xFFFF;
	s2 =	simm.s32 @!p0 $0x1C01  }
0x32: {  	[timem:s3], [sflag:s2] =	dma.local @!p0 [hbm:s0], s1  }
0x33: {  	s0 =	simm.s32 @!p0 $0x1  }
0x34: {  	_ =	swait.ge @!p0 [sflag:s0], s1  }
0x35: {  	s1 =	ssub.s32 @!p0 $0x0, s1;
	[sflag:s0] =	ssyncset.done @!p0 $0x0  }
0x36: {  	[sflag:s0] =	ssyncadd.s32 @!p0 s1  }
0x37: {  	[bflag:$0x3] =	sbarrier.arrive $0xFFFF  }
0x38: {  	_ =	shalt  }

// kernel: kernel.13.cloned.1.call-start
scs
__scs_entry_jumppad:
0x0: {  	(pc) =	sbr.rel $0x88, $3  }
0x1: {  	(tag) =	ssettag $0x0;
	lr =	simm.s32 $0x1  }
0x2: {  	[smem:$0x3F98] =	sst lr;
	_ =	strace $0xD0000000  }
0x3: {  	_ = 	snop  }
0x4: {  	_ = 	snop  }
0x5: {  	_ = 	snop  }
0x6: {  	_ = 	snop  }
0x7: {  	_ = 	snop  }
__scs_overlays_trampoline_lowered:
0x8: {  	[smem:$0x3FA7] =	sst s0  }
0x9: {  	[smem:$0x3FA8] =	sst s1  }
0xa: {  	[smem:$0x3FA9] =	sst s2  }
0xb: {  	[smem:$0x3FAA] =	sst s3  }
0xc: {  	[smem:$0x3FAB] =	sst s4  }
0xd: {  	[smem:$0x3FAC] =	sst s5  }
0xe: {  	[smem:$0x3FAD] =	sst s6  }
0xf: {  	[smem:$0x3FAE] =	sst s7  }
0x10: {  	[smem:$0x3FAF] =	sst s8  }
0x11: {  	[smem:$0x3FB0] =	sst s9;
	s0 =	simm.s32 @!p0 $0x0  }
0x12: {  	s1 =	sld [smem:$0x3F96];
	s0 =	simm.s32 @p0 $0x1  }
0x13: {  	[smem:$0x3FB1] =	sst s0;
	s0 =	simm.s32 @!p1 $0x0  }
0x14: {  	s2 =	sld [smem:$0x3F95];
	s0 =	simm.s32 @p1 $0x1  }
0x15: {  	[smem:$0x3FB2] =	sst s0;
	s0 =	simm.s32 @!p2 $0x0  }
0x16: {  	s3 =	sld [smem:$0x3FDB];
	s0 =	simm.s32 @p2 $0x1  }
0x17: {  	s4 =	simm.s32 $0x1BF5;
	[smem:$0x3FB4] =	sst s0  }
0x18: {  	s0 =	sld [smem:$0x3F97];
	_ =	swait.ge [sflag:s4], $0x0  }
0x19: {  	s7 =	sld [smem:$0x3F98]  }
0x1a: {  	s8 =	sadd.s32 $0xFFFFE003, lr  }
0x1b: {  	s9 =	sadd.s32 $0xFFFFFEF7, lr;
	s5 =	simm.s32 $0xFFFFFFFF;
	p2 =	slt.u32 s8, $0xFFFFF086  }
0x1c: {  	p1 =	slt.u32 s9, $0xF7A;
	s5 =	simm.s32 @!p2 $0x0  }
0x1d: {  	s5 =	simm.s32 @p1 $0x1;
	p0 =	seq.s32 s7, s2  }
0x1e: {  	s7 =	smul.u32 @!p0 $0xF7A, s2;
	p2 =	seq.s32 @!p0 s5, $0x0  }
0x1f: {  	s9 =	smul.u32 $0xF7A, s1;
	s8 =	simm.s32 @!p0 $0x1BF5;
	p2 =	por !p2, p0  }
0x20: {  	[sflag:s8] =	ssyncset.s32 @!p0 $0xFFFFF086;
	s6 =	sadd.s32 @!p0 s3, s7;
	s7 =	simm.s32 @!p0 $0x108  }
0x21: {  	s3 =	sadd.s32 s3, s9;
	s6 =	sadd.s32 @!p0 $0x88, s6;
	s7 =	simm.s32 @p2 $0x1082  }
0x22: {  	[simem:s7], [sflag:s8] =	dma.local @!p0 [hbm:s6], $0xF7A  }
0x23: {  	s9 =	sor.u32 $0xD0000000, s2;
	s6 =	simm.s32 $0x108;
	_ =	swait.ge @!p0 [sflag:s8], $0x0  }
0x24: {  	s3 =	sadd.s32 $0x88, s3;
	s6 =	simm.s32 @!p1 $0x1082;
	[sflag:s4] =	ssyncset.s32 $0xFFFFF086  }
0x25: {  	[simem:s6], [sflag:s4] =	dma.local [hbm:s3], $0xF7A  }
0x26: {  	[smem:$0x3F98] =	sst s1;
	(tag) =	ssettag s2;
	_ =	strace s9  }
0x27: {  	s1 =	sld [smem:$0x3FA8]  }
0x28: {  	s2 =	sld [smem:$0x3FA9]  }
0x29: {  	s4 =	sld [smem:$0x3FAB]  }
0x2a: {  	p0 =	seq.s32 s5, $0x0;
	s5 =	sld [smem:$0x3FAC]  }
0x2b: {  	s6 =	sld [smem:$0x3FAD]  }
0x2c: {  	s7 =	sld [smem:$0x3FAE]  }
0x2d: {  	s3 =	simm.s32 $0x108;
	s8 =	sld [smem:$0x3FAF]  }
0x2e: {  	s3 =	simm.s32 @!p0 $0x1082;
	s9 =	sld [smem:$0x3FB0]  }
0x2f: {  	lr =	sadd.s32 s0, s3;
	s0 =	sld [smem:$0x3FA7]  }
0x30: {  	s3 =	sld [smem:$0x3FAA]  }
0x31: {  	[smem:$0x3FB3] =	sst s10  }
0x32: {  	s10 =	sld [smem:$0x3FB1];
	_ =	sdelay $0x3  }
0x33: {  	p0 =	seq.s32 s10, $0x1;
	s10 =	sld [smem:$0x3FB3];
	_ =	sdelay $0x3  }
0x34: {  	[smem:$0x3FB3] =	sst s10  }
0x35: {  	s10 =	sld [smem:$0x3FB2];
	_ =	sdelay $0x3  }
0x36: {  	p1 =	seq.s32 s10, $0x1;
	s10 =	sld [smem:$0x3FB3];
	_ =	sdelay $0x3  }
0x37: {  	[smem:$0x3FB3] =	sst s10  }
0x38: {  	s10 =	sld [smem:$0x3FB4]  }
0x39: {  	_ = 	snop;
	(pc) =	sbr.ind lr, $3  }
0x3a: {  	_ = 	snop  }
0x3b: {  	_ = 	snop  }
0x3c: {  	p2 =	seq.s32 s10, $0x1;
	s10 =	sld [smem:$0x3FB3]  }
0x3d: {  	_ =	shalt  }
0x3e: {  	_ =	shalt  }
0x3f: {  	_ =	shalt  }
0x40: {  	_ =	shalt  }
0x41: {  	_ =	shalt  }
0x42: {  	_ =	shalt  }
0x43: {  	_ =	shalt  }
0x44: {  	_ =	shalt  }
0x45: {  	_ =	shalt  }
0x46: {  	_ =	shalt  }
0x47: {  	_ =	shalt  }
0x48: {  	_ =	shalt  }
0x49: {  	_ =	shalt  }
0x4a: {  	_ =	shalt  }
0x4b: {  	_ =	shalt  }
0x4c: {  	_ =	shalt  }
0x4d: {  	_ =	shalt  }
0x4e: {  	_ =	shalt  }
0x4f: {  	_ =	shalt  }
0x50: {  	_ =	shalt  }
0x51: {  	_ =	shalt  }
0x52: {  	_ =	shalt  }
0x53: {  	_ =	shalt  }
0x54: {  	_ =	shalt  }
0x55: {  	_ =	shalt  }
0x56: {  	_ =	shalt  }
0x57: {  	_ =	shalt  }
0x58: {  	_ =	shalt  }
0x59: {  	_ =	shalt  }
0x5a: {  	_ =	shalt  }
0x5b: {  	_ =	shalt  }
0x5c: {  	_ =	shalt  }
0x5d: {  	_ =	shalt  }
0x5e: {  	_ =	shalt  }
0x5f: {  	_ =	shalt  }
0x60: {  	_ =	shalt  }
0x61: {  	_ =	shalt  }
0x62: {  	_ =	shalt  }
0x63: {  	_ =	shalt  }
0x64: {  	_ =	shalt  }
0x65: {  	_ =	shalt  }
0x66: {  	_ =	shalt  }
0x67: {  	_ =	shalt  }
0x68: {  	_ =	shalt  }
0x69: {  	_ =	shalt  }
0x6a: {  	_ =	shalt  }
0x6b: {  	_ =	shalt  }
0x6c: {  	_ =	shalt  }
0x6d: {  	_ =	shalt  }
0x6e: {  	_ =	shalt  }
0x6f: {  	_ =	shalt  }
0x70: {  	_ =	shalt  }
0x71: {  	_ =	shalt  }
0x72: {  	_ =	shalt  }
0x73: {  	_ =	shalt  }
0x74: {  	_ =	shalt  }
0x75: {  	_ =	shalt  }
0x76: {  	_ =	shalt  }
0x77: {  	_ =	shalt  }
0x78: {  	_ =	shalt  }
0x79: {  	_ =	shalt  }
0x7a: {  	_ =	shalt  }
0x7b: {  	_ =	shalt  }
0x7c: {  	_ =	shalt  }
0x7d: {  	_ =	shalt  }
0x7e: {  	_ =	shalt  }
0x7f: {  	_ =	shalt  }
0x80: {  	_ =	shalt  }
0x81: {  	_ =	shalt  }
0x82: {  	_ =	shalt  }
0x83: {  	_ =	shalt  }
0x84: {  	_ =	shalt  }
0x85: {  	_ =	shalt  }
0x86: {  	_ =	shalt  }
0x87: {  	_ =	shalt  }
.Lfunc_end0:
.L_simem_size_0:
called_computation.1_lowered:
.L_overlay_start_0:
0x88: {  	s2 =	sld [smem:$0x3FD9]  }
0x89: {  	s3 =	sld [smem:$0x3FFE];
	_ =	sdelay $0x1  }
0x8a: {  	s1 =	srdreg.scid  }
0x8b: {  	s0 =	sand.u32 $0x1, s1  }
0x8c: {  	s16 =	sshll.u32 s0, $0xA;
	s2 =	sadd.s32 s3, s2  }
0x8d: {  	s2 =	sadd.s32 s2, s16  }
0x8e: {  	[smem:$0x3FBF] =	sst s2  }
0x8f: {  	_ = 	snop  }
0x90: {  	(tm) =	ssettm $0x1  }
0x91: {  	s17 =	sld [smem:$0x3FFB];
	_ =	sdelay $0x3  }
0x92: {  	_ =	strace s17  }
0x93: {  	s2 =	sld [smem:$0x3FFC];
	_ =	sdelay $0x3  }
0x94: {  	_ =	strace s2  }
0x95: {  	s2 =	sld [smem:$0x3FFD];
	_ =	sdelay $0x3  }
0x96: {  	_ =	strace s2  }
0x97: {  	_ =	strace $0x8FFFFFFF  }
0x98: {  	s18 =	sld [smem:$0x3FDB];
	_ =	sdelay $0x1  }
0x99: {  	s19 =	simm.s32 $_scs_section_size  }
0x9a: {  	s4 =	simm.s32 $_size__tile_overlayer_lowered;
	s5 =	simm.s32 $_tile_overlayer_lowered  }
0x9b: {  	s22 =	simm.s32 $0x1BFF;
	s21 =	sshll.u32 s5, $0x1;
	s2 =	sadd.s32 s19, s18  }
0x9c: {  	s6 =	simm.s32 $0x0;
	s20 =	sshll.u32 s4, $0x1;
	s4 =	sadd.s32 s21, s2  }
0x9d: {  	[timem:s6], [sflag:s22] =	dma.local [hbm:s4], s20  }
0x9e: {  	_ =	swait.ge [sflag:s22], s20  }
0x9f: {  	s3 =	ssub.s32 $0x0, s20;
	[sflag:s22] =	ssyncset.done $0x0  }
0xa0: {  	[sflag:s22] =	ssyncadd.s32 s3;
	_ =	sdelay $0x1  }
0xa1: {  	s23 =	simm.s32 $0x1B8B  }
0xa2: {  	_ =	swait.ge [sflag:s23], $0x1  }
0xa3: {  	[sflag:s23] =	ssyncset.done $0x0  }
0xa4: {  	s25 =	simm.s32 $0x1B8E;
	s24 =	sld [smem:$0x3FFE];
	[sflag:s23] =	ssyncadd.s32 $0xFFFFFFFF  }
0xa5: {  	s26 =	simm.s32 $execute0_lowered;
	[smem:$0x3FD2] =	sst s25  }
0xa6: {  	s4 =	sshll.u32 s26, $0x1;
	_ =	strace $0x80000049;
	[dreg:$0x1] =	wrdreg $0xFFFFFFFF  }
0xa7: {  	s28 =	simm.s32 $_size_execute0_lowered;
	s2 =	sadd.s32 s2, s4;
	[dreg:$0x0] =	wrdreg $0x0  }
0xa8: {  	s4 =	sshll.u32 s28, $0x1;
	[dreg:$0x2] =	wrdreg s2  }
0xa9: {  	[dreg:$0x3] =	wrdreg s4  }
0xaa: {  	[dreg:$0x4] =	wrdreg $0xC0  }
0xab: {  	_ =	task [dreg:s6], $0x5FFFF  }
0xac: {  	[dreg:$0x1] =	wrdreg $0xFFFFFFFF  }
0xad: {  	[dreg:$0x0] =	wrdreg $0x60  }
0xae: {  	[dreg:$0x2] =	wrdreg s24  }
0xaf: {  	[dreg:$0x3] =	wrdreg $0x84000  }
0xb0: {  	[dreg:$0x4] =	wrdreg $0x9  }
0xb1: {  	_ =	task.clear_ibuf [dreg:s6], $0x5FFFF;
	_ =	strace $0x90000049  }
0xb2: {  	s29 =	simm.s32 $0x9;
	_ =	strace $0x8000004B  }
0xb3: {  	_ =	swait.ge [sflag:s29], $0x1  }
0xb4: {  	[sflag:s29] =	ssyncadd.s32 $0xFFFFFFFF  }
0xb5: {  	_ =	strace $0x9000004B  }
0xb6: {  	_ =	sfence  }
0xb7: {  	s30 =	sld [smem:$0x0];
	_ =	sdelay $0x2  }
0xb8: {  	s31 =	sshll.u32 s1, $0xD;
	s1 =	sshrl.u32 s1, $0x2  }
0xb9: {  	s3 =	sand.u32 $0x4000, s31;
	s1 =	sadd.s32 s1, s30  }
0xba: {  	s0 =	sor.u32 s3, s0;
	s1 =	sshll.u32 s1, $0x11  }
0xbb: {  	s0 =	sor.u32 s1, s0  }
0xbc: {  	s0 =	sadd.s32 $0x8F2B, s0  }
0xbd: {  	[sflag:s0] =	ssyncadd.remote.s32 $0x1  }
0xbe: {  	_ =	sfence.sel $0xFFFF  }
0xbf: {  	[dreg:$0x0] =	wrdreg $0xFFFFFFFF;
	(pc) =	sbr.abs _section_cstart, $3  }
0xc0: {  	[dreg:$0x1] =	wrdreg $0xFFFFFFFF  }
0xc1: {  	_ =	task.clear_ibuf [dreg:s6], $0x2FFFF;
	_ =	strace $0x9FFFFFFF  }
0xc2: {  	(tm) =	ssettm $0x7FFFFFFF  }
0xc3: {  	_ =	shalt  }
tec
execute0_lowered:
.L_overlay_start_1:
0x0: {  	(tag) =	ssettag $0x1  }
0x1: {  	s5 =	rddreg [dreg:$0x0];
	s1 =	srdreg.scid  }
0x2: {  	s0 =	stileid.u32;
	s2 =	rddreg [dreg:$0x1]  }
0x3: {  	s15 =	simm.s32 $0x100;
	s16 =	simm.s32 $0x200;
	s17 =	simm.s32 $0x400  }
0x4: {  	s18 =	simm.s32 $0x4400;
	s19 =	simm.s32 $0x1;
	s20 =	simm.s32 $0x2  }
0x5: {  	s21 =	simm.s32 $0x280;
	s22 =	simm.s32 $0x180;
	s23 =	simm.s32 $0x300  }
0x6: {  	s24 =	simm.s32 $0x380;
	s6 =	sand.u32 $0x1, s1;
	s3 =	smul.u32 $0x98, s0  }
0x7: {  	s25 =	sshll.u32 s0, $0x3;
	s1 =	rddreg [dreg:$0x2];
	s26 =	smul.u32 $0x13C00, s0  }
0x8: {  	s29 =	smul.u32 $0x4F000, s0;
	s31 =	sshll.u32 s0, $0x6;
	p0 =	seq.s32 s6, $0x0  }
0x9: {  	s4 =	sor.u32 $0x980, s25;
	s7 =	sshll.u32 s6, $0x7;
	s28 =	smul.u32 $0x13C000, s6  }
0xa: {  	s6 =	ssub.s32 $0x2, s6;
	s25 =	simm.s32 $0x0;
	s4 =	smov.u32 @p0 s3  }
0xb: {  	s3 =	simm.s32 $0x0;
	s9 =	sshrl.u32 s26, $0x3;
	s12 =	sshrl.u32 s6, $0x1  }
0xc: {  	s30 =	sshrl.u32 s29, $0x2;
	s8 =	sshll.u32 s4, $0x8;
	[smem:$0x7FF] =	sst s3  }
0xd: {  	s4 =	sshll.u32 s4, $0x4;
	s9 =	sadd.s32 s9, s5;
	s12 =	ssub.s32 s6, s12  }
0xe: {  	s14 =	sadd.s32 s30, s2;
	s7 =	sor.u32 s7, s8;
	_ =	strace $0x8000004A  }
0xf: {  	s11 =	sadd.s32 s4, s5;
	s4 =	sadd.s32 $0x34E00, s5;
	s6 =	sadd.s32 $0xD600, s9  }
0x10: {  	s9 =	smax.u32 s12, $0x1;
	s12 =	sshrl.u32 s14, $0x3;
	s7 =	sshrl.u32 s7, $0x3  }
0x11: {  	s14 =	simm.s32 $0x80;
	s10 =	sadd.s32 s7, s5;
	s7 =	sadd.s32 s26, s28  }
0x12: {  	s11 =	sadd.s32 $0x2E00, s11;
	s7 =	sshrl.u32 s7, $0x3;
	s10 =	sadd.s32 $0x97E00, s10  }
0x13: {  	s13 =	sadd.s32 s7, s5;
	s5 =	simm.s32 $0x26;
	s7 =	sor.u32 $0x1C03, s31  }
0x14: {  	s5 =	simm.s32 @!p0 $0x2;
	s8 =	sadd.s32 $0xABE00, s13;
	s13 =	simm.s32 $0x3  }
.LBB2_1:
0x15: {  	[spmem:s12], [sflag:s7] =	dma.local [hbm:s6], $0x2780  }
0x16: {  	_ =	swait.ge [sflag:s13], $0x2780  }
0x17: {  	[sflag:s13] =	ssyncset.done $0x0  }
0x18: {  	[sflag:s13] =	ssyncadd.s32 $0xFFFFD880  }
0x19: {  	[bflag:$0x0] =	sbarrier.arrive $0xFFFF  }
0x1a: {  	[tilespmem:s3], [sflag:$0x3] =	stream.strided.gather [hbm4b:s10+s14], $0x200, s15, s14, $0x38;
	[tilespmem:$0x1C000] =	vst v63  }
0x1b: {  	_ =	swait.ge [sflag:s13], $0x200  }
0x1c: {  	[sflag:s13] =	ssyncset.done $0x0  }
0x1d: {  	[sflag:s13] =	ssyncadd.s32 $0xFFFFFE00  }
0x1e: {  	[tilespmem:s16], [sflag:$0x3] =	stream.linear.gather [hbm4b:s11+s3], $0x200, $0x38;
	[tilespmem:$0x1C000] =	vst v63  }
0x1f: {  	_ =	swait.ge [sflag:s13], $0x200  }
0x20: {  	[sflag:s13] =	ssyncset.done $0x0  }
0x21: {  	[sflag:s13] =	ssyncadd.s32 $0xFFFFFE00  }
0x22: {  	[tilespmem:s17], [sflag:$0x1] =	stream.indirect.gather [hbm4b:s4+s14], $0x80, s3, s14, $0xb8;
	[tilespmem:$0x1C000] =	vst v63  }
0x23: {  	_ = 	snop  }
0x24: {  	[tilespmem:s18], [sflag:$0x2] =	stream.indirect.gather [hbm4b:s4+s14], $0x80, s14, s14, $0xb8;
	[tilespmem:$0x1C000] =	vst v63  }
0x25: {  	_ =	swait.ge [sflag:s19], $0x4000  }
0x26: {  	[sflag:s19] =	ssyncset.done $0x0  }
0x27: {  	[sflag:s19] =	ssyncadd.s32 $0xFFFFC000  }
0x28: {  	[spmem:s2] =	stream.indirect.scatter.add.f32 [tilespmem:s17], [sflag:$0x3], $0x80, s16, s14, $0xb8;
	[tilespmem:$0x1C000] =	vst v63  }
0x29: {  	_ =	swait.ge [sflag:s13], $0x4000  }
0x2a: {  	[sflag:s13] =	ssyncset.done $0x0  }
0x2b: {  	[sflag:s13] =	ssyncadd.s32 $0xFFFFC000  }
0x2c: {  	[tilespmem:s17], [sflag:$0x1] =	stream.indirect.gather [hbm4b:s4+s14], $0x80, s15, s14, $0xb8;
	[tilespmem:$0x1C000] =	vst v63  }
0x2d: {  	_ =	swait.ge [sflag:s20], $0x4000  }
0x2e: {  	[sflag:s20] =	ssyncset.done $0x0  }
0x2f: {  	[sflag:s20] =	ssyncadd.s32 $0xFFFFC000  }
0x30: {  	[spmem:s2] =	stream.indirect.scatter.add.f32 [tilespmem:s18], [sflag:$0x3], $0x80, s21, s14, $0xb8;
	[tilespmem:$0x1C000] =	vst v63  }
0x31: {  	_ =	swait.ge [sflag:s13], $0x4000  }
0x32: {  	[sflag:s13] =	ssyncset.done $0x0  }
0x33: {  	[sflag:s13] =	ssyncadd.s32 $0xFFFFC000  }
0x34: {  	[tilespmem:s18], [sflag:$0x2] =	stream.indirect.gather [hbm4b:s4+s14], $0x80, s22, s14, $0xb8;
	[tilespmem:$0x1C000] =	vst v63  }
0x35: {  	_ =	swait.ge [sflag:s19], $0x4000  }
0x36: {  	[sflag:s19] =	ssyncset.done $0x0  }
0x37: {  	[sflag:s19] =	ssyncadd.s32 $0xFFFFC000  }
0x38: {  	[spmem:s2] =	stream.indirect.scatter.add.f32 [tilespmem:s17], [sflag:$0x3], $0x80, s23, s14, $0xb8;
	[tilespmem:$0x1C000] =	vst v63  }
0x39: {  	_ =	swait.ge [sflag:s13], $0x4000  }
0x3a: {  	[sflag:s13] =	ssyncset.done $0x0  }
0x3b: {  	[sflag:s13] =	ssyncadd.s32 $0xFFFFC000  }
0x3c: {  	p0 =	sne.s32 s5, $0x1;
	_ =	swait.ge [sflag:s20], $0x4000  }
.Ltmp0:
0x3d: {  	[sflag:s20] =	ssyncset.done $0x0;
	(pc) =	sbr.rel @!p0 .LBB2_3-.Ltmp0, $4  }
0x3e: {  	[sflag:s20] =	ssyncadd.s32 $0xFFFFC000  }
0x3f: {  	[spmem:s2] =	stream.indirect.scatter.add.f32 [tilespmem:s18], [sflag:$0x3], $0x80, s24, s14, $0xb8;
	[tilespmem:$0x1C000] =	vst v63  }
0x40: {  	s26 =	sadd.s32 $0xFFFFFFFF, s5;
	_ =	swait.ge [sflag:s13], $0x4000  }
0x41: {  	s28 =	smov.u32 s10;
	s29 =	smov.u32 s11;
	[sflag:s13] =	ssyncset.done $0x0  }
.LBB2_2:
0x42: {  	[sflag:s13] =	ssyncadd.s32 $0xFFFFC000;
	s28 =	sadd.s32 $0x80, s28;
	s29 =	sadd.s32 $0x40, s29  }
0x43: {  	[tilespmem:s3], [sflag:$0x3] =	stream.strided.gather [hbm4b:s28+s14], $0x200, s15, s14, $0x38;
	[tilespmem:$0x1C000] =	vst v63  }
0x44: {  	p0 =	sne.s32 s26, $0x1;
	s26 =	sadd.s32 $0xFFFFFFFF, s26;
	_ =	swait.ge [sflag:s13], $0x200  }
0x45: {  	[sflag:s13] =	ssyncset.done $0x0  }
0x46: {  	[sflag:s13] =	ssyncadd.s32 $0xFFFFFE00  }
0x47: {  	[tilespmem:s16], [sflag:$0x3] =	stream.linear.gather [hbm4b:s29+s3], $0x200, $0x38;
	[tilespmem:$0x1C000] =	vst v63  }
0x48: {  	_ =	swait.ge [sflag:s13], $0x200  }
0x49: {  	[sflag:s13] =	ssyncset.done $0x0  }
0x4a: {  	[sflag:s13] =	ssyncadd.s32 $0xFFFFFE00  }
0x4b: {  	[tilespmem:s17], [sflag:$0x1] =	stream.indirect.gather [hbm4b:s4+s14], $0x80, s3, s14, $0xb8;
	[tilespmem:$0x1C000] =	vst v63  }
0x4c: {  	_ = 	snop  }
0x4d: {  	[tilespmem:s18], [sflag:$0x2] =	stream.indirect.gather [hbm4b:s4+s14], $0x80, s14, s14, $0xb8;
	[tilespmem:$0x1C000] =	vst v63  }
0x4e: {  	_ =	swait.ge [sflag:s19], $0x4000  }
0x4f: {  	[sflag:s19] =	ssyncset.done $0x0  }
0x50: {  	[sflag:s19] =	ssyncadd.s32 $0xFFFFC000  }
0x51: {  	[spmem:s2] =	stream.indirect.scatter.add.f32 [tilespmem:s17], [sflag:$0x3], $0x80, s16, s14, $0xb8;
	[tilespmem:$0x1C000] =	vst v63  }
0x52: {  	_ =	swait.ge [sflag:s13], $0x4000  }
0x53: {  	[sflag:s13] =	ssyncset.done $0x0  }
0x54: {  	[sflag:s13] =	ssyncadd.s32 $0xFFFFC000  }
0x55: {  	[tilespmem:s17], [sflag:$0x1] =	stream.indirect.gather [hbm4b:s4+s14], $0x80, s15, s14, $0xb8;
	[tilespmem:$0x1C000] =	vst v63  }
0x56: {  	_ =	swait.ge [sflag:s20], $0x4000  }
0x57: {  	[sflag:s20] =	ssyncset.done $0x0  }
0x58: {  	[sflag:s20] =	ssyncadd.s32 $0xFFFFC000  }
0x59: {  	[spmem:s2] =	stream.indirect.scatter.add.f32 [tilespmem:s18], [sflag:$0x3], $0x80, s21, s14, $0xb8;
	[tilespmem:$0x1C000] =	vst v63  }
0x5a: {  	_ =	swait.ge [sflag:s13], $0x4000  }
0x5b: {  	[sflag:s13] =	ssyncset.done $0x0  }
0x5c: {  	[sflag:s13] =	ssyncadd.s32 $0xFFFFC000  }
0x5d: {  	[tilespmem:s18], [sflag:$0x2] =	stream.indirect.gather [hbm4b:s4+s14], $0x80, s22, s14, $0xb8;
	[tilespmem:$0x1C000] =	vst v63  }
0x5e: {  	_ =	swait.ge [sflag:s19], $0x4000  }
0x5f: {  	[sflag:s19] =	ssyncset.done $0x0  }
0x60: {  	[sflag:s19] =	ssyncadd.s32 $0xFFFFC000  }
0x61: {  	[spmem:s2] =	stream.indirect.scatter.add.f32 [tilespmem:s17], [sflag:$0x3], $0x80, s23, s14, $0xb8;
	[tilespmem:$0x1C000] =	vst v63  }
0x62: {  	_ =	swait.ge [sflag:s13], $0x4000  }
0x63: {  	[sflag:s13] =	ssyncset.done $0x0  }
0x64: {  	[sflag:s13] =	ssyncadd.s32 $0xFFFFC000  }
0x65: {  	_ =	swait.ge [sflag:s20], $0x4000  }
.Ltmp1:
0x66: {  	[sflag:s20] =	ssyncset.done $0x0;
	(pc) =	sbr.rel @p0 .LBB2_2-.Ltmp1, $4  }
0x67: {  	[sflag:s20] =	ssyncadd.s32 $0xFFFFC000  }
0x68: {  	[spmem:s2] =	stream.indirect.scatter.add.f32 [tilespmem:s18], [sflag:$0x3], $0x80, s24, s14, $0xb8;
	[tilespmem:$0x1C000] =	vst v63  }
0x69: {  	_ =	swait.ge [sflag:s13], $0x4000  }
0x6a: {  	[sflag:s13] =	ssyncset.done $0x0  }
.LBB2_3:
0x6b: {  	s25 =	sadd.s32 $0x1, s25  }
0x6c: {  	[sflag:s13] =	ssyncadd.s32 $0xFFFFC000;
	p0 =	sne.s32 s25, s9  }
.Ltmp2:
0x6d: {  	[bflag:$0x0] =	sbarrier.arrive $0xFFFF;
	(pc) =	sbr.rel @p0 .LBB2_1-.Ltmp2, $4  }
0x6e: {  	[hbm:s8], [sflag:s7] =	dma.local [spmem:s12], $0x2780  }
0x6f: {  	_ =	swait.ge [sflag:s13], $0x2780  }
0x70: {  	[sflag:s13] =	ssyncset.done $0x0  }
0x71: {  	[sflag:s13] =	ssyncadd.s32 $0xFFFFD880  }
0x72: {  	_ =	sfence.sel $0x180000  }
0x73: {  	[bflag:$0x0] =	sbarrier.arrive $0xFFFF  }
0x74: {  	p0 =	sne.s32 s0, $0x0;
	_ =	strace $0x9000004A  }
0x75: {  	s0 =	sadd.s32 @!p0 $0x100000, s1;
	[bflag:$0x2] =	sbarrier.arrive $0xFFFF  }
0x76: {  	[sflag:s0] =	ssyncadd.tile.s32 @!p0 $0x1;
	_ =	shalt  }
.Lfunc_end2:
_tile_overlayer_lowered:
.L_overlay_start_2:
0x77: {  	(tag) =	ssettag $0x2  }
0x78: {  	s0 =	rddreg [dreg:$0x0];
	s2 =	stileid.u32  }
0x79: {  	s1 =	rddreg [dreg:$0x1];
	p0 =	sne.s32 s2, $0x0  }
0x7a: {  	s3 =	rddreg [dreg:$0x2];
	[bflag:$0x3] =	sbarrier.arrive $0xFFFF;
	s2 =	simm.s32 @!p0 $0x1C03  }
0x7b: {  	[timem:s3], [sflag:s2] =	dma.local @!p0 [hbm:s0], s1  }
0x7c: {  	s0 =	simm.s32 @!p0 $0x3  }
0x7d: {  	_ =	swait.ge @!p0 [sflag:s0], s1  }
0x7e: {  	s1 =	ssub.s32 @!p0 $0x0, s1;
	[sflag:s0] =	ssyncset.done @!p0 $0x0  }
0x7f: {  	[sflag:s0] =	ssyncadd.s32 @!p0 s1  }
0x80: {  	[bflag:$0x3] =	sbarrier.arrive $0xFFFF  }
0x81: {  	_ =	shalt  }

// kernel: kernel.16.cloned.1.call-start
scs
__scs_entry_jumppad:
0x0: {  	(pc) =	sbr.rel $0x88, $3  }
0x1: {  	(tag) =	ssettag $0x0;
	lr =	simm.s32 $0x1  }
0x2: {  	[smem:$0x3F98] =	sst lr;
	_ =	strace $0xD0000000  }
0x3: {  	_ = 	snop  }
0x4: {  	_ = 	snop  }
0x5: {  	_ = 	snop  }
0x6: {  	_ = 	snop  }
0x7: {  	_ = 	snop  }
__scs_overlays_trampoline_lowered:
0x8: {  	[smem:$0x3FA7] =	sst s0  }
0x9: {  	[smem:$0x3FA8] =	sst s1  }
0xa: {  	[smem:$0x3FA9] =	sst s2  }
0xb: {  	[smem:$0x3FAA] =	sst s3  }
0xc: {  	[smem:$0x3FAB] =	sst s4  }
0xd: {  	[smem:$0x3FAC] =	sst s5  }
0xe: {  	[smem:$0x3FAD] =	sst s6  }
0xf: {  	[smem:$0x3FAE] =	sst s7  }
0x10: {  	[smem:$0x3FAF] =	sst s8  }
0x11: {  	[smem:$0x3FB0] =	sst s9;
	s0 =	simm.s32 @!p0 $0x0  }
0x12: {  	s1 =	sld [smem:$0x3F96];
	s0 =	simm.s32 @p0 $0x1  }
0x13: {  	[smem:$0x3FB1] =	sst s0;
	s0 =	simm.s32 @!p1 $0x0  }
0x14: {  	s2 =	sld [smem:$0x3F95];
	s0 =	simm.s32 @p1 $0x1  }
0x15: {  	[smem:$0x3FB2] =	sst s0;
	s0 =	simm.s32 @!p2 $0x0  }
0x16: {  	s3 =	sld [smem:$0x3FDB];
	s0 =	simm.s32 @p2 $0x1  }
0x17: {  	s4 =	simm.s32 $0x1BF5;
	[smem:$0x3FB4] =	sst s0  }
0x18: {  	s0 =	sld [smem:$0x3F97];
	_ =	swait.ge [sflag:s4], $0x0  }
0x19: {  	s7 =	sld [smem:$0x3F98]  }
0x1a: {  	s8 =	sadd.s32 $0xFFFFE003, lr  }
0x1b: {  	s9 =	sadd.s32 $0xFFFFFEF7, lr;
	s5 =	simm.s32 $0xFFFFFFFF;
	p2 =	slt.u32 s8, $0xFFFFF086  }
0x1c: {  	p1 =	slt.u32 s9, $0xF7A;
	s5 =	simm.s32 @!p2 $0x0  }
0x1d: {  	s5 =	simm.s32 @p1 $0x1;
	p0 =	seq.s32 s7, s2  }
0x1e: {  	s7 =	smul.u32 @!p0 $0xF7A, s2;
	p2 =	seq.s32 @!p0 s5, $0x0  }
0x1f: {  	s9 =	smul.u32 $0xF7A, s1;
	s8 =	simm.s32 @!p0 $0x1BF5;
	p2 =	por !p2, p0  }
0x20: {  	[sflag:s8] =	ssyncset.s32 @!p0 $0xFFFFF086;
	s6 =	sadd.s32 @!p0 s3, s7;
	s7 =	simm.s32 @!p0 $0x108  }
0x21: {  	s3 =	sadd.s32 s3, s9;
	s6 =	sadd.s32 @!p0 $0x88, s6;
	s7 =	simm.s32 @p2 $0x1082  }
0x22: {  	[simem:s7], [sflag:s8] =	dma.local @!p0 [hbm:s6], $0xF7A  }
0x23: {  	s9 =	sor.u32 $0xD0000000, s2;
	s6 =	simm.s32 $0x108;
	_ =	swait.ge @!p0 [sflag:s8], $0x0  }
0x24: {  	s3 =	sadd.s32 $0x88, s3;
	s6 =	simm.s32 @!p1 $0x1082;
	[sflag:s4] =	ssyncset.s32 $0xFFFFF086  }
0x25: {  	[simem:s6], [sflag:s4] =	dma.local [hbm:s3], $0xF7A  }
0x26: {  	[smem:$0x3F98] =	sst s1;
	(tag) =	ssettag s2;
	_ =	strace s9  }
0x27: {  	s1 =	sld [smem:$0x3FA8]  }
0x28: {  	s2 =	sld [smem:$0x3FA9]  }
0x29: {  	s4 =	sld [smem:$0x3FAB]  }
0x2a: {  	p0 =	seq.s32 s5, $0x0;
	s5 =	sld [smem:$0x3FAC]  }
0x2b: {  	s6 =	sld [smem:$0x3FAD]  }
0x2c: {  	s7 =	sld [smem:$0x3FAE]  }
0x2d: {  	s3 =	simm.s32 $0x108;
	s8 =	sld [smem:$0x3FAF]  }
0x2e: {  	s3 =	simm.s32 @!p0 $0x1082;
	s9 =	sld [smem:$0x3FB0]  }
0x2f: {  	lr =	sadd.s32 s0, s3;
	s0 =	sld [smem:$0x3FA7]  }
0x30: {  	s3 =	sld [smem:$0x3FAA]  }
0x31: {  	[smem:$0x3FB3] =	sst s10  }
0x32: {  	s10 =	sld [smem:$0x3FB1];
	_ =	sdelay $0x3  }
0x33: {  	p0 =	seq.s32 s10, $0x1;
	s10 =	sld [smem:$0x3FB3];
	_ =	sdelay $0x3  }
0x34: {  	[smem:$0x3FB3] =	sst s10  }
0x35: {  	s10 =	sld [smem:$0x3FB2];
	_ =	sdelay $0x3  }
0x36: {  	p1 =	seq.s32 s10, $0x1;
	s10 =	sld [smem:$0x3FB3];
	_ =	sdelay $0x3  }
0x37: {  	[smem:$0x3FB3] =	sst s10  }
0x38: {  	s10 =	sld [smem:$0x3FB4]  }
0x39: {  	_ = 	snop;
	(pc) =	sbr.ind lr, $3  }
0x3a: {  	_ = 	snop  }
0x3b: {  	_ = 	snop  }
0x3c: {  	p2 =	seq.s32 s10, $0x1;
	s10 =	sld [smem:$0x3FB3]  }
0x3d: {  	_ =	shalt  }
0x3e: {  	_ =	shalt  }
0x3f: {  	_ =	shalt  }
0x40: {  	_ =	shalt  }
0x41: {  	_ =	shalt  }
0x42: {  	_ =	shalt  }
0x43: {  	_ =	shalt  }
0x44: {  	_ =	shalt  }
0x45: {  	_ =	shalt  }
0x46: {  	_ =	shalt  }
0x47: {  	_ =	shalt  }
0x48: {  	_ =	shalt  }
0x49: {  	_ =	shalt  }
0x4a: {  	_ =	shalt  }
0x4b: {  	_ =	shalt  }
0x4c: {  	_ =	shalt  }
0x4d: {  	_ =	shalt  }
0x4e: {  	_ =	shalt  }
0x4f: {  	_ =	shalt  }
0x50: {  	_ =	shalt  }
0x51: {  	_ =	shalt  }
0x52: {  	_ =	shalt  }
0x53: {  	_ =	shalt  }
0x54: {  	_ =	shalt  }
0x55: {  	_ =	shalt  }
0x56: {  	_ =	shalt  }
0x57: {  	_ =	shalt  }
0x58: {  	_ =	shalt  }
0x59: {  	_ =	shalt  }
0x5a: {  	_ =	shalt  }
0x5b: {  	_ =	shalt  }
0x5c: {  	_ =	shalt  }
0x5d: {  	_ =	shalt  }
0x5e: {  	_ =	shalt  }
0x5f: {  	_ =	shalt  }
0x60: {  	_ =	shalt  }
0x61: {  	_ =	shalt  }
0x62: {  	_ =	shalt  }
0x63: {  	_ =	shalt  }
0x64: {  	_ =	shalt  }
0x65: {  	_ =	shalt  }
0x66: {  	_ =	shalt  }
0x67: {  	_ =	shalt  }
0x68: {  	_ =	shalt  }
0x69: {  	_ =	shalt  }
0x6a: {  	_ =	shalt  }
0x6b: {  	_ =	shalt  }
0x6c: {  	_ =	shalt  }
0x6d: {  	_ =	shalt  }
0x6e: {  	_ =	shalt  }
0x6f: {  	_ =	shalt  }
0x70: {  	_ =	shalt  }
0x71: {  	_ =	shalt  }
0x72: {  	_ =	shalt  }
0x73: {  	_ =	shalt  }
0x74: {  	_ =	shalt  }
0x75: {  	_ =	shalt  }
0x76: {  	_ =	shalt  }
0x77: {  	_ =	shalt  }
0x78: {  	_ =	shalt  }
0x79: {  	_ =	shalt  }
0x7a: {  	_ =	shalt  }
0x7b: {  	_ =	shalt  }
0x7c: {  	_ =	shalt  }
0x7d: {  	_ =	shalt  }
0x7e: {  	_ =	shalt  }
0x7f: {  	_ =	shalt  }
0x80: {  	_ =	shalt  }
0x81: {  	_ =	shalt  }
0x82: {  	_ =	shalt  }
0x83: {  	_ =	shalt  }
0x84: {  	_ =	shalt  }
0x85: {  	_ =	shalt  }
0x86: {  	_ =	shalt  }
0x87: {  	_ =	shalt  }
.Lfunc_end0:
.L_simem_size_0:
called_computation.2_lowered:
.L_overlay_start_0:
0x88: {  	s2 =	sld [smem:$0x3FD9]  }
0x89: {  	s3 =	sld [smem:$0x3FFE];
	_ =	sdelay $0x1  }
0x8a: {  	s1 =	srdreg.scid  }
0x8b: {  	s0 =	sand.u32 $0x1, s1  }
0x8c: {  	s16 =	sshll.u32 s0, $0xA;
	s2 =	sadd.s32 s3, s2  }
0x8d: {  	s2 =	sadd.s32 s2, s16  }
0x8e: {  	[smem:$0x3FBF] =	sst s2  }
0x8f: {  	_ = 	snop  }
0x90: {  	(tm) =	ssettm $0x1  }
0x91: {  	s17 =	sld [smem:$0x3FFB];
	_ =	sdelay $0x3  }
0x92: {  	_ =	strace s17  }
0x93: {  	s2 =	sld [smem:$0x3FFC];
	_ =	sdelay $0x3  }
0x94: {  	_ =	strace s2  }
0x95: {  	s2 =	sld [smem:$0x3FFD];
	_ =	sdelay $0x3  }
0x96: {  	_ =	strace s2  }
0x97: {  	_ =	strace $0x8FFFFFFF  }
0x98: {  	s18 =	sld [smem:$0x3FDB];
	_ =	sdelay $0x1  }
0x99: {  	s19 =	simm.s32 $_scs_section_size  }
0x9a: {  	s4 =	simm.s32 $_size__tile_overlayer_lowered;
	s5 =	simm.s32 $_tile_overlayer_lowered  }
0x9b: {  	s22 =	simm.s32 $0x1BFF;
	s21 =	sshll.u32 s5, $0x1;
	s2 =	sadd.s32 s19, s18  }
0x9c: {  	s6 =	simm.s32 $0x0;
	s20 =	sshll.u32 s4, $0x1;
	s4 =	sadd.s32 s21, s2  }
0x9d: {  	[timem:s6], [sflag:s22] =	dma.local [hbm:s4], s20  }
0x9e: {  	_ =	swait.ge [sflag:s22], s20  }
0x9f: {  	s3 =	ssub.s32 $0x0, s20;
	[sflag:s22] =	ssyncset.done $0x0  }
0xa0: {  	[sflag:s22] =	ssyncadd.s32 s3;
	_ =	sdelay $0x1  }
0xa1: {  	s23 =	simm.s32 $0x1B8B  }
0xa2: {  	_ =	swait.ge [sflag:s23], $0x1  }
0xa3: {  	[sflag:s23] =	ssyncset.done $0x0  }
0xa4: {  	s25 =	simm.s32 $0x1B8E;
	s24 =	sld [smem:$0x3FFE];
	[sflag:s23] =	ssyncadd.s32 $0xFFFFFFFF  }
0xa5: {  	s26 =	simm.s32 $execute0_lowered;
	[smem:$0x3FD2] =	sst s25  }
0xa6: {  	s4 =	sshll.u32 s26, $0x1;
	_ =	strace $0x8000004C;
	[dreg:$0x1] =	wrdreg $0xFFFFFFFF  }
0xa7: {  	s28 =	simm.s32 $_size_execute0_lowered;
	s2 =	sadd.s32 s2, s4;
	[dreg:$0x0] =	wrdreg $0x0  }
0xa8: {  	s4 =	sshll.u32 s28, $0x1;
	[dreg:$0x2] =	wrdreg s2  }
0xa9: {  	[dreg:$0x3] =	wrdreg s4  }
0xaa: {  	[dreg:$0x4] =	wrdreg $0xC0  }
0xab: {  	_ =	task [dreg:s6], $0x5FFFF  }
0xac: {  	[dreg:$0x1] =	wrdreg $0xFFFFFFFF  }
0xad: {  	[dreg:$0x0] =	wrdreg $0x60  }
0xae: {  	[dreg:$0x2] =	wrdreg s24  }
0xaf: {  	[dreg:$0x3] =	wrdreg $0xA8000  }
0xb0: {  	[dreg:$0x4] =	wrdreg $0x9  }
0xb1: {  	_ =	task.clear_ibuf [dreg:s6], $0x5FFFF;
	_ =	strace $0x9000004C  }
0xb2: {  	s29 =	simm.s32 $0x9;
	_ =	strace $0x8000004E  }
0xb3: {  	_ =	swait.ge [sflag:s29], $0x1  }
0xb4: {  	[sflag:s29] =	ssyncadd.s32 $0xFFFFFFFF  }
0xb5: {  	_ =	strace $0x9000004E  }
0xb6: {  	_ =	sfence  }
0xb7: {  	s30 =	sld [smem:$0x0];
	_ =	sdelay $0x2  }
0xb8: {  	s31 =	sshll.u32 s1, $0xD;
	s1 =	sshrl.u32 s1, $0x2  }
0xb9: {  	s3 =	sand.u32 $0x4000, s31;
	s1 =	sadd.s32 s1, s30  }
0xba: {  	s0 =	sor.u32 s3, s0;
	s1 =	sshll.u32 s1, $0x11  }
0xbb: {  	s0 =	sor.u32 s1, s0  }
0xbc: {  	s0 =	sadd.s32 $0x8F2B, s0  }
0xbd: {  	[sflag:s0] =	ssyncadd.remote.s32 $0x1  }
0xbe: {  	_ =	sfence.sel $0xFFFF  }
0xbf: {  	[dreg:$0x0] =	wrdreg $0xFFFFFFFF;
	(pc) =	sbr.abs _section_cstart, $3  }
0xc0: {  	[dreg:$0x1] =	wrdreg $0xFFFFFFFF  }
0xc1: {  	_ =	task.clear_ibuf [dreg:s6], $0x2FFFF;
	_ =	strace $0x9FFFFFFF  }
0xc2: {  	(tm) =	ssettm $0x7FFFFFFF  }
0xc3: {  	_ =	shalt  }
tec
execute0_lowered:
.L_overlay_start_1:
0x0: {  	(tag) =	ssettag $0x1  }
0x1: {  	s6 =	rddreg [dreg:$0x0]  }
0x2: {  	s2 =	rddreg [dreg:$0x1]  }
0x3: {  	s0 =	rddreg [dreg:$0x2]  }
0x4: {  	s4 =	srdreg.scid;
	s1 =	stileid.u32  }
0x5: {  	s3 =	simm.s32 $0x0;
	s15 =	simm.s32 $0x100;
	s16 =	simm.s32 $0x1400  }
0x6: {  	s17 =	simm.s32 $0x2800;
	s18 =	simm.s32 $0x6800;
	s19 =	simm.s32 $0x1  }
0x7: {  	s20 =	simm.s32 $0x2;
	s21 =	simm.s32 $0x2700;
	s22 =	simm.s32 $0x2780  }
0x8: {  	s7 =	sand.u32 $0x1, s4;
	s8 =	smul.u32 $0x13C00, s1;
	[smem:$0x7FF] =	sst s3  }
0x9: {  	s5 =	sadd.s32 $0x34E00, s6;
	s28 =	smul.u32 $0x4F000, s1;
	s31 =	sshll.u32 s1, $0x6  }
0xa: {  	s4 =	sshll.u32 s7, $0x4;
	s9 =	smul.u32 $0x13C000, s7;
	_ =	strace $0x8000004D  }
0xb: {  	s7 =	ssub.s32 $0x2, s7;
	s10 =	sadd.s32 s4, s6;
	s4 =	sadd.s32 $0x2E00, s6  }
0xc: {  	s11 =	sshrl.u32 s8, $0x3;
	s29 =	sshrl.u32 s7, $0x1;
	s30 =	sshrl.u32 s28, $0x2  }
0xd: {  	s8 =	sadd.s32 s8, s9;
	s11 =	sadd.s32 s11, s6;
	s13 =	ssub.s32 s7, s29  }
0xe: {  	s14 =	sadd.s32 s30, s2;
	s9 =	sadd.s32 $0x83E00, s10;
	s8 =	sshrl.u32 s8, $0x3  }
0xf: {  	s7 =	sadd.s32 $0xD600, s11;
	s11 =	smax.u32 s13, $0x1;
	s13 =	simm.s32 $0x3  }
0x10: {  	s12 =	sadd.s32 s8, s6;
	s6 =	smul.u32 $0xA0, s1;
	s8 =	sor.u32 $0x1C03, s31  }
0x11: {  	s10 =	sadd.s32 $0xABE00, s12;
	s12 =	sshrl.u32 s14, $0x3;
	s14 =	simm.s32 $0x80  }
.LBB2_1:
0x12: {  	[spmem:s12], [sflag:s8] =	dma.local [hbm:s7], $0x2780  }
0x13: {  	_ =	swait.ge [sflag:s13], $0x2780  }
0x14: {  	[sflag:s13] =	ssyncset.done $0x0  }
0x15: {  	[sflag:s13] =	ssyncadd.s32 $0xFFFFD880  }
0x16: {  	s23 =	simm.s32 $0x0;
	[bflag:$0x0] =	sbarrier.arrive $0xFFFF  }
.LBB2_2:
0x17: {  	s24 =	smul.u32 $0x28, s23;
	_ =	sdelay $0x1  }
0x18: {  	s24 =	sadd.s32 s6, s24  }
0x19: {  	s25 =	sshll.u32 s24, $0x5  }
0x1a: {  	s26 =	simm.s32 $0x0;
	s25 =	sadd.s32 s25, s9  }
0x1b: {  	[tilespmem:s26], [sflag:$0x3] =	stream.strided.gather [hbm4b:s25+s14], $0x1400, s15, s14, $0x38;
	[tilespmem:$0x1E400] =	vst v63  }
0x1c: {  	_ =	swait.ge [sflag:s13], $0x1400  }
0x1d: {  	s24 =	sshll.u32 s24, $0x4;
	[sflag:s13] =	ssyncset.done $0x0  }
0x1e: {  	s24 =	sadd.s32 s4, s24;
	[sflag:s13] =	ssyncadd.s32 $0xFFFFEC00  }
0x1f: {  	[tilespmem:s16], [sflag:$0x3] =	stream.linear.gather [hbm4b:s24+s26], $0x1400, $0x38;
	[tilespmem:$0x1E400] =	vst v63  }
0x20: {  	_ =	swait.ge [sflag:s13], $0x1400  }
0x21: {  	[sflag:s13] =	ssyncset.done $0x0  }
0x22: {  	[sflag:s13] =	ssyncadd.s32 $0xFFFFEC00  }
0x23: {  	[tilespmem:s17], [sflag:$0x1] =	stream.indirect.gather [hbm4b:s5+s14], $0x80, s26, s14, $0xb8;
	[tilespmem:$0x1E400] =	vst v63  }
0x24: {  	_ = 	snop  }
0x25: {  	[tilespmem:s18], [sflag:$0x2] =	stream.indirect.gather [hbm4b:s5+s14], $0x80, s14, s14, $0xb8;
	[tilespmem:$0x1E400] =	vst v63  }
0x26: {  	_ =	swait.ge [sflag:s19], $0x4000  }
0x27: {  	[sflag:s19] =	ssyncset.done $0x0  }
0x28: {  	s29 =	simm.s32 $0x1400;
	[sflag:s19] =	ssyncadd.s32 $0xFFFFC000  }
0x29: {  	[spmem:s2] =	stream.indirect.scatter.add.f32 [tilespmem:s17], [sflag:$0x3], $0x80, s29, s14, $0xb8;
	[tilespmem:$0x1E400] =	vst v63  }
0x2a: {  	_ =	swait.ge [sflag:s13], $0x4000  }
0x2b: {  	[sflag:s13] =	ssyncset.done $0x0  }
0x2c: {  	s30 =	simm.s32 $0x100;
	[sflag:s13] =	ssyncadd.s32 $0xFFFFC000  }
0x2d: {  	[tilespmem:s17], [sflag:$0x1] =	stream.indirect.gather [hbm4b:s5+s14], $0x80, s30, s14, $0xb8;
	[tilespmem:$0x1E400] =	vst v63  }
0x2e: {  	_ =	swait.ge [sflag:s20], $0x4000  }
0x2f: {  	[sflag:s20] =	ssyncset.done $0x0  }
0x30: {  	s31 =	simm.s32 $0x1480;
	[sflag:s20] =	ssyncadd.s32 $0xFFFFC000  }
0x31: {  	[spmem:s2] =	stream.indirect.scatter.add.f32 [tilespmem:s18], [sflag:$0x3], $0x80, s31, s14, $0xb8;
	[tilespmem:$0x1E400] =	vst v63  }
0x32: {  	_ =	swait.ge [sflag:s13], $0x4000  }
0x33: {  	[sflag:s13] =	ssyncset.done $0x0  }
0x34: {  	s25 =	simm.s32 $0x180;
	s24 =	simm.s32 $0x400;
	[sflag:s13] =	ssyncadd.s32 $0xFFFFC000  }
.LBB2_3:
0x35: {  	[tilespmem:s18], [sflag:$0x2] =	stream.indirect.gather [hbm4b:s5+s14], $0x80, s25, s14, $0xb8;
	[tilespmem:$0x1E400] =	vst v63  }
0x36: {  	s25 =	smov.u32 s24  }
0x37: {  	p0 =	sne.s32 s24, $0x4800;
	s24 =	sadd.s32 $0x400, s24;
	_ =	swait.ge [sflag:s19], $0x4000  }
0x38: {  	s25 =	sshra.s32 s25, $0x2;
	[sflag:s19] =	ssyncset.done $0x0  }
0x39: {  	s26 =	sadd.s32 $0x1400, s25;
	[sflag:s19] =	ssyncadd.s32 $0xFFFFC000  }
0x3a: {  	[spmem:s2] =	stream.indirect.scatter.add.f32 [tilespmem:s17], [sflag:$0x3], $0x80, s26, s14, $0xb8;
	[tilespmem:$0x1E400] =	vst v63  }
0x3b: {  	_ =	swait.ge [sflag:s13], $0x4000  }
0x3c: {  	[sflag:s13] =	ssyncset.done $0x0  }
0x3d: {  	s26 =	sadd.s32 $0x100, s25;
	[sflag:s13] =	ssyncadd.s32 $0xFFFFC000  }
0x3e: {  	[tilespmem:s17], [sflag:$0x1] =	stream.indirect.gather [hbm4b:s5+s14], $0x80, s26, s14, $0xb8;
	[tilespmem:$0x1E400] =	vst v63  }
0x3f: {  	_ =	swait.ge [sflag:s20], $0x4000  }
0x40: {  	[sflag:s20] =	ssyncset.done $0x0  }
.Ltmp0:
0x41: {  	s26 =	sadd.s32 $0x1480, s25;
	[sflag:s20] =	ssyncadd.s32 $0xFFFFC000;
	(pc) =	sbr.rel @p0 .LBB2_3-.Ltmp0, $4  }
0x42: {  	[spmem:s2] =	stream.indirect.scatter.add.f32 [tilespmem:s18], [sflag:$0x3], $0x80, s26, s14, $0xb8;
	[tilespmem:$0x1E400] =	vst v63  }
0x43: {  	_ =	swait.ge [sflag:s13], $0x4000  }
0x44: {  	[sflag:s13] =	ssyncset.done $0x0  }
0x45: {  	s25 =	sadd.s32 $0x180, s25;
	[sflag:s13] =	ssyncadd.s32 $0xFFFFC000  }
0x46: {  	[tilespmem:s18], [sflag:$0x2] =	stream.indirect.gather [hbm4b:s5+s14], $0x80, s25, s14, $0xb8;
	[tilespmem:$0x1E400] =	vst v63  }
0x47: {  	_ =	swait.ge [sflag:s19], $0x4000  }
0x48: {  	[sflag:s19] =	ssyncset.done $0x0  }
0x49: {  	[sflag:s19] =	ssyncadd.s32 $0xFFFFC000  }
0x4a: {  	[spmem:s2] =	stream.indirect.scatter.add.f32 [tilespmem:s17], [sflag:$0x3], $0x80, s21, s14, $0xb8;
	[tilespmem:$0x1E400] =	vst v63  }
0x4b: {  	_ =	swait.ge [sflag:s13], $0x4000  }
0x4c: {  	[sflag:s13] =	ssyncset.done $0x0  }
0x4d: {  	[sflag:s13] =	ssyncadd.s32 $0xFFFFC000  }
0x4e: {  	s23 =	sadd.s32 $0x1, s23;
	_ =	swait.ge [sflag:s20], $0x4000  }
0x4f: {  	p0 =	sne.s32 s23, $0x4;
	[sflag:s20] =	ssyncset.done $0x0  }
.Ltmp1:
0x50: {  	[sflag:s20] =	ssyncadd.s32 $0xFFFFC000;
	(pc) =	sbr.rel @p0 .LBB2_2-.Ltmp1, $4  }
0x51: {  	[spmem:s2] =	stream.indirect.scatter.add.f32 [tilespmem:s18], [sflag:$0x3], $0x80, s22, s14, $0xb8;
	[tilespmem:$0x1E400] =	vst v63  }
0x52: {  	_ =	swait.ge [sflag:s13], $0x4000  }
0x53: {  	[sflag:s13] =	ssyncset.done $0x0  }
0x54: {  	[sflag:s13] =	ssyncadd.s32 $0xFFFFC000  }
0x55: {  	s3 =	sadd.s32 $0x1, s3  }
0x56: {  	p0 =	sne.s32 s3, s11  }
.Ltmp2:
0x57: {  	[bflag:$0x0] =	sbarrier.arrive $0xFFFF;
	(pc) =	sbr.rel @p0 .LBB2_1-.Ltmp2, $4  }
0x58: {  	[hbm:s10], [sflag:s8] =	dma.local [spmem:s12], $0x2780  }
0x59: {  	_ =	swait.ge [sflag:s13], $0x2780  }
0x5a: {  	[sflag:s13] =	ssyncset.done $0x0  }
0x5b: {  	[sflag:s13] =	ssyncadd.s32 $0xFFFFD880  }
0x5c: {  	_ =	sfence.sel $0x180000  }
0x5d: {  	[bflag:$0x0] =	sbarrier.arrive $0xFFFF  }
0x5e: {  	p0 =	sne.s32 s1, $0x0;
	_ =	strace $0x9000004D  }
0x5f: {  	s0 =	sadd.s32 @!p0 $0x100000, s0;
	[bflag:$0x2] =	sbarrier.arrive $0xFFFF  }
0x60: {  	[sflag:s0] =	ssyncadd.tile.s32 @!p0 $0x1;
	_ =	shalt  }
.Lfunc_end2:
_tile_overlayer_lowered:
.L_overlay_start_2:
0x61: {  	(tag) =	ssettag $0x2  }
0x62: {  	s0 =	rddreg [dreg:$0x0];
	s2 =	stileid.u32  }
0x63: {  	s1 =	rddreg [dreg:$0x1];
	p0 =	sne.s32 s2, $0x0  }
0x64: {  	s3 =	rddreg [dreg:$0x2];
	[bflag:$0x3] =	sbarrier.arrive $0xFFFF;
	s2 =	simm.s32 @!p0 $0x1C03  }
0x65: {  	[timem:s3], [sflag:s2] =	dma.local @!p0 [hbm:s0], s1  }
0x66: {  	s0 =	simm.s32 @!p0 $0x3  }
0x67: {  	_ =	swait.ge @!p0 [sflag:s0], s1  }
0x68: {  	s1 =	ssub.s32 @!p0 $0x0, s1;
	[sflag:s0] =	ssyncset.done @!p0 $0x0  }
0x69: {  	[sflag:s0] =	ssyncadd.s32 @!p0 s1  }
0x6a: {  	[bflag:$0x3] =	sbarrier.arrive $0xFFFF  }
0x6b: {  	_ =	shalt  }

// kernel: kernel.19.cloned.1.call-start
scs
__scs_entry_jumppad:
0x0: {  	(pc) =	sbr.rel $0x88, $3  }
0x1: {  	(tag) =	ssettag $0x0;
	lr =	simm.s32 $0x1  }
0x2: {  	[smem:$0x3F98] =	sst lr;
	_ =	strace $0xD0000000  }
0x3: {  	_ = 	snop  }
0x4: {  	_ = 	snop  }
0x5: {  	_ = 	snop  }
0x6: {  	_ = 	snop  }
0x7: {  	_ = 	snop  }
__scs_overlays_trampoline_lowered:
0x8: {  	[smem:$0x3FA7] =	sst s0  }
0x9: {  	[smem:$0x3FA8] =	sst s1  }
0xa: {  	[smem:$0x3FA9] =	sst s2  }
0xb: {  	[smem:$0x3FAA] =	sst s3  }
0xc: {  	[smem:$0x3FAB] =	sst s4  }
0xd: {  	[smem:$0x3FAC] =	sst s5  }
0xe: {  	[smem:$0x3FAD] =	sst s6  }
0xf: {  	[smem:$0x3FAE] =	sst s7  }
0x10: {  	[smem:$0x3FAF] =	sst s8  }
0x11: {  	[smem:$0x3FB0] =	sst s9;
	s0 =	simm.s32 @!p0 $0x0  }
0x12: {  	s1 =	sld [smem:$0x3F96];
	s0 =	simm.s32 @p0 $0x1  }
0x13: {  	[smem:$0x3FB1] =	sst s0;
	s0 =	simm.s32 @!p1 $0x0  }
0x14: {  	s2 =	sld [smem:$0x3F95];
	s0 =	simm.s32 @p1 $0x1  }
0x15: {  	[smem:$0x3FB2] =	sst s0;
	s0 =	simm.s32 @!p2 $0x0  }
0x16: {  	s3 =	sld [smem:$0x3FDB];
	s0 =	simm.s32 @p2 $0x1  }
0x17: {  	s4 =	simm.s32 $0x1BF5;
	[smem:$0x3FB4] =	sst s0  }
0x18: {  	s0 =	sld [smem:$0x3F97];
	_ =	swait.ge [sflag:s4], $0x0  }
0x19: {  	s7 =	sld [smem:$0x3F98]  }
0x1a: {  	s8 =	sadd.s32 $0xFFFFE003, lr  }
0x1b: {  	s9 =	sadd.s32 $0xFFFFFEF7, lr;
	s5 =	simm.s32 $0xFFFFFFFF;
	p2 =	slt.u32 s8, $0xFFFFF086  }
0x1c: {  	p1 =	slt.u32 s9, $0xF7A;
	s5 =	simm.s32 @!p2 $0x0  }
0x1d: {  	s5 =	simm.s32 @p1 $0x1;
	p0 =	seq.s32 s7, s2  }
0x1e: {  	s7 =	smul.u32 @!p0 $0xF7A, s2;
	p2 =	seq.s32 @!p0 s5, $0x0  }
0x1f: {  	s9 =	smul.u32 $0xF7A, s1;
	s8 =	simm.s32 @!p0 $0x1BF5;
	p2 =	por !p2, p0  }
0x20: {  	[sflag:s8] =	ssyncset.s32 @!p0 $0xFFFFF086;
	s6 =	sadd.s32 @!p0 s3, s7;
	s7 =	simm.s32 @!p0 $0x108  }
0x21: {  	s3 =	sadd.s32 s3, s9;
	s6 =	sadd.s32 @!p0 $0x88, s6;
	s7 =	simm.s32 @p2 $0x1082  }
0x22: {  	[simem:s7], [sflag:s8] =	dma.local @!p0 [hbm:s6], $0xF7A  }
0x23: {  	s9 =	sor.u32 $0xD0000000, s2;
	s6 =	simm.s32 $0x108;
	_ =	swait.ge @!p0 [sflag:s8], $0x0  }
0x24: {  	s3 =	sadd.s32 $0x88, s3;
	s6 =	simm.s32 @!p1 $0x1082;
	[sflag:s4] =	ssyncset.s32 $0xFFFFF086  }
0x25: {  	[simem:s6], [sflag:s4] =	dma.local [hbm:s3], $0xF7A  }
0x26: {  	[smem:$0x3F98] =	sst s1;
	(tag) =	ssettag s2;
	_ =	strace s9  }
0x27: {  	s1 =	sld [smem:$0x3FA8]  }
0x28: {  	s2 =	sld [smem:$0x3FA9]  }
0x29: {  	s4 =	sld [smem:$0x3FAB]  }
0x2a: {  	p0 =	seq.s32 s5, $0x0;
	s5 =	sld [smem:$0x3FAC]  }
0x2b: {  	s6 =	sld [smem:$0x3FAD]  }
0x2c: {  	s7 =	sld [smem:$0x3FAE]  }
0x2d: {  	s3 =	simm.s32 $0x108;
	s8 =	sld [smem:$0x3FAF]  }
0x2e: {  	s3 =	simm.s32 @!p0 $0x1082;
	s9 =	sld [smem:$0x3FB0]  }
0x2f: {  	lr =	sadd.s32 s0, s3;
	s0 =	sld [smem:$0x3FA7]  }
0x30: {  	s3 =	sld [smem:$0x3FAA]  }
0x31: {  	[smem:$0x3FB3] =	sst s10  }
0x32: {  	s10 =	sld [smem:$0x3FB1];
	_ =	sdelay $0x3  }
0x33: {  	p0 =	seq.s32 s10, $0x1;
	s10 =	sld [smem:$0x3FB3];
	_ =	sdelay $0x3  }
0x34: {  	[smem:$0x3FB3] =	sst s10  }
0x35: {  	s10 =	sld [smem:$0x3FB2];
	_ =	sdelay $0x3  }
0x36: {  	p1 =	seq.s32 s10, $0x1;
	s10 =	sld [smem:$0x3FB3];
	_ =	sdelay $0x3  }
0x37: {  	[smem:$0x3FB3] =	sst s10  }
0x38: {  	s10 =	sld [smem:$0x3FB4]  }
0x39: {  	_ = 	snop;
	(pc) =	sbr.ind lr, $3  }
0x3a: {  	_ = 	snop  }
0x3b: {  	_ = 	snop  }
0x3c: {  	p2 =	seq.s32 s10, $0x1;
	s10 =	sld [smem:$0x3FB3]  }
0x3d: {  	_ =	shalt  }
0x3e: {  	_ =	shalt  }
0x3f: {  	_ =	shalt  }
0x40: {  	_ =	shalt  }
0x41: {  	_ =	shalt  }
0x42: {  	_ =	shalt  }
0x43: {  	_ =	shalt  }
0x44: {  	_ =	shalt  }
0x45: {  	_ =	shalt  }
0x46: {  	_ =	shalt  }
0x47: {  	_ =	shalt  }
0x48: {  	_ =	shalt  }
0x49: {  	_ =	shalt  }
0x4a: {  	_ =	shalt  }
0x4b: {  	_ =	shalt  }
0x4c: {  	_ =	shalt  }
0x4d: {  	_ =	shalt  }
0x4e: {  	_ =	shalt  }
0x4f: {  	_ =	shalt  }
0x50: {  	_ =	shalt  }
0x51: {  	_ =	shalt  }
0x52: {  	_ =	shalt  }
0x53: {  	_ =	shalt  }
0x54: {  	_ =	shalt  }
0x55: {  	_ =	shalt  }
0x56: {  	_ =	shalt  }
0x57: {  	_ =	shalt  }
0x58: {  	_ =	shalt  }
0x59: {  	_ =	shalt  }
0x5a: {  	_ =	shalt  }
0x5b: {  	_ =	shalt  }
0x5c: {  	_ =	shalt  }
0x5d: {  	_ =	shalt  }
0x5e: {  	_ =	shalt  }
0x5f: {  	_ =	shalt  }
0x60: {  	_ =	shalt  }
0x61: {  	_ =	shalt  }
0x62: {  	_ =	shalt  }
0x63: {  	_ =	shalt  }
0x64: {  	_ =	shalt  }
0x65: {  	_ =	shalt  }
0x66: {  	_ =	shalt  }
0x67: {  	_ =	shalt  }
0x68: {  	_ =	shalt  }
0x69: {  	_ =	shalt  }
0x6a: {  	_ =	shalt  }
0x6b: {  	_ =	shalt  }
0x6c: {  	_ =	shalt  }
0x6d: {  	_ =	shalt  }
0x6e: {  	_ =	shalt  }
0x6f: {  	_ =	shalt  }
0x70: {  	_ =	shalt  }
0x71: {  	_ =	shalt  }
0x72: {  	_ =	shalt  }
0x73: {  	_ =	shalt  }
0x74: {  	_ =	shalt  }
0x75: {  	_ =	shalt  }
0x76: {  	_ =	shalt  }
0x77: {  	_ =	shalt  }
0x78: {  	_ =	shalt  }
0x79: {  	_ =	shalt  }
0x7a: {  	_ =	shalt  }
0x7b: {  	_ =	shalt  }
0x7c: {  	_ =	shalt  }
0x7d: {  	_ =	shalt  }
0x7e: {  	_ =	shalt  }
0x7f: {  	_ =	shalt  }
0x80: {  	_ =	shalt  }
0x81: {  	_ =	shalt  }
0x82: {  	_ =	shalt  }
0x83: {  	_ =	shalt  }
0x84: {  	_ =	shalt  }
0x85: {  	_ =	shalt  }
0x86: {  	_ =	shalt  }
0x87: {  	_ =	shalt  }
.Lfunc_end0:
.L_simem_size_0:
called_computation.3_lowered:
.L_overlay_start_0:
0x88: {  	s2 =	sld [smem:$0x3FD9]  }
0x89: {  	s3 =	sld [smem:$0x3FFE];
	_ =	sdelay $0x1  }
0x8a: {  	s1 =	srdreg.scid  }
0x8b: {  	s0 =	sand.u32 $0x1, s1  }
0x8c: {  	s16 =	sshll.u32 s0, $0xA;
	s2 =	sadd.s32 s3, s2  }
0x8d: {  	s2 =	sadd.s32 s2, s16  }
0x8e: {  	[smem:$0x3FBF] =	sst s2  }
0x8f: {  	_ = 	snop  }
0x90: {  	(tm) =	ssettm $0x1  }
0x91: {  	s17 =	sld [smem:$0x3FFB];
	_ =	sdelay $0x3  }
0x92: {  	_ =	strace s17  }
0x93: {  	s2 =	sld [smem:$0x3FFC];
	_ =	sdelay $0x3  }
0x94: {  	_ =	strace s2  }
0x95: {  	s2 =	sld [smem:$0x3FFD];
	_ =	sdelay $0x3  }
0x96: {  	_ =	strace s2  }
0x97: {  	_ =	strace $0x8FFFFFFF  }
0x98: {  	s18 =	sld [smem:$0x3FDB];
	_ =	sdelay $0x1  }
0x99: {  	s19 =	simm.s32 $_scs_section_size  }
0x9a: {  	s4 =	simm.s32 $_size__tile_overlayer_lowered;
	s5 =	simm.s32 $_tile_overlayer_lowered  }
0x9b: {  	s22 =	simm.s32 $0x1BFF;
	s21 =	sshll.u32 s5, $0x1;
	s2 =	sadd.s32 s19, s18  }
0x9c: {  	s6 =	simm.s32 $0x0;
	s20 =	sshll.u32 s4, $0x1;
	s4 =	sadd.s32 s21, s2  }
0x9d: {  	[timem:s6], [sflag:s22] =	dma.local [hbm:s4], s20  }
0x9e: {  	_ =	swait.ge [sflag:s22], s20  }
0x9f: {  	s3 =	ssub.s32 $0x0, s20;
	[sflag:s22] =	ssyncset.done $0x0  }
0xa0: {  	[sflag:s22] =	ssyncadd.s32 s3;
	_ =	sdelay $0x1  }
0xa1: {  	s23 =	simm.s32 $0x1B8B  }
0xa2: {  	_ =	swait.ge [sflag:s23], $0x1  }
0xa3: {  	[sflag:s23] =	ssyncset.done $0x0  }
0xa4: {  	s25 =	simm.s32 $0x1B8E;
	s24 =	sld [smem:$0x3FFE];
	[sflag:s23] =	ssyncadd.s32 $0xFFFFFFFF  }
0xa5: {  	s26 =	simm.s32 $execute0_lowered;
	[smem:$0x3FD2] =	sst s25  }
0xa6: {  	s4 =	sshll.u32 s26, $0x1;
	_ =	strace $0x8000004F;
	[dreg:$0x1] =	wrdreg $0xFFFFFFFF  }
0xa7: {  	s28 =	simm.s32 $_size_execute0_lowered;
	s2 =	sadd.s32 s2, s4;
	[dreg:$0x0] =	wrdreg $0x0  }
0xa8: {  	s4 =	sshll.u32 s28, $0x1;
	[dreg:$0x2] =	wrdreg s2  }
0xa9: {  	[dreg:$0x3] =	wrdreg s4  }
0xaa: {  	[dreg:$0x4] =	wrdreg $0xC0  }
0xab: {  	_ =	task [dreg:s6], $0x5FFFF  }
0xac: {  	[dreg:$0x1] =	wrdreg $0xFFFFFFFF  }
0xad: {  	[dreg:$0x0] =	wrdreg $0x60  }
0xae: {  	[dreg:$0x2] =	wrdreg s24  }
0xaf: {  	[dreg:$0x3] =	wrdreg $0x84000  }
0xb0: {  	[dreg:$0x4] =	wrdreg $0x9  }
0xb1: {  	_ =	task.clear_ibuf [dreg:s6], $0x5FFFF;
	_ =	strace $0x9000004F  }
0xb2: {  	s29 =	simm.s32 $0x9;
	_ =	strace $0x80000051  }
0xb3: {  	_ =	swait.ge [sflag:s29], $0x1  }
0xb4: {  	[sflag:s29] =	ssyncadd.s32 $0xFFFFFFFF  }
0xb5: {  	_ =	strace $0x90000051  }
0xb6: {  	_ =	sfence  }
0xb7: {  	s30 =	sld [smem:$0x0];
	_ =	sdelay $0x2  }
0xb8: {  	s31 =	sshll.u32 s1, $0xD;
	s1 =	sshrl.u32 s1, $0x2  }
0xb9: {  	s3 =	sand.u32 $0x4000, s31;
	s1 =	sadd.s32 s1, s30  }
0xba: {  	s0 =	sor.u32 s3, s0;
	s1 =	sshll.u32 s1, $0x11  }
0xbb: {  	s0 =	sor.u32 s1, s0  }
0xbc: {  	s0 =	sadd.s32 $0x8F2B, s0  }
0xbd: {  	[sflag:s0] =	ssyncadd.remote.s32 $0x1  }
0xbe: {  	_ =	sfence.sel $0xFFFF  }
0xbf: {  	[dreg:$0x0] =	wrdreg $0xFFFFFFFF;
	(pc) =	sbr.abs _section_cstart, $3  }
0xc0: {  	[dreg:$0x1] =	wrdreg $0xFFFFFFFF  }
0xc1: {  	_ =	task.clear_ibuf [dreg:s6], $0x2FFFF;
	_ =	strace $0x9FFFFFFF  }
0xc2: {  	(tm) =	ssettm $0x7FFFFFFF  }
0xc3: {  	_ =	shalt  }
tec
execute0_lowered:
.L_overlay_start_1:
0x0: {  	(tag) =	ssettag $0x1  }
0x1: {  	s5 =	rddreg [dreg:$0x0];
	s1 =	srdreg.scid  }
0x2: {  	s0 =	stileid.u32;
	s2 =	rddreg [dreg:$0x1]  }
0x3: {  	s15 =	simm.s32 $0x100;
	s16 =	simm.s32 $0x200;
	s17 =	simm.s32 $0x400  }
0x4: {  	s18 =	simm.s32 $0x4400;
	s19 =	simm.s32 $0x1;
	s20 =	simm.s32 $0x2  }
0x5: {  	s21 =	simm.s32 $0x280;
	s22 =	simm.s32 $0x180;
	s23 =	simm.s32 $0x300  }
0x6: {  	s24 =	simm.s32 $0x380;
	s6 =	sand.u32 $0x1, s1;
	s3 =	smul.u32 $0x98, s0  }
0x7: {  	s25 =	sshll.u32 s0, $0x3;
	s1 =	rddreg [dreg:$0x2];
	s26 =	smul.u32 $0x13C00, s0  }
0x8: {  	s29 =	smul.u32 $0x4F000, s0;
	s31 =	sshll.u32 s0, $0x6;
	p0 =	seq.s32 s6, $0x0  }
0x9: {  	s4 =	sor.u32 $0x980, s25;
	s7 =	sshll.u32 s6, $0x7;
	s28 =	smul.u32 $0x13C000, s6  }
0xa: {  	s6 =	ssub.s32 $0x2, s6;
	s25 =	simm.s32 $0x0;
	s4 =	smov.u32 @p0 s3  }
0xb: {  	s3 =	simm.s32 $0x0;
	s9 =	sshrl.u32 s26, $0x3;
	s12 =	sshrl.u32 s6, $0x1  }
0xc: {  	s30 =	sshrl.u32 s29, $0x2;
	s8 =	sshll.u32 s4, $0x8;
	[smem:$0x7FF] =	sst s3  }
0xd: {  	s4 =	sshll.u32 s4, $0x4;
	s9 =	sadd.s32 s9, s5;
	s12 =	ssub.s32 s6, s12  }
0xe: {  	s14 =	sadd.s32 s30, s2;
	s7 =	sor.u32 s7, s8;
	_ =	strace $0x80000050  }
0xf: {  	s11 =	sadd.s32 s4, s5;
	s4 =	sadd.s32 $0x34E00, s5;
	s6 =	sadd.s32 $0xD600, s9  }
0x10: {  	s9 =	smax.u32 s12, $0x1;
	s12 =	sshrl.u32 s14, $0x3;
	s7 =	sshrl.u32 s7, $0x3  }
0x11: {  	s14 =	simm.s32 $0x80;
	s10 =	sadd.s32 s7, s5;
	s7 =	sadd.s32 s26, s28  }
0x12: {  	s11 =	sadd.s32 $0x2E00, s11;
	s7 =	sshrl.u32 s7, $0x3;
	s10 =	sadd.s32 $0x97E00, s10  }
0x13: {  	s13 =	sadd.s32 s7, s5;
	s5 =	simm.s32 $0x26;
	s7 =	sor.u32 $0x1C03, s31  }
0x14: {  	s5 =	simm.s32 @!p0 $0x2;
	s8 =	sadd.s32 $0xABE00, s13;
	s13 =	simm.s32 $0x3  }
.LBB2_1:
0x15: {  	[spmem:s12], [sflag:s7] =	dma.local [hbm:s6], $0x2780  }
0x16: {  	_ =	swait.ge [sflag:s13], $0x2780  }
0x17: {  	[sflag:s13] =	ssyncset.done $0x0  }
0x18: {  	[sflag:s13] =	ssyncadd.s32 $0xFFFFD880  }
0x19: {  	[bflag:$0x0] =	sbarrier.arrive $0xFFFF  }
0x1a: {  	[tilespmem:s3], [sflag:$0x3] =	stream.strided.gather [hbm4b:s10+s14], $0x200, s15, s14, $0x38;
	[tilespmem:$0x1C000] =	vst v63  }
0x1b: {  	_ =	swait.ge [sflag:s13], $0x200  }
0x1c: {  	[sflag:s13] =	ssyncset.done $0x0  }
0x1d: {  	[sflag:s13] =	ssyncadd.s32 $0xFFFFFE00  }
0x1e: {  	[tilespmem:s16], [sflag:$0x3] =	stream.linear.gather [hbm4b:s11+s3], $0x200, $0x38;
	[tilespmem:$0x1C000] =	vst v63  }
0x1f: {  	_ =	swait.ge [sflag:s13], $0x200  }
0x20: {  	[sflag:s13] =	ssyncset.done $0x0  }
0x21: {  	[sflag:s13] =	ssyncadd.s32 $0xFFFFFE00  }
0x22: {  	[tilespmem:s17], [sflag:$0x1] =	stream.indirect.gather [hbm4b:s4+s14], $0x80, s3, s14, $0xb8;
	[tilespmem:$0x1C000] =	vst v63  }
0x23: {  	_ = 	snop  }
0x24: {  	[tilespmem:s18], [sflag:$0x2] =	stream.indirect.gather [hbm4b:s4+s14], $0x80, s14, s14, $0xb8;
	[tilespmem:$0x1C000] =	vst v63  }
0x25: {  	_ =	swait.ge [sflag:s19], $0x4000  }
0x26: {  	[sflag:s19] =	ssyncset.done $0x0  }
0x27: {  	[sflag:s19] =	ssyncadd.s32 $0xFFFFC000  }
0x28: {  	[spmem:s2] =	stream.indirect.scatter.add.f32 [tilespmem:s17], [sflag:$0x3], $0x80, s16, s14, $0xb8;
	[tilespmem:$0x1C000] =	vst v63  }
0x29: {  	_ =	swait.ge [sflag:s13], $0x4000  }
0x2a: {  	[sflag:s13] =	ssyncset.done $0x0  }
0x2b: {  	[sflag:s13] =	ssyncadd.s32 $0xFFFFC000  }
0x2c: {  	[tilespmem:s17], [sflag:$0x1] =	stream.indirect.gather [hbm4b:s4+s14], $0x80, s15, s14, $0xb8;
	[tilespmem:$0x1C000] =	vst v63  }
0x2d: {  	_ =	swait.ge [sflag:s20], $0x4000  }
0x2e: {  	[sflag:s20] =	ssyncset.done $0x0  }
0x2f: {  	[sflag:s20] =	ssyncadd.s32 $0xFFFFC000  }
0x30: {  	[spmem:s2] =	stream.indirect.scatter.add.f32 [tilespmem:s18], [sflag:$0x3], $0x80, s21, s14, $0xb8;
	[tilespmem:$0x1C000] =	vst v63  }
0x31: {  	_ =	swait.ge [sflag:s13], $0x4000  }
0x32: {  	[sflag:s13] =	ssyncset.done $0x0  }
0x33: {  	[sflag:s13] =	ssyncadd.s32 $0xFFFFC000  }
0x34: {  	[tilespmem:s18], [sflag:$0x2] =	stream.indirect.gather [hbm4b:s4+s14], $0x80, s22, s14, $0xb8;
	[tilespmem:$0x1C000] =	vst v63  }
0x35: {  	_ =	swait.ge [sflag:s19], $0x4000  }
0x36: {  	[sflag:s19] =	ssyncset.done $0x0  }
0x37: {  	[sflag:s19] =	ssyncadd.s32 $0xFFFFC000  }
0x38: {  	[spmem:s2] =	stream.indirect.scatter.add.f32 [tilespmem:s17], [sflag:$0x3], $0x80, s23, s14, $0xb8;
	[tilespmem:$0x1C000] =	vst v63  }
0x39: {  	_ =	swait.ge [sflag:s13], $0x4000  }
0x3a: {  	[sflag:s13] =	ssyncset.done $0x0  }
0x3b: {  	[sflag:s13] =	ssyncadd.s32 $0xFFFFC000  }
0x3c: {  	p0 =	sne.s32 s5, $0x1;
	_ =	swait.ge [sflag:s20], $0x4000  }
.Ltmp0:
0x3d: {  	[sflag:s20] =	ssyncset.done $0x0;
	(pc) =	sbr.rel @!p0 .LBB2_3-.Ltmp0, $4  }
0x3e: {  	[sflag:s20] =	ssyncadd.s32 $0xFFFFC000  }
0x3f: {  	[spmem:s2] =	stream.indirect.scatter.add.f32 [tilespmem:s18], [sflag:$0x3], $0x80, s24, s14, $0xb8;
	[tilespmem:$0x1C000] =	vst v63  }
0x40: {  	s26 =	sadd.s32 $0xFFFFFFFF, s5;
	_ =	swait.ge [sflag:s13], $0x4000  }
0x41: {  	s28 =	smov.u32 s10;
	s29 =	smov.u32 s11;
	[sflag:s13] =	ssyncset.done $0x0  }
.LBB2_2:
0x42: {  	[sflag:s13] =	ssyncadd.s32 $0xFFFFC000;
	s28 =	sadd.s32 $0x80, s28;
	s29 =	sadd.s32 $0x40, s29  }
0x43: {  	[tilespmem:s3], [sflag:$0x3] =	stream.strided.gather [hbm4b:s28+s14], $0x200, s15, s14, $0x38;
	[tilespmem:$0x1C000] =	vst v63  }
0x44: {  	p0 =	sne.s32 s26, $0x1;
	s26 =	sadd.s32 $0xFFFFFFFF, s26;
	_ =	swait.ge [sflag:s13], $0x200  }
0x45: {  	[sflag:s13] =	ssyncset.done $0x0  }
0x46: {  	[sflag:s13] =	ssyncadd.s32 $0xFFFFFE00  }
0x47: {  	[tilespmem:s16], [sflag:$0x3] =	stream.linear.gather [hbm4b:s29+s3], $0x200, $0x38;
	[tilespmem:$0x1C000] =	vst v63  }
0x48: {  	_ =	swait.ge [sflag:s13], $0x200  }
0x49: {  	[sflag:s13] =	ssyncset.done $0x0  }
0x4a: {  	[sflag:s13] =	ssyncadd.s32 $0xFFFFFE00  }
0x4b: {  	[tilespmem:s17], [sflag:$0x1] =	stream.indirect.gather [hbm4b:s4+s14], $0x80, s3, s14, $0xb8;
	[tilespmem:$0x1C000] =	vst v63  }
0x4c: {  	_ = 	snop  }
0x4d: {  	[tilespmem:s18], [sflag:$0x2] =	stream.indirect.gather [hbm4b:s4+s14], $0x80, s14, s14, $0xb8;
	[tilespmem:$0x1C000] =	vst v63  }
0x4e: {  	_ =	swait.ge [sflag:s19], $0x4000  }
0x4f: {  	[sflag:s19] =	ssyncset.done $0x0  }
0x50: {  	[sflag:s19] =	ssyncadd.s32 $0xFFFFC000  }
0x51: {  	[spmem:s2] =	stream.indirect.scatter.add.f32 [tilespmem:s17], [sflag:$0x3], $0x80, s16, s14, $0xb8;
	[tilespmem:$0x1C000] =	vst v63  }
0x52: {  	_ =	swait.ge [sflag:s13], $0x4000  }
0x53: {  	[sflag:s13] =	ssyncset.done $0x0  }
0x54: {  	[sflag:s13] =	ssyncadd.s32 $0xFFFFC000  }
0x55: {  	[tilespmem:s17], [sflag:$0x1] =	stream.indirect.gather [hbm4b:s4+s14], $0x80, s15, s14, $0xb8;
	[tilespmem:$0x1C000] =	vst v63  }
0x56: {  	_ =	swait.ge [sflag:s20], $0x4000  }
0x57: {  	[sflag:s20] =	ssyncset.done $0x0  }
0x58: {  	[sflag:s20] =	ssyncadd.s32 $0xFFFFC000  }
0x59: {  	[spmem:s2] =	stream.indirect.scatter.add.f32 [tilespmem:s18], [sflag:$0x3], $0x80, s21, s14, $0xb8;
	[tilespmem:$0x1C000] =	vst v63  }
0x5a: {  	_ =	swait.ge [sflag:s13], $0x4000  }
0x5b: {  	[sflag:s13] =	ssyncset.done $0x0  }
0x5c: {  	[sflag:s13] =	ssyncadd.s32 $0xFFFFC000  }
0x5d: {  	[tilespmem:s18], [sflag:$0x2] =	stream.indirect.gather [hbm4b:s4+s14], $0x80, s22, s14, $0xb8;
	[tilespmem:$0x1C000] =	vst v63  }
0x5e: {  	_ =	swait.ge [sflag:s19], $0x4000  }
0x5f: {  	[sflag:s19] =	ssyncset.done $0x0  }
0x60: {  	[sflag:s19] =	ssyncadd.s32 $0xFFFFC000  }
0x61: {  	[spmem:s2] =	stream.indirect.scatter.add.f32 [tilespmem:s17], [sflag:$0x3], $0x80, s23, s14, $0xb8;
	[tilespmem:$0x1C000] =	vst v63  }
0x62: {  	_ =	swait.ge [sflag:s13], $0x4000  }
0x63: {  	[sflag:s13] =	ssyncset.done $0x0  }
0x64: {  	[sflag:s13] =	ssyncadd.s32 $0xFFFFC000  }
0x65: {  	_ =	swait.ge [sflag:s20], $0x4000  }
.Ltmp1:
0x66: {  	[sflag:s20] =	ssyncset.done $0x0;
	(pc) =	sbr.rel @p0 .LBB2_2-.Ltmp1, $4  }
0x67: {  	[sflag:s20] =	ssyncadd.s32 $0xFFFFC000  }
0x68: {  	[spmem:s2] =	stream.indirect.scatter.add.f32 [tilespmem:s18], [sflag:$0x3], $0x80, s24, s14, $0xb8;
	[tilespmem:$0x1C000] =	vst v63  }
0x69: {  	_ =	swait.ge [sflag:s13], $0x4000  }
0x6a: {  	[sflag:s13] =	ssyncset.done $0x0  }
.LBB2_3:
0x6b: {  	s25 =	sadd.s32 $0x1, s25  }
0x6c: {  	[sflag:s13] =	ssyncadd.s32 $0xFFFFC000;
	p0 =	sne.s32 s25, s9  }
.Ltmp2:
0x6d: {  	[bflag:$0x0] =	sbarrier.arrive $0xFFFF;
	(pc) =	sbr.rel @p0 .LBB2_1-.Ltmp2, $4  }
0x6e: {  	[hbm:s8], [sflag:s7] =	dma.local [spmem:s12], $0x2780  }
0x6f: {  	_ =	swait.ge [sflag:s13], $0x2780  }
0x70: {  	[sflag:s13] =	ssyncset.done $0x0  }
0x71: {  	[sflag:s13] =	ssyncadd.s32 $0xFFFFD880  }
0x72: {  	_ =	sfence.sel $0x180000  }
0x73: {  	[bflag:$0x0] =	sbarrier.arrive $0xFFFF  }
0x74: {  	p0 =	sne.s32 s0, $0x0;
	_ =	strace $0x90000050  }
0x75: {  	s0 =	sadd.s32 @!p0 $0x100000, s1;
	[bflag:$0x2] =	sbarrier.arrive $0xFFFF  }
0x76: {  	[sflag:s0] =	ssyncadd.tile.s32 @!p0 $0x1;
	_ =	shalt  }
.Lfunc_end2:
_tile_overlayer_lowered:
.L_overlay_start_2:
0x77: {  	(tag) =	ssettag $0x2  }
0x78: {  	s0 =	rddreg [dreg:$0x0];
	s2 =	stileid.u32  }
0x79: {  	s1 =	rddreg [dreg:$0x1];
	p0 =	sne.s32 s2, $0x0  }
0x7a: {  	s3 =	rddreg [dreg:$0x2];
	[bflag:$0x3] =	sbarrier.arrive $0xFFFF;
	s2 =	simm.s32 @!p0 $0x1C03  }
0x7b: {  	[timem:s3], [sflag:s2] =	dma.local @!p0 [hbm:s0], s1  }
0x7c: {  	s0 =	simm.s32 @!p0 $0x3  }
0x7d: {  	_ =	swait.ge @!p0 [sflag:s0], s1  }
0x7e: {  	s1 =	ssub.s32 @!p0 $0x0, s1;
	[sflag:s0] =	ssyncset.done @!p0 $0x0  }
0x7f: {  	[sflag:s0] =	ssyncadd.s32 @!p0 s1  }
0x80: {  	[bflag:$0x3] =	sbarrier.arrive $0xFFFF  }
0x81: {  	_ =	shalt  }

</sc_bundles>
